<compile_context>
chip_gen: v7x
topology: tpu7x:2x2x1
jax: 0.10.2.dev20260603
libtpu: 0.0.44.dev20260713+nightly
codegen_flags: <defaults>
</compile_context>

<pallas_src>
import jax
import jax.numpy as jnp
from jax import lax
from jax.experimental import pallas as pl
from jax.experimental.pallas import tpu as pltpu
from jax.experimental.pallas import tpu_sc as plsc

NUM_LEVELS = 256
LANES = 16
NUM_CORES = 2
NUM_SUBCORES = 16
NUM_WORKERS = NUM_CORES * NUM_SUBCORES


def _sc_hist_body(data_hbm, out_hbm, rows_v, hist_v, cnt_v, sem0, sem1):
    n_rows, width = data_hbm.shape
    rows_per_w = n_rows // NUM_WORKERS
    half = rows_per_w // 2
    chunks = width // LANES

    wid = lax.axis_index("s") * NUM_CORES + lax.axis_index("c")
    base = wid * rows_per_w
    copy0 = pltpu.async_copy(
        data_hbm.at[pl.ds(base, half)], rows_v.at[pl.ds(0, half)], sem0)
    copy1 = pltpu.async_copy(
        data_hbm.at[pl.ds(base + half, half)],
        rows_v.at[pl.ds(half, half)], sem1)

    zeros = jnp.zeros((LANES,), jnp.float32)

    @plsc.parallel_loop(0, NUM_LEVELS // LANES, unroll=8)
    def _(k):
        hist_v[pl.ds(k * LANES, LANES)] = zeros

    copy0.wait()
    for r in range(rows_per_w):
        if r == half:
            copy1.wait()
        @plsc.parallel_loop(1, chunks, unroll=8,
                            carry=rows_v[r, pl.ds(0, LANES)])
        def acc(i, a):
            return jnp.maximum(a, rows_v[r, pl.ds(i * LANES, LANES)])
        mx = jnp.max(acc)

        @plsc.parallel_loop(0, chunks, unroll=8)
        def _(i):
            x = rows_v[r, pl.ds(i * LANES, LANES)]
            y = x / mx * 255.0
            t = plsc.bitcast(y + 8388608.0, jnp.int32)
            ix = t - 0x4B000000
            ix = jnp.minimum(jnp.maximum(ix, 0), NUM_LEVELS - 1)
            cnt, last = plsc.scan_count(ix)
            plsc.addupdate_scatter(
                hist_v, [ix], cnt.astype(jnp.float32), mask=last)

        @plsc.parallel_loop(0, NUM_LEVELS // LANES, unroll=4)
        def _(j):
            cnt_v[r, pl.ds(j * LANES, LANES)] = hist_v[pl.ds(j * LANES, LANES)]
            hist_v[pl.ds(j * LANES, LANES)] = zeros

    pltpu.sync_copy(cnt_v, out_hbm.at[pl.ds(base, rows_per_w)])


def _sc_hist(d2):
    n_rows, width = d2.shape
    rows_per_w = n_rows // NUM_WORKERS
    mesh = plsc.VectorSubcoreMesh(
        core_axis_name="c", subcore_axis_name="s",
        num_cores=NUM_CORES, num_subcores=NUM_SUBCORES)
    return pl.kernel(
        _sc_hist_body,
        out_type=jax.ShapeDtypeStruct((n_rows, NUM_LEVELS), jnp.float32),
        mesh=mesh,
        scratch_types=[
            pltpu.VMEM((rows_per_w, width), jnp.float32),
            pltpu.VMEM((NUM_LEVELS,), jnp.float32),
            pltpu.VMEM((rows_per_w, NUM_LEVELS), jnp.float32),
            pltpu.SemaphoreType.DMA,
            pltpu.SemaphoreType.DMA,
        ],
        compiler_params=pltpu.CompilerParams(needs_layout_passes=False),
    )(d2)


def _tc_combine_body(counts_ref, spatial_ref, temporal_ref, out_ref):
    counts = counts_ref[...]
    hi = jnp.floor(counts * (1.0 / 256.0))
    lo = counts - hi * 256.0
    sb = spatial_ref[...].astype(jnp.bfloat16)
    dims = (((1,), (0,)), ((), ()))
    sp_hi = lax.dot_general(hi.astype(jnp.bfloat16), sb, dims,
                            preferred_element_type=jnp.float32)
    sp_lo = lax.dot_general(lo.astype(jnp.bfloat16), sb, dims,
                            preferred_element_type=jnp.float32)
    sp = sp_hi * 256.0 + sp_lo
    tmp = temporal_ref[...]
    n_t = tmp.shape[0]
    n_b = out_ref.shape[0]
    for b in range(n_b):
        hv = jnp.sum(sp[b * n_t:(b + 1) * n_t, :] * tmp, axis=0,
                     keepdims=True)
        out_ref[b:b + 1, :] = jnp.sign(hv)


def _tc_combine(counts, spatial, temporal):
    n_rows = counts.shape[0]
    n_t, dim = temporal.shape
    n_b = n_rows // n_t
    return pl.pallas_call(
        _tc_combine_body,
        grid=(1,),
        out_shape=jax.ShapeDtypeStruct((n_b, dim), jnp.float32),
        in_specs=[
            pl.BlockSpec((n_rows, NUM_LEVELS), lambda i: (0, 0)),
            pl.BlockSpec((NUM_LEVELS, dim), lambda i: (0, 0)),
            pl.BlockSpec((n_t, dim), lambda i: (0, 0)),
        ],
        out_specs=pl.BlockSpec((n_b, dim), lambda i: (0, 0)),
    )(counts, spatial, temporal)


@jax.jit
def kernel(data, spatial, temporal):
    b, t, c, h, w = data.shape
    d2 = data.reshape(b * t, c * h * w)
    counts = _sc_hist(d2)
    return _tc_combine(counts, spatial, temporal)

# --- scband reference (transcript-rebuilt; emitter-appended) ---
"""Pipeline reference for scband-encoding2-40767829574355 (READ-ONLY COPY).

The authoritative reference and input builder live on the scoring server;
editing this copy changes nothing except your own understanding.
"""

import jax, jax.numpy as jnp
import numpy as np

DIM = 2048
MAX_TIME = 16
HEIGHT = 32
WIDTH = 32

def setup_inputs(seed: int = 0) -> dict:
    key = jax.random.key(seed)
    k1, k2, k3 = jax.random.split(key, 3)
    data = jax.random.uniform(k1, (16, 16, 2, 32, 32), dtype=jnp.float32)
    # torchhd.embeddings.Random with vsa='MAP' draws random bipolar (+1/-1) hypervectors
    spatial = jnp.where(jax.random.bernoulli(k2, 0.5, (WIDTH * HEIGHT, DIM)), 1.0, -1.0).astype(jnp.float32)
    temporal = jnp.where(jax.random.bernoulli(k3, 0.5, (MAX_TIME, DIM)), 1.0, -1.0).astype(jnp.float32)
    return {"data": data, "spatial": spatial, "temporal": temporal}

def reference(data, spatial, temporal):
    B, T, C, H, W = data.shape
    d = data.reshape(B, T, C * H * W)
    num_levels = 256
    d = d / jnp.max(d, axis=-1, keepdims=True) * (num_levels - 1)
    idx = jnp.round(d).astype(jnp.int32)  # values in [0, 255] < 1024 rows
    hvs = []
    for t in range(min(T, MAX_TIME)):
        temporal_hv = temporal[t][None, :]                 # (1, D)
        sp = jnp.take(spatial, idx[:, t], axis=0)          # gather: (B, C*H*W, D)
        sp = jnp.sum(sp, axis=-2)                          # multiset: (B, D)
        combined = sp * temporal_hv                        # MAP bind = elementwise multiply
        hvs.append(combined)
    hv = jnp.sum(jnp.stack(hvs, axis=1), axis=1)           # multiset over time: (B, D)
    return jnp.sign(hv)                                    # MAP normalize = hard sign

if __name__ == "__main__":
    import jax
    _d = setup_inputs()
    print(jax.jit(kernel)(*tuple(_d.values())))

</pallas_src>

<mosaic_0001>
#map = affine_map<(d0, d1) -> (0, 0)>
module attributes {stable_mosaic.version = 14 : i64} {
  func.func @_sc_hist_body(%arg0: i32, %arg1: i32, %arg2: memref<256x2048xf32, #tpu.memory_space<hbm>>, %arg3: memref<256x256xf32, #tpu.memory_space<hbm>>, %arg4: memref<8x2048xf32, #tpu.memory_space<vmem>>, %arg5: memref<256xf32, #tpu.memory_space<vmem>>, %arg6: memref<8x256xf32, #tpu.memory_space<vmem>>, %arg7: memref<!tpu.dma_semaphore, #tpu.memory_space<semaphore_mem>>, %arg8: memref<!tpu.dma_semaphore, #tpu.memory_space<semaphore_mem>>) attributes {dimension_semantics = [#tpu.dimension_semantics<core_parallel>, #tpu.dimension_semantics<subcore_parallel>], iteration_bounds = array<i64: 2, 16>, scalar_prefetch = 0 : i64, scratch_operands = 5 : i64, tpu.core_type = #tpu.core_type<sc_vector_subcore>, window_params = [{transform_indices = #map}, {transform_indices = #map}]} {
    %mul3A = arith.constant 2 : i32
    %mul3A_0 = arith.muli %arg1, %mul3A : i32
    %add3A = arith.addi %mul3A_0, %arg0 : i32
    %mul3A_1 = arith.constant 8 : i32
    %mul3A_2 = arith.muli %add3A, %mul3A_1 : i32
    %dma_start3A = arith.constant 0 : i32
    %dma_start3A_3 = arith.constant 0 : i32
    %dma_start3A_4 = tpu.memref_slice %arg4[%dma_start3A, %dma_start3A_3] : memref<8x2048xf32, #tpu.memory_space<vmem>> -> memref<4x2048xf32, #tpu.memory_space<vmem>>
    %dma_start3A_5 = arith.constant 0 : i32
    %dma_start3A_6 = tpu.memref_slice %arg2[%mul3A_2, %dma_start3A_5] : memref<256x2048xf32, #tpu.memory_space<hbm>> -> memref<4x2048xf32, #tpu.memory_space<hbm>>
    %dma_start3A_7 = arith.constant 0 : i32
    %dma_start3A_8 = arith.constant 0 : i32
    %dma_start3A_9 = tpu.memref_slice %arg4[%dma_start3A_7, %dma_start3A_8] : memref<8x2048xf32, #tpu.memory_space<vmem>> -> memref<4x2048xf32, #tpu.memory_space<vmem>>
    %dma_start3A_10 = arith.constant 0 : i32
    %dma_start3A_11 = tpu.memref_slice %arg2[%mul3A_2, %dma_start3A_10] : memref<256x2048xf32, #tpu.memory_space<hbm>> -> memref<4x2048xf32, #tpu.memory_space<hbm>>
    tpu.enqueue_dma source(%dma_start3A_11 : memref<4x2048xf32, #tpu.memory_space<hbm>>) target(%dma_start3A_9 : memref<4x2048xf32, #tpu.memory_space<vmem>>) target_semaphore(%arg7 : memref<!tpu.dma_semaphore, #tpu.memory_space<semaphore_mem>>)
    %add3A_12 = arith.constant 4 : i32
    %add3A_13 = arith.addi %mul3A_2, %add3A_12 : i32
    %dma_start3A_14 = arith.constant 4 : i32
    %dma_start3A_15 = arith.constant 0 : i32
    %dma_start3A_16 = tpu.memref_slice %arg4[%dma_start3A_14, %dma_start3A_15] : memref<8x2048xf32, #tpu.memory_space<vmem>> -> memref<4x2048xf32, #tpu.memory_space<vmem>>
    %dma_start3A_17 = arith.constant 0 : i32
    %dma_start3A_18 = tpu.memref_slice %arg2[%add3A_13, %dma_start3A_17] : memref<256x2048xf32, #tpu.memory_space<hbm>> -> memref<4x2048xf32, #tpu.memory_space<hbm>>
    %dma_start3A_19 = arith.constant 4 : i32
    %dma_start3A_20 = arith.constant 0 : i32
    %dma_start3A_21 = tpu.memref_slice %arg4[%dma_start3A_19, %dma_start3A_20] : memref<8x2048xf32, #tpu.memory_space<vmem>> -> memref<4x2048xf32, #tpu.memory_space<vmem>>
    %dma_start3A_22 = arith.constant 0 : i32
    %dma_start3A_23 = tpu.memref_slice %arg2[%add3A_13, %dma_start3A_22] : memref<256x2048xf32, #tpu.memory_space<hbm>> -> memref<4x2048xf32, #tpu.memory_space<hbm>>
    tpu.enqueue_dma source(%dma_start3A_23 : memref<4x2048xf32, #tpu.memory_space<hbm>>) target(%dma_start3A_21 : memref<4x2048xf32, #tpu.memory_space<vmem>>) target_semaphore(%arg8 : memref<!tpu.dma_semaphore, #tpu.memory_space<semaphore_mem>>)
    %broadcast_in_dim3A = arith.constant 0.000000e+00 : f32
    %broadcast_in_dim3A_24 = vector.broadcast %broadcast_in_dim3A : f32 to vector<16xf32>
    %parallel_loop3A = arith.constant 0 : i32
    %parallel_loop3A_25 = arith.constant 16 : i32
    %parallel_loop3A_26 = arith.constant 1 : i32
    scf.for %parallel_loop3A_188 = %parallel_loop3A to %parallel_loop3A_25 step %parallel_loop3A_26  : i32 {
      %parallel_loop3A_189 = arith.constant 16 : i32
      %parallel_loop3A_190 = arith.muli %parallel_loop3A_188, %parallel_loop3A_189 : i32
      %parallel_loop3A_191 = arith.index_cast %parallel_loop3A_190 : i32 to index
      %parallel_loop3A_192 = tpu.vector_load %arg5[%parallel_loop3A_191] {strides = array<i32>} : memref<256xf32, #tpu.memory_space<vmem>>, vector<16xf32>,
      tpu.vector_store %arg5[%parallel_loop3A_191], %broadcast_in_dim3A_24 {strides = array<i32>} : memref<256xf32, #tpu.memory_space<vmem>>, vector<16xf32>,
    } {sc.loop_unroll_factor = 8 : i64, sc.parallel_access}
    %dma_wait3A = arith.constant 0 : i32
    %dma_wait3A_27 = arith.constant 0 : i32
    %dma_wait3A_28 = tpu.memref_slice %arg4[%dma_wait3A, %dma_wait3A_27] : memref<8x2048xf32, #tpu.memory_space<vmem>> -> memref<4x2048xf32, #tpu.memory_space<vmem>>
    %dma_wait3A_29 = arith.constant 0 : i32
    %dma_wait3A_30 = tpu.memref_slice %arg2[%mul3A_2, %dma_wait3A_29] : memref<256x2048xf32, #tpu.memory_space<hbm>> -> memref<4x2048xf32, #tpu.memory_space<hbm>>
    %dma_wait3A_31 = arith.constant 0 : i32
    %dma_wait3A_32 = arith.constant 0 : i32
    %dma_wait3A_33 = tpu.memref_slice %arg4[%dma_wait3A_31, %dma_wait3A_32] : memref<8x2048xf32, #tpu.memory_space<vmem>> -> memref<4x2048xf32, #tpu.memory_space<vmem>>
    %dma_wait3A_34 = arith.constant 0 : i32
    %dma_wait3A_35 = tpu.memref_slice %arg2[%mul3A_2, %dma_wait3A_34] : memref<256x2048xf32, #tpu.memory_space<hbm>> -> memref<4x2048xf32, #tpu.memory_space<hbm>>
    tpu.wait_dma2 semaphore(%arg7 : memref<!tpu.dma_semaphore, #tpu.memory_space<semaphore_mem>>) src(%dma_wait3A_35 : memref<4x2048xf32, #tpu.memory_space<hbm>>) dst(%dma_wait3A_33 : memref<4x2048xf32, #tpu.memory_space<vmem>>)
    %get3A = arith.constant 0 : i32
    %get3A_36 = arith.index_cast %get3A : i32 to index
    %get3A_37 = arith.constant 0 : index
    %get3A_38 = tpu.vector_load %arg4[%get3A_36, %get3A_37] {strides = array<i32>} : memref<8x2048xf32, #tpu.memory_space<vmem>>, vector<16xf32>,
    %parallel_loop3A_39 = arith.constant 1 : i32
    %parallel_loop3A_40 = arith.constant 128 : i32
    %parallel_loop3A_41 = arith.constant 1 : i32
    %parallel_loop3A_42 = scf.for %parallel_loop3A_188 = %parallel_loop3A_39 to %parallel_loop3A_40 step %parallel_loop3A_41 iter_args(%parallel_loop3A_189 = %get3A_38) -> (vector<16xf32>)  : i32 {
      %parallel_loop3A_190 = arith.constant 16 : i32
      %parallel_loop3A_191 = arith.muli %parallel_loop3A_188, %parallel_loop3A_190 : i32
      %parallel_loop3A_192 = arith.constant 0 : i32
      %parallel_loop3A_193 = arith.index_cast %parallel_loop3A_192 : i32 to index
      %parallel_loop3A_194 = arith.index_cast %parallel_loop3A_191 : i32 to index
      %parallel_loop3A_195 = tpu.vector_load %arg4[%parallel_loop3A_193, %parallel_loop3A_194] {strides = array<i32>} : memref<8x2048xf32, #tpu.memory_space<vmem>>, vector<16xf32>,
      %parallel_loop3A_196 = arith.maximumf %parallel_loop3A_189, %parallel_loop3A_195 : vector<16xf32>
      scf.yield %parallel_loop3A_196 : vector<16xf32>
    } {sc.loop_unroll_factor = 8 : i64, sc.parallel_access}
    %reduce_max3A = arith.constant true
    %reduce_max3A_43 = vector.broadcast %reduce_max3A : i1 to vector<16xi1>
    %reduce_max3A_44 = tpu.scan <max>, %parallel_loop3A_42 masked %reduce_max3A_43 : vector<16xf32>, vector<16xi1> -> vector<16xf32>
    %reduce_max3A_45 = vector.extract %reduce_max3A_44[15] : f32 from vector<16xf32>
    %parallel_loop3A_46 = arith.constant 0 : i32
    %parallel_loop3A_47 = arith.constant 128 : i32
    %parallel_loop3A_48 = arith.constant 1 : i32
    scf.for %parallel_loop3A_188 = %parallel_loop3A_46 to %parallel_loop3A_47 step %parallel_loop3A_48  : i32 {
      %parallel_loop3A_189 = arith.constant 16 : i32
      %parallel_loop3A_190 = arith.muli %parallel_loop3A_188, %parallel_loop3A_189 : i32
      %parallel_loop3A_191 = arith.constant 0 : i32
      %parallel_loop3A_192 = arith.index_cast %parallel_loop3A_191 : i32 to index
      %parallel_loop3A_193 = arith.index_cast %parallel_loop3A_190 : i32 to index
      %parallel_loop3A_194 = tpu.vector_load %arg4[%parallel_loop3A_192, %parallel_loop3A_193] {strides = array<i32>} : memref<8x2048xf32, #tpu.memory_space<vmem>>, vector<16xf32>,
      %parallel_loop3A_195 = vector.broadcast %reduce_max3A_45 : f32 to vector<16xf32>
      %parallel_loop3A_196 = arith.divf %parallel_loop3A_194, %parallel_loop3A_195 : vector<16xf32>
      %parallel_loop3A_197 = arith.constant 2.550000e+02 : f32
      %parallel_loop3A_198 = vector.broadcast %parallel_loop3A_197 : f32 to vector<16xf32>
      %parallel_loop3A_199 = arith.mulf %parallel_loop3A_196, %parallel_loop3A_198 : vector<16xf32>
      %parallel_loop3A_200 = arith.constant 0x4B000000 : f32
      %parallel_loop3A_201 = vector.broadcast %parallel_loop3A_200 : f32 to vector<16xf32>
      %parallel_loop3A_202 = arith.addf %parallel_loop3A_199, %parallel_loop3A_201 : vector<16xf32>
      %parallel_loop3A_203 = vector.bitcast %parallel_loop3A_202 : vector<16xf32> to vector<16xi32>
      %parallel_loop3A_204 = arith.constant 1258291200 : i32
      %parallel_loop3A_205 = vector.broadcast %parallel_loop3A_204 : i32 to vector<16xi32>
      %parallel_loop3A_206 = arith.subi %parallel_loop3A_203, %parallel_loop3A_205 : vector<16xi32>
      %parallel_loop3A_207 = arith.constant 0 : i32
      %parallel_loop3A_208 = vector.broadcast %parallel_loop3A_207 : i32 to vector<16xi32>
      %parallel_loop3A_209 = arith.maxsi %parallel_loop3A_206, %parallel_loop3A_208 : vector<16xi32>
      %parallel_loop3A_210 = arith.constant 255 : i32
      %parallel_loop3A_211 = vector.broadcast %parallel_loop3A_210 : i32 to vector<16xi32>
      %parallel_loop3A_212 = arith.minsi %parallel_loop3A_209, %parallel_loop3A_211 : vector<16xi32>
      %parallel_loop3A_213 = arith.constant true
      %parallel_loop3A_214 = vector.broadcast %parallel_loop3A_213 : i1 to vector<16xi1>
      %parallel_loop3A_215, %parallel_loop3A_216 = tpu.scan_count mask(%parallel_loop3A_214 : vector<16xi1>) value(%parallel_loop3A_212 : vector<16xi32>) : vector<16xi1>, vector<16xi32>
      %parallel_loop3A_217 = arith.sitofp %parallel_loop3A_216 : vector<16xi32> to vector<16xf32>
      tpu.vector_store_idx %arg5[%parallel_loop3A_212], %parallel_loop3A_217 masked %parallel_loop3A_215 {add = true} : memref<256xf32, #tpu.memory_space<vmem>>[vector<16xi32>], vector<16xf32>, vector<16xi1>
    } {sc.loop_unroll_factor = 8 : i64, sc.parallel_access}
    %parallel_loop3A_49 = arith.constant 0 : i32
    %parallel_loop3A_50 = arith.constant 16 : i32
    %parallel_loop3A_51 = arith.constant 1 : i32
    scf.for %parallel_loop3A_188 = %parallel_loop3A_49 to %parallel_loop3A_50 step %parallel_loop3A_51  : i32 {
      %parallel_loop3A_189 = arith.constant 16 : i32
      %parallel_loop3A_190 = arith.muli %parallel_loop3A_188, %parallel_loop3A_189 : i32
      %parallel_loop3A_191 = arith.index_cast %parallel_loop3A_190 : i32 to index
      %parallel_loop3A_192 = tpu.vector_load %arg5[%parallel_loop3A_191] {strides = array<i32>} : memref<256xf32, #tpu.memory_space<vmem>>, vector<16xf32>,
      %parallel_loop3A_193 = arith.constant 16 : i32
      %parallel_loop3A_194 = arith.muli %parallel_loop3A_188, %parallel_loop3A_193 : i32
      %parallel_loop3A_195 = arith.constant 0 : i32
      %parallel_loop3A_196 = arith.index_cast %parallel_loop3A_195 : i32 to index
      %parallel_loop3A_197 = arith.index_cast %parallel_loop3A_194 : i32 to index
      %parallel_loop3A_198 = tpu.vector_load %arg6[%parallel_loop3A_196, %parallel_loop3A_197] {strides = array<i32>} : memref<8x256xf32, #tpu.memory_space<vmem>>, vector<16xf32>,
      tpu.vector_store %arg6[%parallel_loop3A_196, %parallel_loop3A_197], %parallel_loop3A_192 {strides = array<i32>} : memref<8x256xf32, #tpu.memory_space<vmem>>, vector<16xf32>,
      %parallel_loop3A_199 = arith.constant 16 : i32
      %parallel_loop3A_200 = arith.muli %parallel_loop3A_188, %parallel_loop3A_199 : i32
      %parallel_loop3A_201 = arith.index_cast %parallel_loop3A_200 : i32 to index
      %parallel_loop3A_202 = tpu.vector_load %arg5[%parallel_loop3A_201] {strides = array<i32>} : memref<256xf32, #tpu.memory_space<vmem>>, vector<16xf32>,
      tpu.vector_store %arg5[%parallel_loop3A_201], %broadcast_in_dim3A_24 {strides = array<i32>} : memref<256xf32, #tpu.memory_space<vmem>>, vector<16xf32>,
    } {sc.loop_unroll_factor = 4 : i64, sc.parallel_access}
    %get3A_52 = arith.constant 1 : i32
    %get3A_53 = arith.index_cast %get3A_52 : i32 to index
    %get3A_54 = arith.constant 0 : index
    %get3A_55 = tpu.vector_load %arg4[%get3A_53, %get3A_54] {strides = array<i32>} : memref<8x2048xf32, #tpu.memory_space<vmem>>, vector<16xf32>,
    %parallel_loop3A_56 = arith.constant 1 : i32
    %parallel_loop3A_57 = arith.constant 128 : i32
    %parallel_loop3A_58 = arith.constant 1 : i32
    %parallel_loop3A_59 = scf.for %parallel_loop3A_188 = %parallel_loop3A_56 to %parallel_loop3A_57 step %parallel_loop3A_58 iter_args(%parallel_loop3A_189 = %get3A_55) -> (vector<16xf32>)  : i32 {
      %parallel_loop3A_190 = arith.constant 16 : i32
      %parallel_loop3A_191 = arith.muli %parallel_loop3A_188, %parallel_loop3A_190 : i32
      %parallel_loop3A_192 = arith.constant 1 : i32
      %parallel_loop3A_193 = arith.index_cast %parallel_loop3A_192 : i32 to index
      %parallel_loop3A_194 = arith.index_cast %parallel_loop3A_191 : i32 to index
      %parallel_loop3A_195 = tpu.vector_load %arg4[%parallel_loop3A_193, %parallel_loop3A_194] {strides = array<i32>} : memref<8x2048xf32, #tpu.memory_space<vmem>>, vector<16xf32>,
      %parallel_loop3A_196 = arith.maximumf %parallel_loop3A_189, %parallel_loop3A_195 : vector<16xf32>
      scf.yield %parallel_loop3A_196 : vector<16xf32>
    } {sc.loop_unroll_factor = 8 : i64, sc.parallel_access}
    %reduce_max3A_60 = arith.constant true
    %reduce_max3A_61 = vector.broadcast %reduce_max3A_60 : i1 to vector<16xi1>
    %reduce_max3A_62 = tpu.scan <max>, %parallel_loop3A_59 masked %reduce_max3A_61 : vector<16xf32>, vector<16xi1> -> vector<16xf32>
    %reduce_max3A_63 = vector.extract %reduce_max3A_62[15] : f32 from vector<16xf32>
    %parallel_loop3A_64 = arith.constant 0 : i32
    %parallel_loop3A_65 = arith.constant 128 : i32
    %parallel_loop3A_66 = arith.constant 1 : i32
    scf.for %parallel_loop3A_188 = %parallel_loop3A_64 to %parallel_loop3A_65 step %parallel_loop3A_66  : i32 {
      %parallel_loop3A_189 = arith.constant 16 : i32
      %parallel_loop3A_190 = arith.muli %parallel_loop3A_188, %parallel_loop3A_189 : i32
      %parallel_loop3A_191 = arith.constant 1 : i32
      %parallel_loop3A_192 = arith.index_cast %parallel_loop3A_191 : i32 to index
      %parallel_loop3A_193 = arith.index_cast %parallel_loop3A_190 : i32 to index
      %parallel_loop3A_194 = tpu.vector_load %arg4[%parallel_loop3A_192, %parallel_loop3A_193] {strides = array<i32>} : memref<8x2048xf32, #tpu.memory_space<vmem>>, vector<16xf32>,
      %parallel_loop3A_195 = vector.broadcast %reduce_max3A_63 : f32 to vector<16xf32>
      %parallel_loop3A_196 = arith.divf %parallel_loop3A_194, %parallel_loop3A_195 : vector<16xf32>
      %parallel_loop3A_197 = arith.constant 2.550000e+02 : f32
      %parallel_loop3A_198 = vector.broadcast %parallel_loop3A_197 : f32 to vector<16xf32>
      %parallel_loop3A_199 = arith.mulf %parallel_loop3A_196, %parallel_loop3A_198 : vector<16xf32>
      %parallel_loop3A_200 = arith.constant 0x4B000000 : f32
      %parallel_loop3A_201 = vector.broadcast %parallel_loop3A_200 : f32 to vector<16xf32>
      %parallel_loop3A_202 = arith.addf %parallel_loop3A_199, %parallel_loop3A_201 : vector<16xf32>
      %parallel_loop3A_203 = vector.bitcast %parallel_loop3A_202 : vector<16xf32> to vector<16xi32>
      %parallel_loop3A_204 = arith.constant 1258291200 : i32
      %parallel_loop3A_205 = vector.broadcast %parallel_loop3A_204 : i32 to vector<16xi32>
      %parallel_loop3A_206 = arith.subi %parallel_loop3A_203, %parallel_loop3A_205 : vector<16xi32>
      %parallel_loop3A_207 = arith.constant 0 : i32
      %parallel_loop3A_208 = vector.broadcast %parallel_loop3A_207 : i32 to vector<16xi32>
      %parallel_loop3A_209 = arith.maxsi %parallel_loop3A_206, %parallel_loop3A_208 : vector<16xi32>
      %parallel_loop3A_210 = arith.constant 255 : i32
      %parallel_loop3A_211 = vector.broadcast %parallel_loop3A_210 : i32 to vector<16xi32>
      %parallel_loop3A_212 = arith.minsi %parallel_loop3A_209, %parallel_loop3A_211 : vector<16xi32>
      %parallel_loop3A_213 = arith.constant true
      %parallel_loop3A_214 = vector.broadcast %parallel_loop3A_213 : i1 to vector<16xi1>
      %parallel_loop3A_215, %parallel_loop3A_216 = tpu.scan_count mask(%parallel_loop3A_214 : vector<16xi1>) value(%parallel_loop3A_212 : vector<16xi32>) : vector<16xi1>, vector<16xi32>
      %parallel_loop3A_217 = arith.sitofp %parallel_loop3A_216 : vector<16xi32> to vector<16xf32>
      tpu.vector_store_idx %arg5[%parallel_loop3A_212], %parallel_loop3A_217 masked %parallel_loop3A_215 {add = true} : memref<256xf32, #tpu.memory_space<vmem>>[vector<16xi32>], vector<16xf32>, vector<16xi1>
    } {sc.loop_unroll_factor = 8 : i64, sc.parallel_access}
    %parallel_loop3A_67 = arith.constant 0 : i32
    %parallel_loop3A_68 = arith.constant 16 : i32
    %parallel_loop3A_69 = arith.constant 1 : i32
    scf.for %parallel_loop3A_188 = %parallel_loop3A_67 to %parallel_loop3A_68 step %parallel_loop3A_69  : i32 {
      %parallel_loop3A_189 = arith.constant 16 : i32
      %parallel_loop3A_190 = arith.muli %parallel_loop3A_188, %parallel_loop3A_189 : i32
      %parallel_loop3A_191 = arith.index_cast %parallel_loop3A_190 : i32 to index
      %parallel_loop3A_192 = tpu.vector_load %arg5[%parallel_loop3A_191] {strides = array<i32>} : memref<256xf32, #tpu.memory_space<vmem>>, vector<16xf32>,
      %parallel_loop3A_193 = arith.constant 16 : i32
      %parallel_loop3A_194 = arith.muli %parallel_loop3A_188, %parallel_loop3A_193 : i32
      %parallel_loop3A_195 = arith.constant 1 : i32
      %parallel_loop3A_196 = arith.index_cast %parallel_loop3A_195 : i32 to index
      %parallel_loop3A_197 = arith.index_cast %parallel_loop3A_194 : i32 to index
      %parallel_loop3A_198 = tpu.vector_load %arg6[%parallel_loop3A_196, %parallel_loop3A_197] {strides = array<i32>} : memref<8x256xf32, #tpu.memory_space<vmem>>, vector<16xf32>,
      tpu.vector_store %arg6[%parallel_loop3A_196, %parallel_loop3A_197], %parallel_loop3A_192 {strides = array<i32>} : memref<8x256xf32, #tpu.memory_space<vmem>>, vector<16xf32>,
      %parallel_loop3A_199 = arith.constant 16 : i32
      %parallel_loop3A_200 = arith.muli %parallel_loop3A_188, %parallel_loop3A_199 : i32
      %parallel_loop3A_201 = arith.index_cast %parallel_loop3A_200 : i32 to index
      %parallel_loop3A_202 = tpu.vector_load %arg5[%parallel_loop3A_201] {strides = array<i32>} : memref<256xf32, #tpu.memory_space<vmem>>, vector<16xf32>,
      tpu.vector_store %arg5[%parallel_loop3A_201], %broadcast_in_dim3A_24 {strides = array<i32>} : memref<256xf32, #tpu.memory_space<vmem>>, vector<16xf32>,
    } {sc.loop_unroll_factor = 4 : i64, sc.parallel_access}
    %get3A_70 = arith.constant 2 : i32
    %get3A_71 = arith.index_cast %get3A_70 : i32 to index
    %get3A_72 = arith.constant 0 : index
    %get3A_73 = tpu.vector_load %arg4[%get3A_71, %get3A_72] {strides = array<i32>} : memref<8x2048xf32, #tpu.memory_space<vmem>>, vector<16xf32>,
    %parallel_loop3A_74 = arith.constant 1 : i32
    %parallel_loop3A_75 = arith.constant 128 : i32
    %parallel_loop3A_76 = arith.constant 1 : i32
    %parallel_loop3A_77 = scf.for %parallel_loop3A_188 = %parallel_loop3A_74 to %parallel_loop3A_75 step %parallel_loop3A_76 iter_args(%parallel_loop3A_189 = %get3A_73) -> (vector<16xf32>)  : i32 {
      %parallel_loop3A_190 = arith.constant 16 : i32
      %parallel_loop3A_191 = arith.muli %parallel_loop3A_188, %parallel_loop3A_190 : i32
      %parallel_loop3A_192 = arith.constant 2 : i32
      %parallel_loop3A_193 = arith.index_cast %parallel_loop3A_192 : i32 to index
      %parallel_loop3A_194 = arith.index_cast %parallel_loop3A_191 : i32 to index
      %parallel_loop3A_195 = tpu.vector_load %arg4[%parallel_loop3A_193, %parallel_loop3A_194] {strides = array<i32>} : memref<8x2048xf32, #tpu.memory_space<vmem>>, vector<16xf32>,
      %parallel_loop3A_196 = arith.maximumf %parallel_loop3A_189, %parallel_loop3A_195 : vector<16xf32>
      scf.yield %parallel_loop3A_196 : vector<16xf32>
    } {sc.loop_unroll_factor = 8 : i64, sc.parallel_access}
    %reduce_max3A_78 = arith.constant true
    %reduce_max3A_79 = vector.broadcast %reduce_max3A_78 : i1 to vector<16xi1>
    %reduce_max3A_80 = tpu.scan <max>, %parallel_loop3A_77 masked %reduce_max3A_79 : vector<16xf32>, vector<16xi1> -> vector<16xf32>
    %reduce_max3A_81 = vector.extract %reduce_max3A_80[15] : f32 from vector<16xf32>
    %parallel_loop3A_82 = arith.constant 0 : i32
    %parallel_loop3A_83 = arith.constant 128 : i32
    %parallel_loop3A_84 = arith.constant 1 : i32
    scf.for %parallel_loop3A_188 = %parallel_loop3A_82 to %parallel_loop3A_83 step %parallel_loop3A_84  : i32 {
      %parallel_loop3A_189 = arith.constant 16 : i32
      %parallel_loop3A_190 = arith.muli %parallel_loop3A_188, %parallel_loop3A_189 : i32
      %parallel_loop3A_191 = arith.constant 2 : i32
      %parallel_loop3A_192 = arith.index_cast %parallel_loop3A_191 : i32 to index
      %parallel_loop3A_193 = arith.index_cast %parallel_loop3A_190 : i32 to index
      %parallel_loop3A_194 = tpu.vector_load %arg4[%parallel_loop3A_192, %parallel_loop3A_193] {strides = array<i32>} : memref<8x2048xf32, #tpu.memory_space<vmem>>, vector<16xf32>,
      %parallel_loop3A_195 = vector.broadcast %reduce_max3A_81 : f32 to vector<16xf32>
      %parallel_loop3A_196 = arith.divf %parallel_loop3A_194, %parallel_loop3A_195 : vector<16xf32>
      %parallel_loop3A_197 = arith.constant 2.550000e+02 : f32
      %parallel_loop3A_198 = vector.broadcast %parallel_loop3A_197 : f32 to vector<16xf32>
      %parallel_loop3A_199 = arith.mulf %parallel_loop3A_196, %parallel_loop3A_198 : vector<16xf32>
      %parallel_loop3A_200 = arith.constant 0x4B000000 : f32
      %parallel_loop3A_201 = vector.broadcast %parallel_loop3A_200 : f32 to vector<16xf32>
      %parallel_loop3A_202 = arith.addf %parallel_loop3A_199, %parallel_loop3A_201 : vector<16xf32>
      %parallel_loop3A_203 = vector.bitcast %parallel_loop3A_202 : vector<16xf32> to vector<16xi32>
      %parallel_loop3A_204 = arith.constant 1258291200 : i32
      %parallel_loop3A_205 = vector.broadcast %parallel_loop3A_204 : i32 to vector<16xi32>
      %parallel_loop3A_206 = arith.subi %parallel_loop3A_203, %parallel_loop3A_205 : vector<16xi32>
      %parallel_loop3A_207 = arith.constant 0 : i32
      %parallel_loop3A_208 = vector.broadcast %parallel_loop3A_207 : i32 to vector<16xi32>
      %parallel_loop3A_209 = arith.maxsi %parallel_loop3A_206, %parallel_loop3A_208 : vector<16xi32>
      %parallel_loop3A_210 = arith.constant 255 : i32
      %parallel_loop3A_211 = vector.broadcast %parallel_loop3A_210 : i32 to vector<16xi32>
      %parallel_loop3A_212 = arith.minsi %parallel_loop3A_209, %parallel_loop3A_211 : vector<16xi32>
      %parallel_loop3A_213 = arith.constant true
      %parallel_loop3A_214 = vector.broadcast %parallel_loop3A_213 : i1 to vector<16xi1>
      %parallel_loop3A_215, %parallel_loop3A_216 = tpu.scan_count mask(%parallel_loop3A_214 : vector<16xi1>) value(%parallel_loop3A_212 : vector<16xi32>) : vector<16xi1>, vector<16xi32>
      %parallel_loop3A_217 = arith.sitofp %parallel_loop3A_216 : vector<16xi32> to vector<16xf32>
      tpu.vector_store_idx %arg5[%parallel_loop3A_212], %parallel_loop3A_217 masked %parallel_loop3A_215 {add = true} : memref<256xf32, #tpu.memory_space<vmem>>[vector<16xi32>], vector<16xf32>, vector<16xi1>
    } {sc.loop_unroll_factor = 8 : i64, sc.parallel_access}
    %parallel_loop3A_85 = arith.constant 0 : i32
    %parallel_loop3A_86 = arith.constant 16 : i32
    %parallel_loop3A_87 = arith.constant 1 : i32
    scf.for %parallel_loop3A_188 = %parallel_loop3A_85 to %parallel_loop3A_86 step %parallel_loop3A_87  : i32 {
      %parallel_loop3A_189 = arith.constant 16 : i32
      %parallel_loop3A_190 = arith.muli %parallel_loop3A_188, %parallel_loop3A_189 : i32
      %parallel_loop3A_191 = arith.index_cast %parallel_loop3A_190 : i32 to index
      %parallel_loop3A_192 = tpu.vector_load %arg5[%parallel_loop3A_191] {strides = array<i32>} : memref<256xf32, #tpu.memory_space<vmem>>, vector<16xf32>,
      %parallel_loop3A_193 = arith.constant 16 : i32
      %parallel_loop3A_194 = arith.muli %parallel_loop3A_188, %parallel_loop3A_193 : i32
      %parallel_loop3A_195 = arith.constant 2 : i32
      %parallel_loop3A_196 = arith.index_cast %parallel_loop3A_195 : i32 to index
      %parallel_loop3A_197 = arith.index_cast %parallel_loop3A_194 : i32 to index
      %parallel_loop3A_198 = tpu.vector_load %arg6[%parallel_loop3A_196, %parallel_loop3A_197] {strides = array<i32>} : memref<8x256xf32, #tpu.memory_space<vmem>>, vector<16xf32>,
      tpu.vector_store %arg6[%parallel_loop3A_196, %parallel_loop3A_197], %parallel_loop3A_192 {strides = array<i32>} : memref<8x256xf32, #tpu.memory_space<vmem>>, vector<16xf32>,
      %parallel_loop3A_199 = arith.constant 16 : i32
      %parallel_loop3A_200 = arith.muli %parallel_loop3A_188, %parallel_loop3A_199 : i32
      %parallel_loop3A_201 = arith.index_cast %parallel_loop3A_200 : i32 to index
      %parallel_loop3A_202 = tpu.vector_load %arg5[%parallel_loop3A_201] {strides = array<i32>} : memref<256xf32, #tpu.memory_space<vmem>>, vector<16xf32>,
      tpu.vector_store %arg5[%parallel_loop3A_201], %broadcast_in_dim3A_24 {strides = array<i32>} : memref<256xf32, #tpu.memory_space<vmem>>, vector<16xf32>,
    } {sc.loop_unroll_factor = 4 : i64, sc.parallel_access}
    %get3A_88 = arith.constant 3 : i32
    %get3A_89 = arith.index_cast %get3A_88 : i32 to index
    %get3A_90 = arith.constant 0 : index
    %get3A_91 = tpu.vector_load %arg4[%get3A_89, %get3A_90] {strides = array<i32>} : memref<8x2048xf32, #tpu.memory_space<vmem>>, vector<16xf32>,
    %parallel_loop3A_92 = arith.constant 1 : i32
    %parallel_loop3A_93 = arith.constant 128 : i32
    %parallel_loop3A_94 = arith.constant 1 : i32
    %parallel_loop3A_95 = scf.for %parallel_loop3A_188 = %parallel_loop3A_92 to %parallel_loop3A_93 step %parallel_loop3A_94 iter_args(%parallel_loop3A_189 = %get3A_91) -> (vector<16xf32>)  : i32 {
      %parallel_loop3A_190 = arith.constant 16 : i32
      %parallel_loop3A_191 = arith.muli %parallel_loop3A_188, %parallel_loop3A_190 : i32
      %parallel_loop3A_192 = arith.constant 3 : i32
      %parallel_loop3A_193 = arith.index_cast %parallel_loop3A_192 : i32 to index
      %parallel_loop3A_194 = arith.index_cast %parallel_loop3A_191 : i32 to index
      %parallel_loop3A_195 = tpu.vector_load %arg4[%parallel_loop3A_193, %parallel_loop3A_194] {strides = array<i32>} : memref<8x2048xf32, #tpu.memory_space<vmem>>, vector<16xf32>,
      %parallel_loop3A_196 = arith.maximumf %parallel_loop3A_189, %parallel_loop3A_195 : vector<16xf32>
      scf.yield %parallel_loop3A_196 : vector<16xf32>
    } {sc.loop_unroll_factor = 8 : i64, sc.parallel_access}
    %reduce_max3A_96 = arith.constant true
    %reduce_max3A_97 = vector.broadcast %reduce_max3A_96 : i1 to vector<16xi1>
    %reduce_max3A_98 = tpu.scan <max>, %parallel_loop3A_95 masked %reduce_max3A_97 : vector<16xf32>, vector<16xi1> -> vector<16xf32>
    %reduce_max3A_99 = vector.extract %reduce_max3A_98[15] : f32 from vector<16xf32>
    %parallel_loop3A_100 = arith.constant 0 : i32
    %parallel_loop3A_101 = arith.constant 128 : i32
    %parallel_loop3A_102 = arith.constant 1 : i32
    scf.for %parallel_loop3A_188 = %parallel_loop3A_100 to %parallel_loop3A_101 step %parallel_loop3A_102  : i32 {
      %parallel_loop3A_189 = arith.constant 16 : i32
      %parallel_loop3A_190 = arith.muli %parallel_loop3A_188, %parallel_loop3A_189 : i32
      %parallel_loop3A_191 = arith.constant 3 : i32
      %parallel_loop3A_192 = arith.index_cast %parallel_loop3A_191 : i32 to index
      %parallel_loop3A_193 = arith.index_cast %parallel_loop3A_190 : i32 to index
      %parallel_loop3A_194 = tpu.vector_load %arg4[%parallel_loop3A_192, %parallel_loop3A_193] {strides = array<i32>} : memref<8x2048xf32, #tpu.memory_space<vmem>>, vector<16xf32>,
      %parallel_loop3A_195 = vector.broadcast %reduce_max3A_99 : f32 to vector<16xf32>
      %parallel_loop3A_196 = arith.divf %parallel_loop3A_194, %parallel_loop3A_195 : vector<16xf32>
      %parallel_loop3A_197 = arith.constant 2.550000e+02 : f32
      %parallel_loop3A_198 = vector.broadcast %parallel_loop3A_197 : f32 to vector<16xf32>
      %parallel_loop3A_199 = arith.mulf %parallel_loop3A_196, %parallel_loop3A_198 : vector<16xf32>
      %parallel_loop3A_200 = arith.constant 0x4B000000 : f32
      %parallel_loop3A_201 = vector.broadcast %parallel_loop3A_200 : f32 to vector<16xf32>
      %parallel_loop3A_202 = arith.addf %parallel_loop3A_199, %parallel_loop3A_201 : vector<16xf32>
      %parallel_loop3A_203 = vector.bitcast %parallel_loop3A_202 : vector<16xf32> to vector<16xi32>
      %parallel_loop3A_204 = arith.constant 1258291200 : i32
      %parallel_loop3A_205 = vector.broadcast %parallel_loop3A_204 : i32 to vector<16xi32>
      %parallel_loop3A_206 = arith.subi %parallel_loop3A_203, %parallel_loop3A_205 : vector<16xi32>
      %parallel_loop3A_207 = arith.constant 0 : i32
      %parallel_loop3A_208 = vector.broadcast %parallel_loop3A_207 : i32 to vector<16xi32>
      %parallel_loop3A_209 = arith.maxsi %parallel_loop3A_206, %parallel_loop3A_208 : vector<16xi32>
      %parallel_loop3A_210 = arith.constant 255 : i32
      %parallel_loop3A_211 = vector.broadcast %parallel_loop3A_210 : i32 to vector<16xi32>
      %parallel_loop3A_212 = arith.minsi %parallel_loop3A_209, %parallel_loop3A_211 : vector<16xi32>
      %parallel_loop3A_213 = arith.constant true
      %parallel_loop3A_214 = vector.broadcast %parallel_loop3A_213 : i1 to vector<16xi1>
      %parallel_loop3A_215, %parallel_loop3A_216 = tpu.scan_count mask(%parallel_loop3A_214 : vector<16xi1>) value(%parallel_loop3A_212 : vector<16xi32>) : vector<16xi1>, vector<16xi32>
      %parallel_loop3A_217 = arith.sitofp %parallel_loop3A_216 : vector<16xi32> to vector<16xf32>
      tpu.vector_store_idx %arg5[%parallel_loop3A_212], %parallel_loop3A_217 masked %parallel_loop3A_215 {add = true} : memref<256xf32, #tpu.memory_space<vmem>>[vector<16xi32>], vector<16xf32>, vector<16xi1>
    } {sc.loop_unroll_factor = 8 : i64, sc.parallel_access}
    %parallel_loop3A_103 = arith.constant 0 : i32
    %parallel_loop3A_104 = arith.constant 16 : i32
    %parallel_loop3A_105 = arith.constant 1 : i32
    scf.for %parallel_loop3A_188 = %parallel_loop3A_103 to %parallel_loop3A_104 step %parallel_loop3A_105  : i32 {
      %parallel_loop3A_189 = arith.constant 16 : i32
      %parallel_loop3A_190 = arith.muli %parallel_loop3A_188, %parallel_loop3A_189 : i32
      %parallel_loop3A_191 = arith.index_cast %parallel_loop3A_190 : i32 to index
      %parallel_loop3A_192 = tpu.vector_load %arg5[%parallel_loop3A_191] {strides = array<i32>} : memref<256xf32, #tpu.memory_space<vmem>>, vector<16xf32>,
      %parallel_loop3A_193 = arith.constant 16 : i32
      %parallel_loop3A_194 = arith.muli %parallel_loop3A_188, %parallel_loop3A_193 : i32
      %parallel_loop3A_195 = arith.constant 3 : i32
      %parallel_loop3A_196 = arith.index_cast %parallel_loop3A_195 : i32 to index
      %parallel_loop3A_197 = arith.index_cast %parallel_loop3A_194 : i32 to index
      %parallel_loop3A_198 = tpu.vector_load %arg6[%parallel_loop3A_196, %parallel_loop3A_197] {strides = array<i32>} : memref<8x256xf32, #tpu.memory_space<vmem>>, vector<16xf32>,
      tpu.vector_store %arg6[%parallel_loop3A_196, %parallel_loop3A_197], %parallel_loop3A_192 {strides = array<i32>} : memref<8x256xf32, #tpu.memory_space<vmem>>, vector<16xf32>,
      %parallel_loop3A_199 = arith.constant 16 : i32
      %parallel_loop3A_200 = arith.muli %parallel_loop3A_188, %parallel_loop3A_199 : i32
      %parallel_loop3A_201 = arith.index_cast %parallel_loop3A_200 : i32 to index
      %parallel_loop3A_202 = tpu.vector_load %arg5[%parallel_loop3A_201] {strides = array<i32>} : memref<256xf32, #tpu.memory_space<vmem>>, vector<16xf32>,
      tpu.vector_store %arg5[%parallel_loop3A_201], %broadcast_in_dim3A_24 {strides = array<i32>} : memref<256xf32, #tpu.memory_space<vmem>>, vector<16xf32>,
    } {sc.loop_unroll_factor = 4 : i64, sc.parallel_access}
    %dma_wait3A_106 = arith.constant 4 : i32
    %dma_wait3A_107 = arith.constant 0 : i32
    %dma_wait3A_108 = tpu.memref_slice %arg4[%dma_wait3A_106, %dma_wait3A_107] : memref<8x2048xf32, #tpu.memory_space<vmem>> -> memref<4x2048xf32, #tpu.memory_space<vmem>>
    %dma_wait3A_109 = arith.constant 0 : i32
    %dma_wait3A_110 = tpu.memref_slice %arg2[%add3A_13, %dma_wait3A_109] : memref<256x2048xf32, #tpu.memory_space<hbm>> -> memref<4x2048xf32, #tpu.memory_space<hbm>>
    %dma_wait3A_111 = arith.constant 4 : i32
    %dma_wait3A_112 = arith.constant 0 : i32
    %dma_wait3A_113 = tpu.memref_slice %arg4[%dma_wait3A_111, %dma_wait3A_112] : memref<8x2048xf32, #tpu.memory_space<vmem>> -> memref<4x2048xf32, #tpu.memory_space<vmem>>
    %dma_wait3A_114 = arith.constant 0 : i32
    %dma_wait3A_115 = tpu.memref_slice %arg2[%add3A_13, %dma_wait3A_114] : memref<256x2048xf32, #tpu.memory_space<hbm>> -> memref<4x2048xf32, #tpu.memory_space<hbm>>
    tpu.wait_dma2 semaphore(%arg8 : memref<!tpu.dma_semaphore, #tpu.memory_space<semaphore_mem>>) src(%dma_wait3A_115 : memref<4x2048xf32, #tpu.memory_space<hbm>>) dst(%dma_wait3A_113 : memref<4x2048xf32, #tpu.memory_space<vmem>>)
    %get3A_116 = arith.constant 4 : i32
    %get3A_117 = arith.index_cast %get3A_116 : i32 to index
    %get3A_118 = arith.constant 0 : index
    %get3A_119 = tpu.vector_load %arg4[%get3A_117, %get3A_118] {strides = array<i32>} : memref<8x2048xf32, #tpu.memory_space<vmem>>, vector<16xf32>,
    %parallel_loop3A_120 = arith.constant 1 : i32
    %parallel_loop3A_121 = arith.constant 128 : i32
    %parallel_loop3A_122 = arith.constant 1 : i32
    %parallel_loop3A_123 = scf.for %parallel_loop3A_188 = %parallel_loop3A_120 to %parallel_loop3A_121 step %parallel_loop3A_122 iter_args(%parallel_loop3A_189 = %get3A_119) -> (vector<16xf32>)  : i32 {
      %parallel_loop3A_190 = arith.constant 16 : i32
      %parallel_loop3A_191 = arith.muli %parallel_loop3A_188, %parallel_loop3A_190 : i32
      %parallel_loop3A_192 = arith.constant 4 : i32
      %parallel_loop3A_193 = arith.index_cast %parallel_loop3A_192 : i32 to index
      %parallel_loop3A_194 = arith.index_cast %parallel_loop3A_191 : i32 to index
      %parallel_loop3A_195 = tpu.vector_load %arg4[%parallel_loop3A_193, %parallel_loop3A_194] {strides = array<i32>} : memref<8x2048xf32, #tpu.memory_space<vmem>>, vector<16xf32>,
      %parallel_loop3A_196 = arith.maximumf %parallel_loop3A_189, %parallel_loop3A_195 : vector<16xf32>
      scf.yield %parallel_loop3A_196 : vector<16xf32>
    } {sc.loop_unroll_factor = 8 : i64, sc.parallel_access}
    %reduce_max3A_124 = arith.constant true
    %reduce_max3A_125 = vector.broadcast %reduce_max3A_124 : i1 to vector<16xi1>
    %reduce_max3A_126 = tpu.scan <max>, %parallel_loop3A_123 masked %reduce_max3A_125 : vector<16xf32>, vector<16xi1> -> vector<16xf32>
    %reduce_max3A_127 = vector.extract %reduce_max3A_126[15] : f32 from vector<16xf32>
    %parallel_loop3A_128 = arith.constant 0 : i32
    %parallel_loop3A_129 = arith.constant 128 : i32
    %parallel_loop3A_130 = arith.constant 1 : i32
    scf.for %parallel_loop3A_188 = %parallel_loop3A_128 to %parallel_loop3A_129 step %parallel_loop3A_130  : i32 {
      %parallel_loop3A_189 = arith.constant 16 : i32
      %parallel_loop3A_190 = arith.muli %parallel_loop3A_188, %parallel_loop3A_189 : i32
      %parallel_loop3A_191 = arith.constant 4 : i32
      %parallel_loop3A_192 = arith.index_cast %parallel_loop3A_191 : i32 to index
      %parallel_loop3A_193 = arith.index_cast %parallel_loop3A_190 : i32 to index
      %parallel_loop3A_194 = tpu.vector_load %arg4[%parallel_loop3A_192, %parallel_loop3A_193] {strides = array<i32>} : memref<8x2048xf32, #tpu.memory_space<vmem>>, vector<16xf32>,
      %parallel_loop3A_195 = vector.broadcast %reduce_max3A_127 : f32 to vector<16xf32>
      %parallel_loop3A_196 = arith.divf %parallel_loop3A_194, %parallel_loop3A_195 : vector<16xf32>
      %parallel_loop3A_197 = arith.constant 2.550000e+02 : f32
      %parallel_loop3A_198 = vector.broadcast %parallel_loop3A_197 : f32 to vector<16xf32>
      %parallel_loop3A_199 = arith.mulf %parallel_loop3A_196, %parallel_loop3A_198 : vector<16xf32>
      %parallel_loop3A_200 = arith.constant 0x4B000000 : f32
      %parallel_loop3A_201 = vector.broadcast %parallel_loop3A_200 : f32 to vector<16xf32>
      %parallel_loop3A_202 = arith.addf %parallel_loop3A_199, %parallel_loop3A_201 : vector<16xf32>
      %parallel_loop3A_203 = vector.bitcast %parallel_loop3A_202 : vector<16xf32> to vector<16xi32>
      %parallel_loop3A_204 = arith.constant 1258291200 : i32
      %parallel_loop3A_205 = vector.broadcast %parallel_loop3A_204 : i32 to vector<16xi32>
      %parallel_loop3A_206 = arith.subi %parallel_loop3A_203, %parallel_loop3A_205 : vector<16xi32>
      %parallel_loop3A_207 = arith.constant 0 : i32
      %parallel_loop3A_208 = vector.broadcast %parallel_loop3A_207 : i32 to vector<16xi32>
      %parallel_loop3A_209 = arith.maxsi %parallel_loop3A_206, %parallel_loop3A_208 : vector<16xi32>
      %parallel_loop3A_210 = arith.constant 255 : i32
      %parallel_loop3A_211 = vector.broadcast %parallel_loop3A_210 : i32 to vector<16xi32>
      %parallel_loop3A_212 = arith.minsi %parallel_loop3A_209, %parallel_loop3A_211 : vector<16xi32>
      %parallel_loop3A_213 = arith.constant true
      %parallel_loop3A_214 = vector.broadcast %parallel_loop3A_213 : i1 to vector<16xi1>
      %parallel_loop3A_215, %parallel_loop3A_216 = tpu.scan_count mask(%parallel_loop3A_214 : vector<16xi1>) value(%parallel_loop3A_212 : vector<16xi32>) : vector<16xi1>, vector<16xi32>
      %parallel_loop3A_217 = arith.sitofp %parallel_loop3A_216 : vector<16xi32> to vector<16xf32>
      tpu.vector_store_idx %arg5[%parallel_loop3A_212], %parallel_loop3A_217 masked %parallel_loop3A_215 {add = true} : memref<256xf32, #tpu.memory_space<vmem>>[vector<16xi32>], vector<16xf32>, vector<16xi1>
    } {sc.loop_unroll_factor = 8 : i64, sc.parallel_access}
    %parallel_loop3A_131 = arith.constant 0 : i32
    %parallel_loop3A_132 = arith.constant 16 : i32
    %parallel_loop3A_133 = arith.constant 1 : i32
    scf.for %parallel_loop3A_188 = %parallel_loop3A_131 to %parallel_loop3A_132 step %parallel_loop3A_133  : i32 {
      %parallel_loop3A_189 = arith.constant 16 : i32
      %parallel_loop3A_190 = arith.muli %parallel_loop3A_188, %parallel_loop3A_189 : i32
      %parallel_loop3A_191 = arith.index_cast %parallel_loop3A_190 : i32 to index
      %parallel_loop3A_192 = tpu.vector_load %arg5[%parallel_loop3A_191] {strides = array<i32>} : memref<256xf32, #tpu.memory_space<vmem>>, vector<16xf32>,
      %parallel_loop3A_193 = arith.constant 16 : i32
      %parallel_loop3A_194 = arith.muli %parallel_loop3A_188, %parallel_loop3A_193 : i32
      %parallel_loop3A_195 = arith.constant 4 : i32
      %parallel_loop3A_196 = arith.index_cast %parallel_loop3A_195 : i32 to index
      %parallel_loop3A_197 = arith.index_cast %parallel_loop3A_194 : i32 to index
      %parallel_loop3A_198 = tpu.vector_load %arg6[%parallel_loop3A_196, %parallel_loop3A_197] {strides = array<i32>} : memref<8x256xf32, #tpu.memory_space<vmem>>, vector<16xf32>,
      tpu.vector_store %arg6[%parallel_loop3A_196, %parallel_loop3A_197], %parallel_loop3A_192 {strides = array<i32>} : memref<8x256xf32, #tpu.memory_space<vmem>>, vector<16xf32>,
      %parallel_loop3A_199 = arith.constant 16 : i32
      %parallel_loop3A_200 = arith.muli %parallel_loop3A_188, %parallel_loop3A_199 : i32
      %parallel_loop3A_201 = arith.index_cast %parallel_loop3A_200 : i32 to index
      %parallel_loop3A_202 = tpu.vector_load %arg5[%parallel_loop3A_201] {strides = array<i32>} : memref<256xf32, #tpu.memory_space<vmem>>, vector<16xf32>,
      tpu.vector_store %arg5[%parallel_loop3A_201], %broadcast_in_dim3A_24 {strides = array<i32>} : memref<256xf32, #tpu.memory_space<vmem>>, vector<16xf32>,
    } {sc.loop_unroll_factor = 4 : i64, sc.parallel_access}
    %get3A_134 = arith.constant 5 : i32
    %get3A_135 = arith.index_cast %get3A_134 : i32 to index
    %get3A_136 = arith.constant 0 : index
    %get3A_137 = tpu.vector_load %arg4[%get3A_135, %get3A_136] {strides = array<i32>} : memref<8x2048xf32, #tpu.memory_space<vmem>>, vector<16xf32>,
    %parallel_loop3A_138 = arith.constant 1 : i32
    %parallel_loop3A_139 = arith.constant 128 : i32
    %parallel_loop3A_140 = arith.constant 1 : i32
    %parallel_loop3A_141 = scf.for %parallel_loop3A_188 = %parallel_loop3A_138 to %parallel_loop3A_139 step %parallel_loop3A_140 iter_args(%parallel_loop3A_189 = %get3A_137) -> (vector<16xf32>)  : i32 {
      %parallel_loop3A_190 = arith.constant 16 : i32
      %parallel_loop3A_191 = arith.muli %parallel_loop3A_188, %parallel_loop3A_190 : i32
      %parallel_loop3A_192 = arith.constant 5 : i32
      %parallel_loop3A_193 = arith.index_cast %parallel_loop3A_192 : i32 to index
      %parallel_loop3A_194 = arith.index_cast %parallel_loop3A_191 : i32 to index
      %parallel_loop3A_195 = tpu.vector_load %arg4[%parallel_loop3A_193, %parallel_loop3A_194] {strides = array<i32>} : memref<8x2048xf32, #tpu.memory_space<vmem>>, vector<16xf32>,
      %parallel_loop3A_196 = arith.maximumf %parallel_loop3A_189, %parallel_loop3A_195 : vector<16xf32>
      scf.yield %parallel_loop3A_196 : vector<16xf32>
    } {sc.loop_unroll_factor = 8 : i64, sc.parallel_access}
    %reduce_max3A_142 = arith.constant true
    %reduce_max3A_143 = vector.broadcast %reduce_max3A_142 : i1 to vector<16xi1>
    %reduce_max3A_144 = tpu.scan <max>, %parallel_loop3A_141 masked %reduce_max3A_143 : vector<16xf32>, vector<16xi1> -> vector<16xf32>
    %reduce_max3A_145 = vector.extract %reduce_max3A_144[15] : f32 from vector<16xf32>
    %parallel_loop3A_146 = arith.constant 0 : i32
    %parallel_loop3A_147 = arith.constant 128 : i32
    %parallel_loop3A_148 = arith.constant 1 : i32
    scf.for %parallel_loop3A_188 = %parallel_loop3A_146 to %parallel_loop3A_147 step %parallel_loop3A_148  : i32 {
      %parallel_loop3A_189 = arith.constant 16 : i32
      %parallel_loop3A_190 = arith.muli %parallel_loop3A_188, %parallel_loop3A_189 : i32
      %parallel_loop3A_191 = arith.constant 5 : i32
      %parallel_loop3A_192 = arith.index_cast %parallel_loop3A_191 : i32 to index
      %parallel_loop3A_193 = arith.index_cast %parallel_loop3A_190 : i32 to index
      %parallel_loop3A_194 = tpu.vector_load %arg4[%parallel_loop3A_192, %parallel_loop3A_193] {strides = array<i32>} : memref<8x2048xf32, #tpu.memory_space<vmem>>, vector<16xf32>,
      %parallel_loop3A_195 = vector.broadcast %reduce_max3A_145 : f32 to vector<16xf32>
      %parallel_loop3A_196 = arith.divf %parallel_loop3A_194, %parallel_loop3A_195 : vector<16xf32>
      %parallel_loop3A_197 = arith.constant 2.550000e+02 : f32
      %parallel_loop3A_198 = vector.broadcast %parallel_loop3A_197 : f32 to vector<16xf32>
      %parallel_loop3A_199 = arith.mulf %parallel_loop3A_196, %parallel_loop3A_198 : vector<16xf32>
      %parallel_loop3A_200 = arith.constant 0x4B000000 : f32
      %parallel_loop3A_201 = vector.broadcast %parallel_loop3A_200 : f32 to vector<16xf32>
      %parallel_loop3A_202 = arith.addf %parallel_loop3A_199, %parallel_loop3A_201 : vector<16xf32>
      %parallel_loop3A_203 = vector.bitcast %parallel_loop3A_202 : vector<16xf32> to vector<16xi32>
      %parallel_loop3A_204 = arith.constant 1258291200 : i32
      %parallel_loop3A_205 = vector.broadcast %parallel_loop3A_204 : i32 to vector<16xi32>
      %parallel_loop3A_206 = arith.subi %parallel_loop3A_203, %parallel_loop3A_205 : vector<16xi32>
      %parallel_loop3A_207 = arith.constant 0 : i32
      %parallel_loop3A_208 = vector.broadcast %parallel_loop3A_207 : i32 to vector<16xi32>
      %parallel_loop3A_209 = arith.maxsi %parallel_loop3A_206, %parallel_loop3A_208 : vector<16xi32>
      %parallel_loop3A_210 = arith.constant 255 : i32
      %parallel_loop3A_211 = vector.broadcast %parallel_loop3A_210 : i32 to vector<16xi32>
      %parallel_loop3A_212 = arith.minsi %parallel_loop3A_209, %parallel_loop3A_211 : vector<16xi32>
      %parallel_loop3A_213 = arith.constant true
      %parallel_loop3A_214 = vector.broadcast %parallel_loop3A_213 : i1 to vector<16xi1>
      %parallel_loop3A_215, %parallel_loop3A_216 = tpu.scan_count mask(%parallel_loop3A_214 : vector<16xi1>) value(%parallel_loop3A_212 : vector<16xi32>) : vector<16xi1>, vector<16xi32>
      %parallel_loop3A_217 = arith.sitofp %parallel_loop3A_216 : vector<16xi32> to vector<16xf32>
      tpu.vector_store_idx %arg5[%parallel_loop3A_212], %parallel_loop3A_217 masked %parallel_loop3A_215 {add = true} : memref<256xf32, #tpu.memory_space<vmem>>[vector<16xi32>], vector<16xf32>, vector<16xi1>
    } {sc.loop_unroll_factor = 8 : i64, sc.parallel_access}
    %parallel_loop3A_149 = arith.constant 0 : i32
    %parallel_loop3A_150 = arith.constant 16 : i32
    %parallel_loop3A_151 = arith.constant 1 : i32
    scf.for %parallel_loop3A_188 = %parallel_loop3A_149 to %parallel_loop3A_150 step %parallel_loop3A_151  : i32 {
      %parallel_loop3A_189 = arith.constant 16 : i32
      %parallel_loop3A_190 = arith.muli %parallel_loop3A_188, %parallel_loop3A_189 : i32
      %parallel_loop3A_191 = arith.index_cast %parallel_loop3A_190 : i32 to index
      %parallel_loop3A_192 = tpu.vector_load %arg5[%parallel_loop3A_191] {strides = array<i32>} : memref<256xf32, #tpu.memory_space<vmem>>, vector<16xf32>,
      %parallel_loop3A_193 = arith.constant 16 : i32
      %parallel_loop3A_194 = arith.muli %parallel_loop3A_188, %parallel_loop3A_193 : i32
      %parallel_loop3A_195 = arith.constant 5 : i32
      %parallel_loop3A_196 = arith.index_cast %parallel_loop3A_195 : i32 to index
      %parallel_loop3A_197 = arith.index_cast %parallel_loop3A_194 : i32 to index
      %parallel_loop3A_198 = tpu.vector_load %arg6[%parallel_loop3A_196, %parallel_loop3A_197] {strides = array<i32>} : memref<8x256xf32, #tpu.memory_space<vmem>>, vector<16xf32>,
      tpu.vector_store %arg6[%parallel_loop3A_196, %parallel_loop3A_197], %parallel_loop3A_192 {strides = array<i32>} : memref<8x256xf32, #tpu.memory_space<vmem>>, vector<16xf32>,
      %parallel_loop3A_199 = arith.constant 16 : i32
      %parallel_loop3A_200 = arith.muli %parallel_loop3A_188, %parallel_loop3A_199 : i32
      %parallel_loop3A_201 = arith.index_cast %parallel_loop3A_200 : i32 to index
      %parallel_loop3A_202 = tpu.vector_load %arg5[%parallel_loop3A_201] {strides = array<i32>} : memref<256xf32, #tpu.memory_space<vmem>>, vector<16xf32>,
      tpu.vector_store %arg5[%parallel_loop3A_201], %broadcast_in_dim3A_24 {strides = array<i32>} : memref<256xf32, #tpu.memory_space<vmem>>, vector<16xf32>,
    } {sc.loop_unroll_factor = 4 : i64, sc.parallel_access}
    %get3A_152 = arith.constant 6 : i32
    %get3A_153 = arith.index_cast %get3A_152 : i32 to index
    %get3A_154 = arith.constant 0 : index
    %get3A_155 = tpu.vector_load %arg4[%get3A_153, %get3A_154] {strides = array<i32>} : memref<8x2048xf32, #tpu.memory_space<vmem>>, vector<16xf32>,
    %parallel_loop3A_156 = arith.constant 1 : i32
    %parallel_loop3A_157 = arith.constant 128 : i32
    %parallel_loop3A_158 = arith.constant 1 : i32
    %parallel_loop3A_159 = scf.for %parallel_loop3A_188 = %parallel_loop3A_156 to %parallel_loop3A_157 step %parallel_loop3A_158 iter_args(%parallel_loop3A_189 = %get3A_155) -> (vector<16xf32>)  : i32 {
      %parallel_loop3A_190 = arith.constant 16 : i32
      %parallel_loop3A_191 = arith.muli %parallel_loop3A_188, %parallel_loop3A_190 : i32
      %parallel_loop3A_192 = arith.constant 6 : i32
      %parallel_loop3A_193 = arith.index_cast %parallel_loop3A_192 : i32 to index
      %parallel_loop3A_194 = arith.index_cast %parallel_loop3A_191 : i32 to index
      %parallel_loop3A_195 = tpu.vector_load %arg4[%parallel_loop3A_193, %parallel_loop3A_194] {strides = array<i32>} : memref<8x2048xf32, #tpu.memory_space<vmem>>, vector<16xf32>,
      %parallel_loop3A_196 = arith.maximumf %parallel_loop3A_189, %parallel_loop3A_195 : vector<16xf32>
      scf.yield %parallel_loop3A_196 : vector<16xf32>
    } {sc.loop_unroll_factor = 8 : i64, sc.parallel_access}
    %reduce_max3A_160 = arith.constant true
    %reduce_max3A_161 = vector.broadcast %reduce_max3A_160 : i1 to vector<16xi1>
    %reduce_max3A_162 = tpu.scan <max>, %parallel_loop3A_159 masked %reduce_max3A_161 : vector<16xf32>, vector<16xi1> -> vector<16xf32>
    %reduce_max3A_163 = vector.extract %reduce_max3A_162[15] : f32 from vector<16xf32>
    %parallel_loop3A_164 = arith.constant 0 : i32
    %parallel_loop3A_165 = arith.constant 128 : i32
    %parallel_loop3A_166 = arith.constant 1 : i32
    scf.for %parallel_loop3A_188 = %parallel_loop3A_164 to %parallel_loop3A_165 step %parallel_loop3A_166  : i32 {
      %parallel_loop3A_189 = arith.constant 16 : i32
      %parallel_loop3A_190 = arith.muli %parallel_loop3A_188, %parallel_loop3A_189 : i32
      %parallel_loop3A_191 = arith.constant 6 : i32
      %parallel_loop3A_192 = arith.index_cast %parallel_loop3A_191 : i32 to index
      %parallel_loop3A_193 = arith.index_cast %parallel_loop3A_190 : i32 to index
      %parallel_loop3A_194 = tpu.vector_load %arg4[%parallel_loop3A_192, %parallel_loop3A_193] {strides = array<i32>} : memref<8x2048xf32, #tpu.memory_space<vmem>>, vector<16xf32>,
      %parallel_loop3A_195 = vector.broadcast %reduce_max3A_163 : f32 to vector<16xf32>
      %parallel_loop3A_196 = arith.divf %parallel_loop3A_194, %parallel_loop3A_195 : vector<16xf32>
      %parallel_loop3A_197 = arith.constant 2.550000e+02 : f32
      %parallel_loop3A_198 = vector.broadcast %parallel_loop3A_197 : f32 to vector<16xf32>
      %parallel_loop3A_199 = arith.mulf %parallel_loop3A_196, %parallel_loop3A_198 : vector<16xf32>
      %parallel_loop3A_200 = arith.constant 0x4B000000 : f32
      %parallel_loop3A_201 = vector.broadcast %parallel_loop3A_200 : f32 to vector<16xf32>
      %parallel_loop3A_202 = arith.addf %parallel_loop3A_199, %parallel_loop3A_201 : vector<16xf32>
      %parallel_loop3A_203 = vector.bitcast %parallel_loop3A_202 : vector<16xf32> to vector<16xi32>
      %parallel_loop3A_204 = arith.constant 1258291200 : i32
      %parallel_loop3A_205 = vector.broadcast %parallel_loop3A_204 : i32 to vector<16xi32>
      %parallel_loop3A_206 = arith.subi %parallel_loop3A_203, %parallel_loop3A_205 : vector<16xi32>
      %parallel_loop3A_207 = arith.constant 0 : i32
      %parallel_loop3A_208 = vector.broadcast %parallel_loop3A_207 : i32 to vector<16xi32>
      %parallel_loop3A_209 = arith.maxsi %parallel_loop3A_206, %parallel_loop3A_208 : vector<16xi32>
      %parallel_loop3A_210 = arith.constant 255 : i32
      %parallel_loop3A_211 = vector.broadcast %parallel_loop3A_210 : i32 to vector<16xi32>
      %parallel_loop3A_212 = arith.minsi %parallel_loop3A_209, %parallel_loop3A_211 : vector<16xi32>
      %parallel_loop3A_213 = arith.constant true
      %parallel_loop3A_214 = vector.broadcast %parallel_loop3A_213 : i1 to vector<16xi1>
      %parallel_loop3A_215, %parallel_loop3A_216 = tpu.scan_count mask(%parallel_loop3A_214 : vector<16xi1>) value(%parallel_loop3A_212 : vector<16xi32>) : vector<16xi1>, vector<16xi32>
      %parallel_loop3A_217 = arith.sitofp %parallel_loop3A_216 : vector<16xi32> to vector<16xf32>
      tpu.vector_store_idx %arg5[%parallel_loop3A_212], %parallel_loop3A_217 masked %parallel_loop3A_215 {add = true} : memref<256xf32, #tpu.memory_space<vmem>>[vector<16xi32>], vector<16xf32>, vector<16xi1>
    } {sc.loop_unroll_factor = 8 : i64, sc.parallel_access}
    %parallel_loop3A_167 = arith.constant 0 : i32
    %parallel_loop3A_168 = arith.constant 16 : i32
    %parallel_loop3A_169 = arith.constant 1 : i32
    scf.for %parallel_loop3A_188 = %parallel_loop3A_167 to %parallel_loop3A_168 step %parallel_loop3A_169  : i32 {
      %parallel_loop3A_189 = arith.constant 16 : i32
      %parallel_loop3A_190 = arith.muli %parallel_loop3A_188, %parallel_loop3A_189 : i32
      %parallel_loop3A_191 = arith.index_cast %parallel_loop3A_190 : i32 to index
      %parallel_loop3A_192 = tpu.vector_load %arg5[%parallel_loop3A_191] {strides = array<i32>} : memref<256xf32, #tpu.memory_space<vmem>>, vector<16xf32>,
      %parallel_loop3A_193 = arith.constant 16 : i32
      %parallel_loop3A_194 = arith.muli %parallel_loop3A_188, %parallel_loop3A_193 : i32
      %parallel_loop3A_195 = arith.constant 6 : i32
      %parallel_loop3A_196 = arith.index_cast %parallel_loop3A_195 : i32 to index
      %parallel_loop3A_197 = arith.index_cast %parallel_loop3A_194 : i32 to index
      %parallel_loop3A_198 = tpu.vector_load %arg6[%parallel_loop3A_196, %parallel_loop3A_197] {strides = array<i32>} : memref<8x256xf32, #tpu.memory_space<vmem>>, vector<16xf32>,
      tpu.vector_store %arg6[%parallel_loop3A_196, %parallel_loop3A_197], %parallel_loop3A_192 {strides = array<i32>} : memref<8x256xf32, #tpu.memory_space<vmem>>, vector<16xf32>,
      %parallel_loop3A_199 = arith.constant 16 : i32
      %parallel_loop3A_200 = arith.muli %parallel_loop3A_188, %parallel_loop3A_199 : i32
      %parallel_loop3A_201 = arith.index_cast %parallel_loop3A_200 : i32 to index
      %parallel_loop3A_202 = tpu.vector_load %arg5[%parallel_loop3A_201] {strides = array<i32>} : memref<256xf32, #tpu.memory_space<vmem>>, vector<16xf32>,
      tpu.vector_store %arg5[%parallel_loop3A_201], %broadcast_in_dim3A_24 {strides = array<i32>} : memref<256xf32, #tpu.memory_space<vmem>>, vector<16xf32>,
    } {sc.loop_unroll_factor = 4 : i64, sc.parallel_access}
    %get3A_170 = arith.constant 7 : i32
    %get3A_171 = arith.index_cast %get3A_170 : i32 to index
    %get3A_172 = arith.constant 0 : index
    %get3A_173 = tpu.vector_load %arg4[%get3A_171, %get3A_172] {strides = array<i32>} : memref<8x2048xf32, #tpu.memory_space<vmem>>, vector<16xf32>,
    %parallel_loop3A_174 = arith.constant 1 : i32
    %parallel_loop3A_175 = arith.constant 128 : i32
    %parallel_loop3A_176 = arith.constant 1 : i32
    %parallel_loop3A_177 = scf.for %parallel_loop3A_188 = %parallel_loop3A_174 to %parallel_loop3A_175 step %parallel_loop3A_176 iter_args(%parallel_loop3A_189 = %get3A_173) -> (vector<16xf32>)  : i32 {
      %parallel_loop3A_190 = arith.constant 16 : i32
      %parallel_loop3A_191 = arith.muli %parallel_loop3A_188, %parallel_loop3A_190 : i32
      %parallel_loop3A_192 = arith.constant 7 : i32
      %parallel_loop3A_193 = arith.index_cast %parallel_loop3A_192 : i32 to index
      %parallel_loop3A_194 = arith.index_cast %parallel_loop3A_191 : i32 to index
      %parallel_loop3A_195 = tpu.vector_load %arg4[%parallel_loop3A_193, %parallel_loop3A_194] {strides = array<i32>} : memref<8x2048xf32, #tpu.memory_space<vmem>>, vector<16xf32>,
      %parallel_loop3A_196 = arith.maximumf %parallel_loop3A_189, %parallel_loop3A_195 : vector<16xf32>
      scf.yield %parallel_loop3A_196 : vector<16xf32>
    } {sc.loop_unroll_factor = 8 : i64, sc.parallel_access}
    %reduce_max3A_178 = arith.constant true
    %reduce_max3A_179 = vector.broadcast %reduce_max3A_178 : i1 to vector<16xi1>
    %reduce_max3A_180 = tpu.scan <max>, %parallel_loop3A_177 masked %reduce_max3A_179 : vector<16xf32>, vector<16xi1> -> vector<16xf32>
    %reduce_max3A_181 = vector.extract %reduce_max3A_180[15] : f32 from vector<16xf32>
    %parallel_loop3A_182 = arith.constant 0 : i32
    %parallel_loop3A_183 = arith.constant 128 : i32
    %parallel_loop3A_184 = arith.constant 1 : i32
    scf.for %parallel_loop3A_188 = %parallel_loop3A_182 to %parallel_loop3A_183 step %parallel_loop3A_184  : i32 {
      %parallel_loop3A_189 = arith.constant 16 : i32
      %parallel_loop3A_190 = arith.muli %parallel_loop3A_188, %parallel_loop3A_189 : i32
      %parallel_loop3A_191 = arith.constant 7 : i32
      %parallel_loop3A_192 = arith.index_cast %parallel_loop3A_191 : i32 to index
      %parallel_loop3A_193 = arith.index_cast %parallel_loop3A_190 : i32 to index
      %parallel_loop3A_194 = tpu.vector_load %arg4[%parallel_loop3A_192, %parallel_loop3A_193] {strides = array<i32>} : memref<8x2048xf32, #tpu.memory_space<vmem>>, vector<16xf32>,
      %parallel_loop3A_195 = vector.broadcast %reduce_max3A_181 : f32 to vector<16xf32>
      %parallel_loop3A_196 = arith.divf %parallel_loop3A_194, %parallel_loop3A_195 : vector<16xf32>
      %parallel_loop3A_197 = arith.constant 2.550000e+02 : f32
      %parallel_loop3A_198 = vector.broadcast %parallel_loop3A_197 : f32 to vector<16xf32>
      %parallel_loop3A_199 = arith.mulf %parallel_loop3A_196, %parallel_loop3A_198 : vector<16xf32>
      %parallel_loop3A_200 = arith.constant 0x4B000000 : f32
      %parallel_loop3A_201 = vector.broadcast %parallel_loop3A_200 : f32 to vector<16xf32>
      %parallel_loop3A_202 = arith.addf %parallel_loop3A_199, %parallel_loop3A_201 : vector<16xf32>
      %parallel_loop3A_203 = vector.bitcast %parallel_loop3A_202 : vector<16xf32> to vector<16xi32>
      %parallel_loop3A_204 = arith.constant 1258291200 : i32
      %parallel_loop3A_205 = vector.broadcast %parallel_loop3A_204 : i32 to vector<16xi32>
      %parallel_loop3A_206 = arith.subi %parallel_loop3A_203, %parallel_loop3A_205 : vector<16xi32>
      %parallel_loop3A_207 = arith.constant 0 : i32
      %parallel_loop3A_208 = vector.broadcast %parallel_loop3A_207 : i32 to vector<16xi32>
      %parallel_loop3A_209 = arith.maxsi %parallel_loop3A_206, %parallel_loop3A_208 : vector<16xi32>
      %parallel_loop3A_210 = arith.constant 255 : i32
      %parallel_loop3A_211 = vector.broadcast %parallel_loop3A_210 : i32 to vector<16xi32>
      %parallel_loop3A_212 = arith.minsi %parallel_loop3A_209, %parallel_loop3A_211 : vector<16xi32>
      %parallel_loop3A_213 = arith.constant true
      %parallel_loop3A_214 = vector.broadcast %parallel_loop3A_213 : i1 to vector<16xi1>
      %parallel_loop3A_215, %parallel_loop3A_216 = tpu.scan_count mask(%parallel_loop3A_214 : vector<16xi1>) value(%parallel_loop3A_212 : vector<16xi32>) : vector<16xi1>, vector<16xi32>
      %parallel_loop3A_217 = arith.sitofp %parallel_loop3A_216 : vector<16xi32> to vector<16xf32>
      tpu.vector_store_idx %arg5[%parallel_loop3A_212], %parallel_loop3A_217 masked %parallel_loop3A_215 {add = true} : memref<256xf32, #tpu.memory_space<vmem>>[vector<16xi32>], vector<16xf32>, vector<16xi1>
    } {sc.loop_unroll_factor = 8 : i64, sc.parallel_access}
    %parallel_loop3A_185 = arith.constant 0 : i32
    %parallel_loop3A_186 = arith.constant 16 : i32
    %parallel_loop3A_187 = arith.constant 1 : i32
    scf.for %parallel_loop3A_188 = %parallel_loop3A_185 to %parallel_loop3A_186 step %parallel_loop3A_187  : i32 {
      %parallel_loop3A_189 = arith.constant 16 : i32
      %parallel_loop3A_190 = arith.muli %parallel_loop3A_188, %parallel_loop3A_189 : i32
      %parallel_loop3A_191 = arith.index_cast %parallel_loop3A_190 : i32 to index
      %parallel_loop3A_192 = tpu.vector_load %arg5[%parallel_loop3A_191] {strides = array<i32>} : memref<256xf32, #tpu.memory_space<vmem>>, vector<16xf32>,
      %parallel_loop3A_193 = arith.constant 16 : i32
      %parallel_loop3A_194 = arith.muli %parallel_loop3A_188, %parallel_loop3A_193 : i32
      %parallel_loop3A_195 = arith.constant 7 : i32
      %parallel_loop3A_196 = arith.index_cast %parallel_loop3A_195 : i32 to index
      %parallel_loop3A_197 = arith.index_cast %parallel_loop3A_194 : i32 to index
      %parallel_loop3A_198 = tpu.vector_load %arg6[%parallel_loop3A_196, %parallel_loop3A_197] {strides = array<i32>} : memref<8x256xf32, #tpu.memory_space<vmem>>, vector<16xf32>,
      tpu.vector_store %arg6[%parallel_loop3A_196, %parallel_loop3A_197], %parallel_loop3A_192 {strides = array<i32>} : memref<8x256xf32, #tpu.memory_space<vmem>>, vector<16xf32>,
      %parallel_loop3A_199 = arith.constant 16 : i32
      %parallel_loop3A_200 = arith.muli %parallel_loop3A_188, %parallel_loop3A_199 : i32
      %parallel_loop3A_201 = arith.index_cast %parallel_loop3A_200 : i32 to index
      %parallel_loop3A_202 = tpu.vector_load %arg5[%parallel_loop3A_201] {strides = array<i32>} : memref<256xf32, #tpu.memory_space<vmem>>, vector<16xf32>,
      tpu.vector_store %arg5[%parallel_loop3A_201], %broadcast_in_dim3A_24 {strides = array<i32>} : memref<256xf32, #tpu.memory_space<vmem>>, vector<16xf32>,
    } {sc.loop_unroll_factor = 4 : i64, sc.parallel_access}
    "tpu.region"() ({
      %run_scoped3A = tpu.sem_alloc : memref<!tpu.dma_semaphore, #tpu.memory_space<semaphore_mem>>
      %dma_start3A_188 = arith.constant 0 : i32
      %dma_start3A_189 = tpu.memref_slice %arg3[%mul3A_2, %dma_start3A_188] : memref<256x256xf32, #tpu.memory_space<hbm>> -> memref<8x256xf32, #tpu.memory_space<hbm>>
      %dma_start3A_190 = arith.constant 0 : i32
      %dma_start3A_191 = tpu.memref_slice %arg3[%mul3A_2, %dma_start3A_190] : memref<256x256xf32, #tpu.memory_space<hbm>> -> memref<8x256xf32, #tpu.memory_space<hbm>>
      tpu.enqueue_dma source(%arg6 : memref<8x256xf32, #tpu.memory_space<vmem>>) target(%dma_start3A_191 : memref<8x256xf32, #tpu.memory_space<hbm>>) target_semaphore(%run_scoped3A : memref<!tpu.dma_semaphore, #tpu.memory_space<semaphore_mem>>)
      %dma_wait3A_192 = arith.constant 0 : i32
      %dma_wait3A_193 = tpu.memref_slice %arg3[%mul3A_2, %dma_wait3A_192] : memref<256x256xf32, #tpu.memory_space<hbm>> -> memref<8x256xf32, #tpu.memory_space<hbm>>
      %dma_wait3A_194 = arith.constant 0 : i32
      %dma_wait3A_195 = tpu.memref_slice %arg3[%mul3A_2, %dma_wait3A_194] : memref<256x256xf32, #tpu.memory_space<hbm>> -> memref<8x256xf32, #tpu.memory_space<hbm>>
      tpu.wait_dma2 semaphore(%run_scoped3A : memref<!tpu.dma_semaphore, #tpu.memory_space<semaphore_mem>>) src(%arg6 : memref<8x256xf32, #tpu.memory_space<vmem>>) dst(%dma_wait3A_195 : memref<8x256xf32, #tpu.memory_space<hbm>>)
      tpu.yield
    }) : () -> ()
    return
  }
}

module attributes {stable_mosaic.version = 14 : i64} {
  func.func @_tc_combine_body(%arg0: i32, %arg1: memref<256x256xf32, #tpu.memory_space<vmem>>, %arg2: memref<256x2048xf32, #tpu.memory_space<vmem>>, %arg3: memref<16x2048xf32, #tpu.memory_space<vmem>>, %arg4: memref<16x2048xf32, #tpu.memory_space<vmem>>) attributes {dimension_semantics = [#tpu.dimension_semantics<arbitrary>], iteration_bounds = array<i64: 1>, scalar_prefetch = 0 : i64, scratch_operands = 0 : i64, tpu.core_type = #tpu.core_type<tc>, window_params = [{pipeline_mode = #tpu.pipeline_mode<synchronous>, transform_indices = @transform_0, window_bounds = array<i64: 256, 256>}, {transform_indices = @transform_1, window_bounds = array<i64: 256, 2048>}, {pipeline_mode = #tpu.pipeline_mode<synchronous>, transform_indices = @transform_2, window_bounds = array<i64: 16, 2048>}, {pipeline_mode = #tpu.pipeline_mode<synchronous>, transform_indices = @transform_3, window_bounds = array<i64: 16, 2048>}]} {
    %get3A = arith.constant 0 : index
    %get3A_0 = arith.constant 0 : index
    %get3A_1 = vector.load %arg1[%get3A, %get3A_0] : memref<256x256xf32, #tpu.memory_space<vmem>>, vector<256x256xf32>
    %mul3A = arith.constant 3.906250e-03 : f32
    %mul3A_2 = vector.broadcast %mul3A : f32 to vector<256x256xf32>
    %mul3A_3 = arith.mulf %get3A_1, %mul3A_2 : vector<256x256xf32>
    %floor3A = math.floor %mul3A_3 : vector<256x256xf32>
    %mul3A_4 = arith.constant 2.560000e+02 : f32
    %mul3A_5 = vector.broadcast %mul3A_4 : f32 to vector<256x256xf32>
    %mul3A_6 = arith.mulf %floor3A, %mul3A_5 : vector<256x256xf32>
    %sub3A = arith.subf %get3A_1, %mul3A_6 : vector<256x256xf32>
    %get3A_7 = arith.constant 0 : index
    %get3A_8 = arith.constant 0 : index
    %get3A_9 = vector.load %arg2[%get3A_7, %get3A_8] : memref<256x2048xf32, #tpu.memory_space<vmem>>, vector<256x2048xf32>
    %convert_element_type3A = arith.truncf %get3A_9 : vector<256x2048xf32> to vector<256x2048xbf16>
    %convert_element_type3A_10 = arith.truncf %floor3A : vector<256x256xf32> to vector<256x256xbf16>
    %dot_general3A = arith.constant dense<0.000000e+00> : vector<256x2048xf32>
    %dot_general3A_11 = tpu.matmul %convert_element_type3A_10, %convert_element_type3A, %dot_general3A {dimension_numbers = #tpu.dot_dimension_numbers<[1], [0], [0], [1], [0, 0, 1, 1], [], []>, transpose_lhs_hint = false} : vector<256x256xbf16>, vector<256x2048xbf16>, vector<256x2048xf32> -> vector<256x2048xf32>
    %convert_element_type3A_12 = arith.truncf %sub3A : vector<256x256xf32> to vector<256x256xbf16>
    %dot_general3A_13 = arith.constant dense<0.000000e+00> : vector<256x2048xf32>
    %dot_general3A_14 = tpu.matmul %convert_element_type3A_12, %convert_element_type3A, %dot_general3A_13 {dimension_numbers = #tpu.dot_dimension_numbers<[1], [0], [0], [1], [0, 0, 1, 1], [], []>, transpose_lhs_hint = false} : vector<256x256xbf16>, vector<256x2048xbf16>, vector<256x2048xf32> -> vector<256x2048xf32>
    %mul3A_15 = arith.constant 2.560000e+02 : f32
    %mul3A_16 = vector.broadcast %mul3A_15 : f32 to vector<256x2048xf32>
    %mul3A_17 = arith.mulf %dot_general3A_11, %mul3A_16 : vector<256x2048xf32>
    %add3A = arith.addf %mul3A_17, %dot_general3A_14 : vector<256x2048xf32>
    %get3A_18 = arith.constant 0 : index
    %get3A_19 = arith.constant 0 : index
    %get3A_20 = vector.load %arg3[%get3A_18, %get3A_19] : memref<16x2048xf32, #tpu.memory_space<vmem>>, vector<16x2048xf32>
    %slice3A = vector.extract_strided_slice %add3A {offsets = [0, 0], sizes = [16, 2048], strides = [1, 1]} : vector<256x2048xf32> to vector<16x2048xf32>
    %mul3A_21 = arith.mulf %slice3A, %get3A_20 : vector<16x2048xf32>
    %reduce_sum3A = arith.constant dense<0.000000e+00> : vector<2048xf32>
    %reduce_sum3A_22 = vector.multi_reduction <add>, %mul3A_21, %reduce_sum3A [0] : vector<16x2048xf32> to vector<2048xf32>
    %broadcast_in_dim3A = vector.shape_cast %reduce_sum3A_22 : vector<2048xf32> to vector<1x2048xf32>
    %sign3A = tpu.bitcast %broadcast_in_dim3A : vector<1x2048xf32> -> vector<1x2048xi32>
    %sign3A_23 = arith.constant -2147483648 : i32
    %sign3A_24 = vector.broadcast %sign3A_23 : i32 to vector<1x2048xi32>
    %sign3A_25 = arith.andi %sign3A, %sign3A_24 : vector<1x2048xi32>
    %sign3A_26 = arith.constant 1065353216 : i32
    %sign3A_27 = vector.broadcast %sign3A_26 : i32 to vector<1x2048xi32>
    %sign3A_28 = arith.ori %sign3A_27, %sign3A_25 : vector<1x2048xi32>
    %sign3A_29 = tpu.bitcast %sign3A_28 : vector<1x2048xi32> -> vector<1x2048xf32>
    %sign3A_30 = math.absf %broadcast_in_dim3A : vector<1x2048xf32>
    %sign3A_31 = arith.constant 0.000000e+00 : f32
    %sign3A_32 = vector.broadcast %sign3A_31 : f32 to vector<1x2048xf32>
    %sign3A_33 = arith.cmpf ogt, %sign3A_30, %sign3A_32 : vector<1x2048xf32>
    %sign3A_34 = arith.select %sign3A_33, %sign3A_29, %broadcast_in_dim3A : vector<1x2048xi1>, vector<1x2048xf32>
    %swap3A = arith.constant 0 : index
    %swap3A_35 = arith.constant 0 : index
    %swap3A_36 = vector.load %arg4[%swap3A, %swap3A_35] : memref<16x2048xf32, #tpu.memory_space<vmem>>, vector<1x2048xf32>
    tpu.vector_store %arg4[%swap3A, %swap3A_35], %sign3A_34 {strides = array<i32>} : memref<16x2048xf32, #tpu.memory_space<vmem>>, vector<1x2048xf32>,
    %slice3A_37 = vector.extract_strided_slice %add3A {offsets = [16, 0], sizes = [16, 2048], strides = [1, 1]} : vector<256x2048xf32> to vector<16x2048xf32>
    %mul3A_38 = arith.mulf %slice3A_37, %get3A_20 : vector<16x2048xf32>
    %reduce_sum3A_39 = arith.constant dense<0.000000e+00> : vector<2048xf32>
    %reduce_sum3A_40 = vector.multi_reduction <add>, %mul3A_38, %reduce_sum3A_39 [0] : vector<16x2048xf32> to vector<2048xf32>
    %broadcast_in_dim3A_41 = vector.shape_cast %reduce_sum3A_40 : vector<2048xf32> to vector<1x2048xf32>
    %sign3A_42 = tpu.bitcast %broadcast_in_dim3A_41 : vector<1x2048xf32> -> vector<1x2048xi32>
    %sign3A_43 = arith.constant -2147483648 : i32
    %sign3A_44 = vector.broadcast %sign3A_43 : i32 to vector<1x2048xi32>
    %sign3A_45 = arith.andi %sign3A_42, %sign3A_44 : vector<1x2048xi32>
    %sign3A_46 = arith.constant 1065353216 : i32
    %sign3A_47 = vector.broadcast %sign3A_46 : i32 to vector<1x2048xi32>
    %sign3A_48 = arith.ori %sign3A_47, %sign3A_45 : vector<1x2048xi32>
    %sign3A_49 = tpu.bitcast %sign3A_48 : vector<1x2048xi32> -> vector<1x2048xf32>
    %sign3A_50 = math.absf %broadcast_in_dim3A_41 : vector<1x2048xf32>
    %sign3A_51 = arith.constant 0.000000e+00 : f32
    %sign3A_52 = vector.broadcast %sign3A_51 : f32 to vector<1x2048xf32>
    %sign3A_53 = arith.cmpf ogt, %sign3A_50, %sign3A_52 : vector<1x2048xf32>
    %sign3A_54 = arith.select %sign3A_53, %sign3A_49, %broadcast_in_dim3A_41 : vector<1x2048xi1>, vector<1x2048xf32>
    %swap3A_55 = arith.constant 1 : index
    %swap3A_56 = arith.constant 0 : index
    %swap3A_57 = vector.load %arg4[%swap3A_55, %swap3A_56] : memref<16x2048xf32, #tpu.memory_space<vmem>>, vector<1x2048xf32>
    tpu.vector_store %arg4[%swap3A_55, %swap3A_56], %sign3A_54 {strides = array<i32>} : memref<16x2048xf32, #tpu.memory_space<vmem>>, vector<1x2048xf32>,
    %slice3A_58 = vector.extract_strided_slice %add3A {offsets = [32, 0], sizes = [16, 2048], strides = [1, 1]} : vector<256x2048xf32> to vector<16x2048xf32>
    %mul3A_59 = arith.mulf %slice3A_58, %get3A_20 : vector<16x2048xf32>
    %reduce_sum3A_60 = arith.constant dense<0.000000e+00> : vector<2048xf32>
    %reduce_sum3A_61 = vector.multi_reduction <add>, %mul3A_59, %reduce_sum3A_60 [0] : vector<16x2048xf32> to vector<2048xf32>
    %broadcast_in_dim3A_62 = vector.shape_cast %reduce_sum3A_61 : vector<2048xf32> to vector<1x2048xf32>
    %sign3A_63 = tpu.bitcast %broadcast_in_dim3A_62 : vector<1x2048xf32> -> vector<1x2048xi32>
    %sign3A_64 = arith.constant -2147483648 : i32
    %sign3A_65 = vector.broadcast %sign3A_64 : i32 to vector<1x2048xi32>
    %sign3A_66 = arith.andi %sign3A_63, %sign3A_65 : vector<1x2048xi32>
    %sign3A_67 = arith.constant 1065353216 : i32
    %sign3A_68 = vector.broadcast %sign3A_67 : i32 to vector<1x2048xi32>
    %sign3A_69 = arith.ori %sign3A_68, %sign3A_66 : vector<1x2048xi32>
    %sign3A_70 = tpu.bitcast %sign3A_69 : vector<1x2048xi32> -> vector<1x2048xf32>
    %sign3A_71 = math.absf %broadcast_in_dim3A_62 : vector<1x2048xf32>
    %sign3A_72 = arith.constant 0.000000e+00 : f32
    %sign3A_73 = vector.broadcast %sign3A_72 : f32 to vector<1x2048xf32>
    %sign3A_74 = arith.cmpf ogt, %sign3A_71, %sign3A_73 : vector<1x2048xf32>
    %sign3A_75 = arith.select %sign3A_74, %sign3A_70, %broadcast_in_dim3A_62 : vector<1x2048xi1>, vector<1x2048xf32>
    %swap3A_76 = arith.constant 2 : index
    %swap3A_77 = arith.constant 0 : index
    %swap3A_78 = vector.load %arg4[%swap3A_76, %swap3A_77] : memref<16x2048xf32, #tpu.memory_space<vmem>>, vector<1x2048xf32>
    tpu.vector_store %arg4[%swap3A_76, %swap3A_77], %sign3A_75 {strides = array<i32>} : memref<16x2048xf32, #tpu.memory_space<vmem>>, vector<1x2048xf32>,
    %slice3A_79 = vector.extract_strided_slice %add3A {offsets = [48, 0], sizes = [16, 2048], strides = [1, 1]} : vector<256x2048xf32> to vector<16x2048xf32>
    %mul3A_80 = arith.mulf %slice3A_79, %get3A_20 : vector<16x2048xf32>
    %reduce_sum3A_81 = arith.constant dense<0.000000e+00> : vector<2048xf32>
    %reduce_sum3A_82 = vector.multi_reduction <add>, %mul3A_80, %reduce_sum3A_81 [0] : vector<16x2048xf32> to vector<2048xf32>
    %broadcast_in_dim3A_83 = vector.shape_cast %reduce_sum3A_82 : vector<2048xf32> to vector<1x2048xf32>
    %sign3A_84 = tpu.bitcast %broadcast_in_dim3A_83 : vector<1x2048xf32> -> vector<1x2048xi32>
    %sign3A_85 = arith.constant -2147483648 : i32
    %sign3A_86 = vector.broadcast %sign3A_85 : i32 to vector<1x2048xi32>
    %sign3A_87 = arith.andi %sign3A_84, %sign3A_86 : vector<1x2048xi32>
    %sign3A_88 = arith.constant 1065353216 : i32
    %sign3A_89 = vector.broadcast %sign3A_88 : i32 to vector<1x2048xi32>
    %sign3A_90 = arith.ori %sign3A_89, %sign3A_87 : vector<1x2048xi32>
    %sign3A_91 = tpu.bitcast %sign3A_90 : vector<1x2048xi32> -> vector<1x2048xf32>
    %sign3A_92 = math.absf %broadcast_in_dim3A_83 : vector<1x2048xf32>
    %sign3A_93 = arith.constant 0.000000e+00 : f32
    %sign3A_94 = vector.broadcast %sign3A_93 : f32 to vector<1x2048xf32>
    %sign3A_95 = arith.cmpf ogt, %sign3A_92, %sign3A_94 : vector<1x2048xf32>
    %sign3A_96 = arith.select %sign3A_95, %sign3A_91, %broadcast_in_dim3A_83 : vector<1x2048xi1>, vector<1x2048xf32>
    %swap3A_97 = arith.constant 3 : index
    %swap3A_98 = arith.constant 0 : index
    %swap3A_99 = vector.load %arg4[%swap3A_97, %swap3A_98] : memref<16x2048xf32, #tpu.memory_space<vmem>>, vector<1x2048xf32>
    tpu.vector_store %arg4[%swap3A_97, %swap3A_98], %sign3A_96 {strides = array<i32>} : memref<16x2048xf32, #tpu.memory_space<vmem>>, vector<1x2048xf32>,
    %slice3A_100 = vector.extract_strided_slice %add3A {offsets = [64, 0], sizes = [16, 2048], strides = [1, 1]} : vector<256x2048xf32> to vector<16x2048xf32>
    %mul3A_101 = arith.mulf %slice3A_100, %get3A_20 : vector<16x2048xf32>
    %reduce_sum3A_102 = arith.constant dense<0.000000e+00> : vector<2048xf32>
    %reduce_sum3A_103 = vector.multi_reduction <add>, %mul3A_101, %reduce_sum3A_102 [0] : vector<16x2048xf32> to vector<2048xf32>
    %broadcast_in_dim3A_104 = vector.shape_cast %reduce_sum3A_103 : vector<2048xf32> to vector<1x2048xf32>
    %sign3A_105 = tpu.bitcast %broadcast_in_dim3A_104 : vector<1x2048xf32> -> vector<1x2048xi32>
    %sign3A_106 = arith.constant -2147483648 : i32
    %sign3A_107 = vector.broadcast %sign3A_106 : i32 to vector<1x2048xi32>
    %sign3A_108 = arith.andi %sign3A_105, %sign3A_107 : vector<1x2048xi32>
    %sign3A_109 = arith.constant 1065353216 : i32
    %sign3A_110 = vector.broadcast %sign3A_109 : i32 to vector<1x2048xi32>
    %sign3A_111 = arith.ori %sign3A_110, %sign3A_108 : vector<1x2048xi32>
    %sign3A_112 = tpu.bitcast %sign3A_111 : vector<1x2048xi32> -> vector<1x2048xf32>
    %sign3A_113 = math.absf %broadcast_in_dim3A_104 : vector<1x2048xf32>
    %sign3A_114 = arith.constant 0.000000e+00 : f32
    %sign3A_115 = vector.broadcast %sign3A_114 : f32 to vector<1x2048xf32>
    %sign3A_116 = arith.cmpf ogt, %sign3A_113, %sign3A_115 : vector<1x2048xf32>
    %sign3A_117 = arith.select %sign3A_116, %sign3A_112, %broadcast_in_dim3A_104 : vector<1x2048xi1>, vector<1x2048xf32>
    %swap3A_118 = arith.constant 4 : index
    %swap3A_119 = arith.constant 0 : index
    %swap3A_120 = vector.load %arg4[%swap3A_118, %swap3A_119] : memref<16x2048xf32, #tpu.memory_space<vmem>>, vector<1x2048xf32>
    tpu.vector_store %arg4[%swap3A_118, %swap3A_119], %sign3A_117 {strides = array<i32>} : memref<16x2048xf32, #tpu.memory_space<vmem>>, vector<1x2048xf32>,
    %slice3A_121 = vector.extract_strided_slice %add3A {offsets = [80, 0], sizes = [16, 2048], strides = [1, 1]} : vector<256x2048xf32> to vector<16x2048xf32>
    %mul3A_122 = arith.mulf %slice3A_121, %get3A_20 : vector<16x2048xf32>
    %reduce_sum3A_123 = arith.constant dense<0.000000e+00> : vector<2048xf32>
    %reduce_sum3A_124 = vector.multi_reduction <add>, %mul3A_122, %reduce_sum3A_123 [0] : vector<16x2048xf32> to vector<2048xf32>
    %broadcast_in_dim3A_125 = vector.shape_cast %reduce_sum3A_124 : vector<2048xf32> to vector<1x2048xf32>
    %sign3A_126 = tpu.bitcast %broadcast_in_dim3A_125 : vector<1x2048xf32> -> vector<1x2048xi32>
    %sign3A_127 = arith.constant -2147483648 : i32
    %sign3A_128 = vector.broadcast %sign3A_127 : i32 to vector<1x2048xi32>
    %sign3A_129 = arith.andi %sign3A_126, %sign3A_128 : vector<1x2048xi32>
    %sign3A_130 = arith.constant 1065353216 : i32
    %sign3A_131 = vector.broadcast %sign3A_130 : i32 to vector<1x2048xi32>
    %sign3A_132 = arith.ori %sign3A_131, %sign3A_129 : vector<1x2048xi32>
    %sign3A_133 = tpu.bitcast %sign3A_132 : vector<1x2048xi32> -> vector<1x2048xf32>
    %sign3A_134 = math.absf %broadcast_in_dim3A_125 : vector<1x2048xf32>
    %sign3A_135 = arith.constant 0.000000e+00 : f32
    %sign3A_136 = vector.broadcast %sign3A_135 : f32 to vector<1x2048xf32>
    %sign3A_137 = arith.cmpf ogt, %sign3A_134, %sign3A_136 : vector<1x2048xf32>
    %sign3A_138 = arith.select %sign3A_137, %sign3A_133, %broadcast_in_dim3A_125 : vector<1x2048xi1>, vector<1x2048xf32>
    %swap3A_139 = arith.constant 5 : index
    %swap3A_140 = arith.constant 0 : index
    %swap3A_141 = vector.load %arg4[%swap3A_139, %swap3A_140] : memref<16x2048xf32, #tpu.memory_space<vmem>>, vector<1x2048xf32>
    tpu.vector_store %arg4[%swap3A_139, %swap3A_140], %sign3A_138 {strides = array<i32>} : memref<16x2048xf32, #tpu.memory_space<vmem>>, vector<1x2048xf32>,
    %slice3A_142 = vector.extract_strided_slice %add3A {offsets = [96, 0], sizes = [16, 2048], strides = [1, 1]} : vector<256x2048xf32> to vector<16x2048xf32>
    %mul3A_143 = arith.mulf %slice3A_142, %get3A_20 : vector<16x2048xf32>
    %reduce_sum3A_144 = arith.constant dense<0.000000e+00> : vector<2048xf32>
    %reduce_sum3A_145 = vector.multi_reduction <add>, %mul3A_143, %reduce_sum3A_144 [0] : vector<16x2048xf32> to vector<2048xf32>
    %broadcast_in_dim3A_146 = vector.shape_cast %reduce_sum3A_145 : vector<2048xf32> to vector<1x2048xf32>
    %sign3A_147 = tpu.bitcast %broadcast_in_dim3A_146 : vector<1x2048xf32> -> vector<1x2048xi32>
    %sign3A_148 = arith.constant -2147483648 : i32
    %sign3A_149 = vector.broadcast %sign3A_148 : i32 to vector<1x2048xi32>
    %sign3A_150 = arith.andi %sign3A_147, %sign3A_149 : vector<1x2048xi32>
    %sign3A_151 = arith.constant 1065353216 : i32
    %sign3A_152 = vector.broadcast %sign3A_151 : i32 to vector<1x2048xi32>
    %sign3A_153 = arith.ori %sign3A_152, %sign3A_150 : vector<1x2048xi32>
    %sign3A_154 = tpu.bitcast %sign3A_153 : vector<1x2048xi32> -> vector<1x2048xf32>
    %sign3A_155 = math.absf %broadcast_in_dim3A_146 : vector<1x2048xf32>
    %sign3A_156 = arith.constant 0.000000e+00 : f32
    %sign3A_157 = vector.broadcast %sign3A_156 : f32 to vector<1x2048xf32>
    %sign3A_158 = arith.cmpf ogt, %sign3A_155, %sign3A_157 : vector<1x2048xf32>
    %sign3A_159 = arith.select %sign3A_158, %sign3A_154, %broadcast_in_dim3A_146 : vector<1x2048xi1>, vector<1x2048xf32>
    %swap3A_160 = arith.constant 6 : index
    %swap3A_161 = arith.constant 0 : index
    %swap3A_162 = vector.load %arg4[%swap3A_160, %swap3A_161] : memref<16x2048xf32, #tpu.memory_space<vmem>>, vector<1x2048xf32>
    tpu.vector_store %arg4[%swap3A_160, %swap3A_161], %sign3A_159 {strides = array<i32>} : memref<16x2048xf32, #tpu.memory_space<vmem>>, vector<1x2048xf32>,
    %slice3A_163 = vector.extract_strided_slice %add3A {offsets = [112, 0], sizes = [16, 2048], strides = [1, 1]} : vector<256x2048xf32> to vector<16x2048xf32>
    %mul3A_164 = arith.mulf %slice3A_163, %get3A_20 : vector<16x2048xf32>
    %reduce_sum3A_165 = arith.constant dense<0.000000e+00> : vector<2048xf32>
    %reduce_sum3A_166 = vector.multi_reduction <add>, %mul3A_164, %reduce_sum3A_165 [0] : vector<16x2048xf32> to vector<2048xf32>
    %broadcast_in_dim3A_167 = vector.shape_cast %reduce_sum3A_166 : vector<2048xf32> to vector<1x2048xf32>
    %sign3A_168 = tpu.bitcast %broadcast_in_dim3A_167 : vector<1x2048xf32> -> vector<1x2048xi32>
    %sign3A_169 = arith.constant -2147483648 : i32
    %sign3A_170 = vector.broadcast %sign3A_169 : i32 to vector<1x2048xi32>
    %sign3A_171 = arith.andi %sign3A_168, %sign3A_170 : vector<1x2048xi32>
    %sign3A_172 = arith.constant 1065353216 : i32
    %sign3A_173 = vector.broadcast %sign3A_172 : i32 to vector<1x2048xi32>
    %sign3A_174 = arith.ori %sign3A_173, %sign3A_171 : vector<1x2048xi32>
    %sign3A_175 = tpu.bitcast %sign3A_174 : vector<1x2048xi32> -> vector<1x2048xf32>
    %sign3A_176 = math.absf %broadcast_in_dim3A_167 : vector<1x2048xf32>
    %sign3A_177 = arith.constant 0.000000e+00 : f32
    %sign3A_178 = vector.broadcast %sign3A_177 : f32 to vector<1x2048xf32>
    %sign3A_179 = arith.cmpf ogt, %sign3A_176, %sign3A_178 : vector<1x2048xf32>
    %sign3A_180 = arith.select %sign3A_179, %sign3A_175, %broadcast_in_dim3A_167 : vector<1x2048xi1>, vector<1x2048xf32>
    %swap3A_181 = arith.constant 7 : index
    %swap3A_182 = arith.constant 0 : index
    %swap3A_183 = vector.load %arg4[%swap3A_181, %swap3A_182] : memref<16x2048xf32, #tpu.memory_space<vmem>>, vector<1x2048xf32>
    tpu.vector_store %arg4[%swap3A_181, %swap3A_182], %sign3A_180 {strides = array<i32>} : memref<16x2048xf32, #tpu.memory_space<vmem>>, vector<1x2048xf32>,
    %slice3A_184 = vector.extract_strided_slice %add3A {offsets = [128, 0], sizes = [16, 2048], strides = [1, 1]} : vector<256x2048xf32> to vector<16x2048xf32>
    %mul3A_185 = arith.mulf %slice3A_184, %get3A_20 : vector<16x2048xf32>
    %reduce_sum3A_186 = arith.constant dense<0.000000e+00> : vector<2048xf32>
    %reduce_sum3A_187 = vector.multi_reduction <add>, %mul3A_185, %reduce_sum3A_186 [0] : vector<16x2048xf32> to vector<2048xf32>
    %broadcast_in_dim3A_188 = vector.shape_cast %reduce_sum3A_187 : vector<2048xf32> to vector<1x2048xf32>
    %sign3A_189 = tpu.bitcast %broadcast_in_dim3A_188 : vector<1x2048xf32> -> vector<1x2048xi32>
    %sign3A_190 = arith.constant -2147483648 : i32
    %sign3A_191 = vector.broadcast %sign3A_190 : i32 to vector<1x2048xi32>
    %sign3A_192 = arith.andi %sign3A_189, %sign3A_191 : vector<1x2048xi32>
    %sign3A_193 = arith.constant 1065353216 : i32
    %sign3A_194 = vector.broadcast %sign3A_193 : i32 to vector<1x2048xi32>
    %sign3A_195 = arith.ori %sign3A_194, %sign3A_192 : vector<1x2048xi32>
    %sign3A_196 = tpu.bitcast %sign3A_195 : vector<1x2048xi32> -> vector<1x2048xf32>
    %sign3A_197 = math.absf %broadcast_in_dim3A_188 : vector<1x2048xf32>
    %sign3A_198 = arith.constant 0.000000e+00 : f32
    %sign3A_199 = vector.broadcast %sign3A_198 : f32 to vector<1x2048xf32>
    %sign3A_200 = arith.cmpf ogt, %sign3A_197, %sign3A_199 : vector<1x2048xf32>
    %sign3A_201 = arith.select %sign3A_200, %sign3A_196, %broadcast_in_dim3A_188 : vector<1x2048xi1>, vector<1x2048xf32>
    %swap3A_202 = arith.constant 8 : index
    %swap3A_203 = arith.constant 0 : index
    %swap3A_204 = vector.load %arg4[%swap3A_202, %swap3A_203] : memref<16x2048xf32, #tpu.memory_space<vmem>>, vector<1x2048xf32>
    tpu.vector_store %arg4[%swap3A_202, %swap3A_203], %sign3A_201 {strides = array<i32>} : memref<16x2048xf32, #tpu.memory_space<vmem>>, vector<1x2048xf32>,
    %slice3A_205 = vector.extract_strided_slice %add3A {offsets = [144, 0], sizes = [16, 2048], strides = [1, 1]} : vector<256x2048xf32> to vector<16x2048xf32>
    %mul3A_206 = arith.mulf %slice3A_205, %get3A_20 : vector<16x2048xf32>
    %reduce_sum3A_207 = arith.constant dense<0.000000e+00> : vector<2048xf32>
    %reduce_sum3A_208 = vector.multi_reduction <add>, %mul3A_206, %reduce_sum3A_207 [0] : vector<16x2048xf32> to vector<2048xf32>
    %broadcast_in_dim3A_209 = vector.shape_cast %reduce_sum3A_208 : vector<2048xf32> to vector<1x2048xf32>
    %sign3A_210 = tpu.bitcast %broadcast_in_dim3A_209 : vector<1x2048xf32> -> vector<1x2048xi32>
    %sign3A_211 = arith.constant -2147483648 : i32
    %sign3A_212 = vector.broadcast %sign3A_211 : i32 to vector<1x2048xi32>
    %sign3A_213 = arith.andi %sign3A_210, %sign3A_212 : vector<1x2048xi32>
    %sign3A_214 = arith.constant 1065353216 : i32
    %sign3A_215 = vector.broadcast %sign3A_214 : i32 to vector<1x2048xi32>
    %sign3A_216 = arith.ori %sign3A_215, %sign3A_213 : vector<1x2048xi32>
    %sign3A_217 = tpu.bitcast %sign3A_216 : vector<1x2048xi32> -> vector<1x2048xf32>
    %sign3A_218 = math.absf %broadcast_in_dim3A_209 : vector<1x2048xf32>
    %sign3A_219 = arith.constant 0.000000e+00 : f32
    %sign3A_220 = vector.broadcast %sign3A_219 : f32 to vector<1x2048xf32>
    %sign3A_221 = arith.cmpf ogt, %sign3A_218, %sign3A_220 : vector<1x2048xf32>
    %sign3A_222 = arith.select %sign3A_221, %sign3A_217, %broadcast_in_dim3A_209 : vector<1x2048xi1>, vector<1x2048xf32>
    %swap3A_223 = arith.constant 9 : index
    %swap3A_224 = arith.constant 0 : index
    %swap3A_225 = vector.load %arg4[%swap3A_223, %swap3A_224] : memref<16x2048xf32, #tpu.memory_space<vmem>>, vector<1x2048xf32>
    tpu.vector_store %arg4[%swap3A_223, %swap3A_224], %sign3A_222 {strides = array<i32>} : memref<16x2048xf32, #tpu.memory_space<vmem>>, vector<1x2048xf32>,
    %slice3A_226 = vector.extract_strided_slice %add3A {offsets = [160, 0], sizes = [16, 2048], strides = [1, 1]} : vector<256x2048xf32> to vector<16x2048xf32>
    %mul3A_227 = arith.mulf %slice3A_226, %get3A_20 : vector<16x2048xf32>
    %reduce_sum3A_228 = arith.constant dense<0.000000e+00> : vector<2048xf32>
    %reduce_sum3A_229 = vector.multi_reduction <add>, %mul3A_227, %reduce_sum3A_228 [0] : vector<16x2048xf32> to vector<2048xf32>
    %broadcast_in_dim3A_230 = vector.shape_cast %reduce_sum3A_229 : vector<2048xf32> to vector<1x2048xf32>
    %sign3A_231 = tpu.bitcast %broadcast_in_dim3A_230 : vector<1x2048xf32> -> vector<1x2048xi32>
    %sign3A_232 = arith.constant -2147483648 : i32
    %sign3A_233 = vector.broadcast %sign3A_232 : i32 to vector<1x2048xi32>
    %sign3A_234 = arith.andi %sign3A_231, %sign3A_233 : vector<1x2048xi32>
    %sign3A_235 = arith.constant 1065353216 : i32
    %sign3A_236 = vector.broadcast %sign3A_235 : i32 to vector<1x2048xi32>
    %sign3A_237 = arith.ori %sign3A_236, %sign3A_234 : vector<1x2048xi32>
    %sign3A_238 = tpu.bitcast %sign3A_237 : vector<1x2048xi32> -> vector<1x2048xf32>
    %sign3A_239 = math.absf %broadcast_in_dim3A_230 : vector<1x2048xf32>
    %sign3A_240 = arith.constant 0.000000e+00 : f32
    %sign3A_241 = vector.broadcast %sign3A_240 : f32 to vector<1x2048xf32>
    %sign3A_242 = arith.cmpf ogt, %sign3A_239, %sign3A_241 : vector<1x2048xf32>
    %sign3A_243 = arith.select %sign3A_242, %sign3A_238, %broadcast_in_dim3A_230 : vector<1x2048xi1>, vector<1x2048xf32>
    %swap3A_244 = arith.constant 10 : index
    %swap3A_245 = arith.constant 0 : index
    %swap3A_246 = vector.load %arg4[%swap3A_244, %swap3A_245] : memref<16x2048xf32, #tpu.memory_space<vmem>>, vector<1x2048xf32>
    tpu.vector_store %arg4[%swap3A_244, %swap3A_245], %sign3A_243 {strides = array<i32>} : memref<16x2048xf32, #tpu.memory_space<vmem>>, vector<1x2048xf32>,
    %slice3A_247 = vector.extract_strided_slice %add3A {offsets = [176, 0], sizes = [16, 2048], strides = [1, 1]} : vector<256x2048xf32> to vector<16x2048xf32>
    %mul3A_248 = arith.mulf %slice3A_247, %get3A_20 : vector<16x2048xf32>
    %reduce_sum3A_249 = arith.constant dense<0.000000e+00> : vector<2048xf32>
    %reduce_sum3A_250 = vector.multi_reduction <add>, %mul3A_248, %reduce_sum3A_249 [0] : vector<16x2048xf32> to vector<2048xf32>
    %broadcast_in_dim3A_251 = vector.shape_cast %reduce_sum3A_250 : vector<2048xf32> to vector<1x2048xf32>
    %sign3A_252 = tpu.bitcast %broadcast_in_dim3A_251 : vector<1x2048xf32> -> vector<1x2048xi32>
    %sign3A_253 = arith.constant -2147483648 : i32
    %sign3A_254 = vector.broadcast %sign3A_253 : i32 to vector<1x2048xi32>
    %sign3A_255 = arith.andi %sign3A_252, %sign3A_254 : vector<1x2048xi32>
    %sign3A_256 = arith.constant 1065353216 : i32
    %sign3A_257 = vector.broadcast %sign3A_256 : i32 to vector<1x2048xi32>
    %sign3A_258 = arith.ori %sign3A_257, %sign3A_255 : vector<1x2048xi32>
    %sign3A_259 = tpu.bitcast %sign3A_258 : vector<1x2048xi32> -> vector<1x2048xf32>
    %sign3A_260 = math.absf %broadcast_in_dim3A_251 : vector<1x2048xf32>
    %sign3A_261 = arith.constant 0.000000e+00 : f32
    %sign3A_262 = vector.broadcast %sign3A_261 : f32 to vector<1x2048xf32>
    %sign3A_263 = arith.cmpf ogt, %sign3A_260, %sign3A_262 : vector<1x2048xf32>
    %sign3A_264 = arith.select %sign3A_263, %sign3A_259, %broadcast_in_dim3A_251 : vector<1x2048xi1>, vector<1x2048xf32>
    %swap3A_265 = arith.constant 11 : index
    %swap3A_266 = arith.constant 0 : index
    %swap3A_267 = vector.load %arg4[%swap3A_265, %swap3A_266] : memref<16x2048xf32, #tpu.memory_space<vmem>>, vector<1x2048xf32>
    tpu.vector_store %arg4[%swap3A_265, %swap3A_266], %sign3A_264 {strides = array<i32>} : memref<16x2048xf32, #tpu.memory_space<vmem>>, vector<1x2048xf32>,
    %slice3A_268 = vector.extract_strided_slice %add3A {offsets = [192, 0], sizes = [16, 2048], strides = [1, 1]} : vector<256x2048xf32> to vector<16x2048xf32>
    %mul3A_269 = arith.mulf %slice3A_268, %get3A_20 : vector<16x2048xf32>
    %reduce_sum3A_270 = arith.constant dense<0.000000e+00> : vector<2048xf32>
    %reduce_sum3A_271 = vector.multi_reduction <add>, %mul3A_269, %reduce_sum3A_270 [0] : vector<16x2048xf32> to vector<2048xf32>
    %broadcast_in_dim3A_272 = vector.shape_cast %reduce_sum3A_271 : vector<2048xf32> to vector<1x2048xf32>
    %sign3A_273 = tpu.bitcast %broadcast_in_dim3A_272 : vector<1x2048xf32> -> vector<1x2048xi32>
    %sign3A_274 = arith.constant -2147483648 : i32
    %sign3A_275 = vector.broadcast %sign3A_274 : i32 to vector<1x2048xi32>
    %sign3A_276 = arith.andi %sign3A_273, %sign3A_275 : vector<1x2048xi32>
    %sign3A_277 = arith.constant 1065353216 : i32
    %sign3A_278 = vector.broadcast %sign3A_277 : i32 to vector<1x2048xi32>
    %sign3A_279 = arith.ori %sign3A_278, %sign3A_276 : vector<1x2048xi32>
    %sign3A_280 = tpu.bitcast %sign3A_279 : vector<1x2048xi32> -> vector<1x2048xf32>
    %sign3A_281 = math.absf %broadcast_in_dim3A_272 : vector<1x2048xf32>
    %sign3A_282 = arith.constant 0.000000e+00 : f32
    %sign3A_283 = vector.broadcast %sign3A_282 : f32 to vector<1x2048xf32>
    %sign3A_284 = arith.cmpf ogt, %sign3A_281, %sign3A_283 : vector<1x2048xf32>
    %sign3A_285 = arith.select %sign3A_284, %sign3A_280, %broadcast_in_dim3A_272 : vector<1x2048xi1>, vector<1x2048xf32>
    %swap3A_286 = arith.constant 12 : index
    %swap3A_287 = arith.constant 0 : index
    %swap3A_288 = vector.load %arg4[%swap3A_286, %swap3A_287] : memref<16x2048xf32, #tpu.memory_space<vmem>>, vector<1x2048xf32>
    tpu.vector_store %arg4[%swap3A_286, %swap3A_287], %sign3A_285 {strides = array<i32>} : memref<16x2048xf32, #tpu.memory_space<vmem>>, vector<1x2048xf32>,
    %slice3A_289 = vector.extract_strided_slice %add3A {offsets = [208, 0], sizes = [16, 2048], strides = [1, 1]} : vector<256x2048xf32> to vector<16x2048xf32>
    %mul3A_290 = arith.mulf %slice3A_289, %get3A_20 : vector<16x2048xf32>
    %reduce_sum3A_291 = arith.constant dense<0.000000e+00> : vector<2048xf32>
    %reduce_sum3A_292 = vector.multi_reduction <add>, %mul3A_290, %reduce_sum3A_291 [0] : vector<16x2048xf32> to vector<2048xf32>
    %broadcast_in_dim3A_293 = vector.shape_cast %reduce_sum3A_292 : vector<2048xf32> to vector<1x2048xf32>
    %sign3A_294 = tpu.bitcast %broadcast_in_dim3A_293 : vector<1x2048xf32> -> vector<1x2048xi32>
    %sign3A_295 = arith.constant -2147483648 : i32
    %sign3A_296 = vector.broadcast %sign3A_295 : i32 to vector<1x2048xi32>
    %sign3A_297 = arith.andi %sign3A_294, %sign3A_296 : vector<1x2048xi32>
    %sign3A_298 = arith.constant 1065353216 : i32
    %sign3A_299 = vector.broadcast %sign3A_298 : i32 to vector<1x2048xi32>
    %sign3A_300 = arith.ori %sign3A_299, %sign3A_297 : vector<1x2048xi32>
    %sign3A_301 = tpu.bitcast %sign3A_300 : vector<1x2048xi32> -> vector<1x2048xf32>
    %sign3A_302 = math.absf %broadcast_in_dim3A_293 : vector<1x2048xf32>
    %sign3A_303 = arith.constant 0.000000e+00 : f32
    %sign3A_304 = vector.broadcast %sign3A_303 : f32 to vector<1x2048xf32>
    %sign3A_305 = arith.cmpf ogt, %sign3A_302, %sign3A_304 : vector<1x2048xf32>
    %sign3A_306 = arith.select %sign3A_305, %sign3A_301, %broadcast_in_dim3A_293 : vector<1x2048xi1>, vector<1x2048xf32>
    %swap3A_307 = arith.constant 13 : index
    %swap3A_308 = arith.constant 0 : index
    %swap3A_309 = vector.load %arg4[%swap3A_307, %swap3A_308] : memref<16x2048xf32, #tpu.memory_space<vmem>>, vector<1x2048xf32>
    tpu.vector_store %arg4[%swap3A_307, %swap3A_308], %sign3A_306 {strides = array<i32>} : memref<16x2048xf32, #tpu.memory_space<vmem>>, vector<1x2048xf32>,
    %slice3A_310 = vector.extract_strided_slice %add3A {offsets = [224, 0], sizes = [16, 2048], strides = [1, 1]} : vector<256x2048xf32> to vector<16x2048xf32>
    %mul3A_311 = arith.mulf %slice3A_310, %get3A_20 : vector<16x2048xf32>
    %reduce_sum3A_312 = arith.constant dense<0.000000e+00> : vector<2048xf32>
    %reduce_sum3A_313 = vector.multi_reduction <add>, %mul3A_311, %reduce_sum3A_312 [0] : vector<16x2048xf32> to vector<2048xf32>
    %broadcast_in_dim3A_314 = vector.shape_cast %reduce_sum3A_313 : vector<2048xf32> to vector<1x2048xf32>
    %sign3A_315 = tpu.bitcast %broadcast_in_dim3A_314 : vector<1x2048xf32> -> vector<1x2048xi32>
    %sign3A_316 = arith.constant -2147483648 : i32
    %sign3A_317 = vector.broadcast %sign3A_316 : i32 to vector<1x2048xi32>
    %sign3A_318 = arith.andi %sign3A_315, %sign3A_317 : vector<1x2048xi32>
    %sign3A_319 = arith.constant 1065353216 : i32
    %sign3A_320 = vector.broadcast %sign3A_319 : i32 to vector<1x2048xi32>
    %sign3A_321 = arith.ori %sign3A_320, %sign3A_318 : vector<1x2048xi32>
    %sign3A_322 = tpu.bitcast %sign3A_321 : vector<1x2048xi32> -> vector<1x2048xf32>
    %sign3A_323 = math.absf %broadcast_in_dim3A_314 : vector<1x2048xf32>
    %sign3A_324 = arith.constant 0.000000e+00 : f32
    %sign3A_325 = vector.broadcast %sign3A_324 : f32 to vector<1x2048xf32>
    %sign3A_326 = arith.cmpf ogt, %sign3A_323, %sign3A_325 : vector<1x2048xf32>
    %sign3A_327 = arith.select %sign3A_326, %sign3A_322, %broadcast_in_dim3A_314 : vector<1x2048xi1>, vector<1x2048xf32>
    %swap3A_328 = arith.constant 14 : index
    %swap3A_329 = arith.constant 0 : index
    %swap3A_330 = vector.load %arg4[%swap3A_328, %swap3A_329] : memref<16x2048xf32, #tpu.memory_space<vmem>>, vector<1x2048xf32>
    tpu.vector_store %arg4[%swap3A_328, %swap3A_329], %sign3A_327 {strides = array<i32>} : memref<16x2048xf32, #tpu.memory_space<vmem>>, vector<1x2048xf32>,
    %slice3A_331 = vector.extract_strided_slice %add3A {offsets = [240, 0], sizes = [16, 2048], strides = [1, 1]} : vector<256x2048xf32> to vector<16x2048xf32>
    %mul3A_332 = arith.mulf %slice3A_331, %get3A_20 : vector<16x2048xf32>
    %reduce_sum3A_333 = arith.constant dense<0.000000e+00> : vector<2048xf32>
    %reduce_sum3A_334 = vector.multi_reduction <add>, %mul3A_332, %reduce_sum3A_333 [0] : vector<16x2048xf32> to vector<2048xf32>
    %broadcast_in_dim3A_335 = vector.shape_cast %reduce_sum3A_334 : vector<2048xf32> to vector<1x2048xf32>
    %sign3A_336 = tpu.bitcast %broadcast_in_dim3A_335 : vector<1x2048xf32> -> vector<1x2048xi32>
    %sign3A_337 = arith.constant -2147483648 : i32
    %sign3A_338 = vector.broadcast %sign3A_337 : i32 to vector<1x2048xi32>
    %sign3A_339 = arith.andi %sign3A_336, %sign3A_338 : vector<1x2048xi32>
    %sign3A_340 = arith.constant 1065353216 : i32
    %sign3A_341 = vector.broadcast %sign3A_340 : i32 to vector<1x2048xi32>
    %sign3A_342 = arith.ori %sign3A_341, %sign3A_339 : vector<1x2048xi32>
    %sign3A_343 = tpu.bitcast %sign3A_342 : vector<1x2048xi32> -> vector<1x2048xf32>
    %sign3A_344 = math.absf %broadcast_in_dim3A_335 : vector<1x2048xf32>
    %sign3A_345 = arith.constant 0.000000e+00 : f32
    %sign3A_346 = vector.broadcast %sign3A_345 : f32 to vector<1x2048xf32>
    %sign3A_347 = arith.cmpf ogt, %sign3A_344, %sign3A_346 : vector<1x2048xf32>
    %sign3A_348 = arith.select %sign3A_347, %sign3A_343, %broadcast_in_dim3A_335 : vector<1x2048xi1>, vector<1x2048xf32>
    %swap3A_349 = arith.constant 15 : index
    %swap3A_350 = arith.constant 0 : index
    %swap3A_351 = vector.load %arg4[%swap3A_349, %swap3A_350] : memref<16x2048xf32, #tpu.memory_space<vmem>>, vector<1x2048xf32>
    tpu.vector_store %arg4[%swap3A_349, %swap3A_350], %sign3A_348 {strides = array<i32>} : memref<16x2048xf32, #tpu.memory_space<vmem>>, vector<1x2048xf32>,
    return
  }
  func.func @transform_0(%arg0: i32) -> (i32, i32) {
    %c0_i32 = arith.constant 0 : i32
    %c0_i32_0 = arith.constant 0 : i32
    %c0_i32_1 = arith.constant 0 : i32
    return %c0_i32, %c0_i32_0 : i32, i32
  }
  func.func @transform_1(%arg0: i32) -> (i32, i32) {
    %c0_i32 = arith.constant 0 : i32
    %c0_i32_0 = arith.constant 0 : i32
    %c0_i32_1 = arith.constant 0 : i32
    return %c0_i32, %c0_i32_0 : i32, i32
  }
  func.func @transform_2(%arg0: i32) -> (i32, i32) {
    %c0_i32 = arith.constant 0 : i32
    %c0_i32_0 = arith.constant 0 : i32
    %c0_i32_1 = arith.constant 0 : i32
    return %c0_i32, %c0_i32_0 : i32, i32
  }
  func.func @transform_3(%arg0: i32) -> (i32, i32) {
    %c0_i32 = arith.constant 0 : i32
    %c0_i32_0 = arith.constant 0 : i32
    %c0_i32_1 = arith.constant 0 : i32
    return %c0_i32, %c0_i32_0 : i32, i32
  }
}

</mosaic_0001>

<sc_bundles>
// kernel: kernel.4.cloned.1.call-start
scs
__scs_entry_jumppad:
0x0: {  	(pc) =	sbr.rel $0x88, $3  }
0x1: {  	(tag) =	ssettag $0x0;
	lr =	simm.s32 $0x1  }
0x2: {  	[smem:$0x3F9E] =	sst lr;
	_ =	strace $0xD0000000  }
0x3: {  	_ = 	snop  }
0x4: {  	_ = 	snop  }
0x5: {  	_ = 	snop  }
0x6: {  	_ = 	snop  }
0x7: {  	_ = 	snop  }
__scs_overlays_trampoline_lowered:
0x8: {  	[smem:$0x3FAD] =	sst s0  }
0x9: {  	[smem:$0x3FAE] =	sst s1  }
0xa: {  	[smem:$0x3FAF] =	sst s2  }
0xb: {  	[smem:$0x3FB0] =	sst s3  }
0xc: {  	[smem:$0x3FB1] =	sst s4  }
0xd: {  	[smem:$0x3FB2] =	sst s5  }
0xe: {  	[smem:$0x3FB3] =	sst s6  }
0xf: {  	[smem:$0x3FB4] =	sst s7  }
0x10: {  	[smem:$0x3FB5] =	sst s8  }
0x11: {  	[smem:$0x3FB6] =	sst s9;
	s0 =	simm.s32 @!p0 $0x0  }
0x12: {  	s1 =	sld [smem:$0x3F9C];
	s0 =	simm.s32 @p0 $0x1  }
0x13: {  	[smem:$0x3FB7] =	sst s0;
	s0 =	simm.s32 @!p1 $0x0  }
0x14: {  	s2 =	sld [smem:$0x3F9B];
	s0 =	simm.s32 @p1 $0x1  }
0x15: {  	[smem:$0x3FB8] =	sst s0;
	s0 =	simm.s32 @!p2 $0x0  }
0x16: {  	s3 =	sld [smem:$0x3FDB];
	s0 =	simm.s32 @p2 $0x1  }
0x17: {  	s4 =	simm.s32 $0x1BF5;
	[smem:$0x3FBA] =	sst s0  }
0x18: {  	s0 =	sld [smem:$0x3F9D];
	_ =	swait.ge [sflag:s4], $0x0  }
0x19: {  	s7 =	sld [smem:$0x3F9E]  }
0x1a: {  	s8 =	sadd.s32 $0xFFFFE003, lr  }
0x1b: {  	s9 =	sadd.s32 $0xFFFFFEF7, lr;
	s5 =	simm.s32 $0xFFFFFFFF;
	p2 =	slt.u32 s8, $0xFFFFF086  }
0x1c: {  	p1 =	slt.u32 s9, $0xF7A;
	s5 =	simm.s32 @!p2 $0x0  }
0x1d: {  	s5 =	simm.s32 @p1 $0x1;
	p0 =	seq.s32 s7, s2  }
0x1e: {  	s7 =	smul.u32 @!p0 $0xF7A, s2;
	p2 =	seq.s32 @!p0 s5, $0x0  }
0x1f: {  	s9 =	smul.u32 $0xF7A, s1;
	s8 =	simm.s32 @!p0 $0x1BF5;
	p2 =	por !p2, p0  }
0x20: {  	[sflag:s8] =	ssyncset.s32 @!p0 $0xFFFFF086;
	s6 =	sadd.s32 @!p0 s3, s7;
	s7 =	simm.s32 @!p0 $0x108  }
0x21: {  	s3 =	sadd.s32 s3, s9;
	s6 =	sadd.s32 @!p0 $0x88, s6;
	s7 =	simm.s32 @p2 $0x1082  }
0x22: {  	[simem:s7], [sflag:s8] =	dma.local @!p0 [hbm:s6], $0xF7A  }
0x23: {  	s9 =	sor.u32 $0xD0000000, s2;
	s6 =	simm.s32 $0x108;
	_ =	swait.ge @!p0 [sflag:s8], $0x0  }
0x24: {  	s3 =	sadd.s32 $0x88, s3;
	s6 =	simm.s32 @!p1 $0x1082;
	[sflag:s4] =	ssyncset.s32 $0xFFFFF086  }
0x25: {  	[simem:s6], [sflag:s4] =	dma.local [hbm:s3], $0xF7A  }
0x26: {  	[smem:$0x3F9E] =	sst s1;
	(tag) =	ssettag s2;
	_ =	strace s9  }
0x27: {  	s1 =	sld [smem:$0x3FAE]  }
0x28: {  	s2 =	sld [smem:$0x3FAF]  }
0x29: {  	s4 =	sld [smem:$0x3FB1]  }
0x2a: {  	p0 =	seq.s32 s5, $0x0;
	s5 =	sld [smem:$0x3FB2]  }
0x2b: {  	s6 =	sld [smem:$0x3FB3]  }
0x2c: {  	s7 =	sld [smem:$0x3FB4]  }
0x2d: {  	s3 =	simm.s32 $0x108;
	s8 =	sld [smem:$0x3FB5]  }
0x2e: {  	s3 =	simm.s32 @!p0 $0x1082;
	s9 =	sld [smem:$0x3FB6]  }
0x2f: {  	lr =	sadd.s32 s0, s3;
	s0 =	sld [smem:$0x3FAD]  }
0x30: {  	s3 =	sld [smem:$0x3FB0]  }
0x31: {  	[smem:$0x3FB9] =	sst s10  }
0x32: {  	s10 =	sld [smem:$0x3FB7];
	_ =	sdelay $0x3  }
0x33: {  	p0 =	seq.s32 s10, $0x1;
	s10 =	sld [smem:$0x3FB9];
	_ =	sdelay $0x3  }
0x34: {  	[smem:$0x3FB9] =	sst s10  }
0x35: {  	s10 =	sld [smem:$0x3FB8];
	_ =	sdelay $0x3  }
0x36: {  	p1 =	seq.s32 s10, $0x1;
	s10 =	sld [smem:$0x3FB9];
	_ =	sdelay $0x3  }
0x37: {  	[smem:$0x3FB9] =	sst s10  }
0x38: {  	s10 =	sld [smem:$0x3FBA]  }
0x39: {  	_ = 	snop;
	(pc) =	sbr.ind lr, $3  }
0x3a: {  	_ = 	snop  }
0x3b: {  	_ = 	snop  }
0x3c: {  	p2 =	seq.s32 s10, $0x1;
	s10 =	sld [smem:$0x3FB9]  }
0x3d: {  	_ =	shalt  }
0x3e: {  	_ =	shalt  }
0x3f: {  	_ =	shalt  }
0x40: {  	_ =	shalt  }
0x41: {  	_ =	shalt  }
0x42: {  	_ =	shalt  }
0x43: {  	_ =	shalt  }
0x44: {  	_ =	shalt  }
0x45: {  	_ =	shalt  }
0x46: {  	_ =	shalt  }
0x47: {  	_ =	shalt  }
0x48: {  	_ =	shalt  }
0x49: {  	_ =	shalt  }
0x4a: {  	_ =	shalt  }
0x4b: {  	_ =	shalt  }
0x4c: {  	_ =	shalt  }
0x4d: {  	_ =	shalt  }
0x4e: {  	_ =	shalt  }
0x4f: {  	_ =	shalt  }
0x50: {  	_ =	shalt  }
0x51: {  	_ =	shalt  }
0x52: {  	_ =	shalt  }
0x53: {  	_ =	shalt  }
0x54: {  	_ =	shalt  }
0x55: {  	_ =	shalt  }
0x56: {  	_ =	shalt  }
0x57: {  	_ =	shalt  }
0x58: {  	_ =	shalt  }
0x59: {  	_ =	shalt  }
0x5a: {  	_ =	shalt  }
0x5b: {  	_ =	shalt  }
0x5c: {  	_ =	shalt  }
0x5d: {  	_ =	shalt  }
0x5e: {  	_ =	shalt  }
0x5f: {  	_ =	shalt  }
0x60: {  	_ =	shalt  }
0x61: {  	_ =	shalt  }
0x62: {  	_ =	shalt  }
0x63: {  	_ =	shalt  }
0x64: {  	_ =	shalt  }
0x65: {  	_ =	shalt  }
0x66: {  	_ =	shalt  }
0x67: {  	_ =	shalt  }
0x68: {  	_ =	shalt  }
0x69: {  	_ =	shalt  }
0x6a: {  	_ =	shalt  }
0x6b: {  	_ =	shalt  }
0x6c: {  	_ =	shalt  }
0x6d: {  	_ =	shalt  }
0x6e: {  	_ =	shalt  }
0x6f: {  	_ =	shalt  }
0x70: {  	_ =	shalt  }
0x71: {  	_ =	shalt  }
0x72: {  	_ =	shalt  }
0x73: {  	_ =	shalt  }
0x74: {  	_ =	shalt  }
0x75: {  	_ =	shalt  }
0x76: {  	_ =	shalt  }
0x77: {  	_ =	shalt  }
0x78: {  	_ =	shalt  }
0x79: {  	_ =	shalt  }
0x7a: {  	_ =	shalt  }
0x7b: {  	_ =	shalt  }
0x7c: {  	_ =	shalt  }
0x7d: {  	_ =	shalt  }
0x7e: {  	_ =	shalt  }
0x7f: {  	_ =	shalt  }
0x80: {  	_ =	shalt  }
0x81: {  	_ =	shalt  }
0x82: {  	_ =	shalt  }
0x83: {  	_ =	shalt  }
0x84: {  	_ =	shalt  }
0x85: {  	_ =	shalt  }
0x86: {  	_ =	shalt  }
0x87: {  	_ =	shalt  }
.Lfunc_end0:
.L_simem_size_0:
called_computation_lowered:
.L_overlay_start_0:
0x88: {  	s2 =	sld [smem:$0x3FD9]  }
0x89: {  	s3 =	sld [smem:$0x3FFE];
	_ =	sdelay $0x1  }
0x8a: {  	s1 =	srdreg.scid  }
0x8b: {  	s0 =	sand.u32 $0x1, s1  }
0x8c: {  	s16 =	sshll.u32 s0, $0xA;
	s2 =	sadd.s32 s3, s2  }
0x8d: {  	s2 =	sadd.s32 s2, s16  }
0x8e: {  	[smem:$0x3FC5] =	sst s2  }
0x8f: {  	_ = 	snop  }
0x90: {  	(tm) =	ssettm $0x1  }
0x91: {  	s17 =	sld [smem:$0x3FFB];
	_ =	sdelay $0x3  }
0x92: {  	_ =	strace s17  }
0x93: {  	s2 =	sld [smem:$0x3FFC];
	_ =	sdelay $0x3  }
0x94: {  	_ =	strace s2  }
0x95: {  	s2 =	sld [smem:$0x3FFD];
	_ =	sdelay $0x3  }
0x96: {  	_ =	strace s2  }
0x97: {  	_ =	strace $0x8FFFFFFF  }
0x98: {  	s18 =	sld [smem:$0x3FDB];
	_ =	sdelay $0x1  }
0x99: {  	s19 =	simm.s32 $_scs_section_size  }
0x9a: {  	s4 =	simm.s32 $_size__tile_overlayer_lowered;
	s5 =	simm.s32 $_tile_overlayer_lowered  }
0x9b: {  	s22 =	simm.s32 $0x1BFF;
	s21 =	sshll.u32 s5, $0x1;
	s2 =	sadd.s32 s19, s18  }
0x9c: {  	s6 =	simm.s32 $0x0;
	s20 =	sshll.u32 s4, $0x1;
	s4 =	sadd.s32 s21, s2  }
0x9d: {  	[timem:s6], [sflag:s22] =	dma.local [hbm:s4], s20  }
0x9e: {  	_ =	swait.ge [sflag:s22], s20  }
0x9f: {  	s3 =	ssub.s32 $0x0, s20;
	[sflag:s22] =	ssyncset.done $0x0  }
0xa0: {  	[sflag:s22] =	ssyncadd.s32 s3;
	_ =	sdelay $0x1  }
0xa1: {  	s23 =	simm.s32 $0x1B8B  }
0xa2: {  	_ =	swait.ge [sflag:s23], $0x1  }
0xa3: {  	[sflag:s23] =	ssyncset.done $0x0  }
0xa4: {  	s25 =	simm.s32 $0x1B8E;
	s24 =	sld [smem:$0x3FFE];
	[sflag:s23] =	ssyncadd.s32 $0xFFFFFFFF  }
0xa5: {  	s26 =	simm.s32 $execute0_lowered;
	[smem:$0x3FD2] =	sst s25  }
0xa6: {  	s4 =	sshll.u32 s26, $0x1;
	_ =	strace $0x80000046;
	[dreg:$0x1] =	wrdreg $0xFFFFFFFF  }
0xa7: {  	s28 =	simm.s32 $_size_execute0_lowered;
	s2 =	sadd.s32 s2, s4;
	[dreg:$0x0] =	wrdreg $0x0  }
0xa8: {  	s4 =	sshll.u32 s28, $0x1;
	[dreg:$0x2] =	wrdreg s2  }
0xa9: {  	[dreg:$0x3] =	wrdreg s4  }
0xaa: {  	[dreg:$0x4] =	wrdreg $0xC0  }
0xab: {  	_ =	task [dreg:s6], $0x5FFFF  }
0xac: {  	[dreg:$0x1] =	wrdreg $0xFFFFFFFF  }
0xad: {  	[dreg:$0x0] =	wrdreg $0x60  }
0xae: {  	[dreg:$0x2] =	wrdreg s24  }
0xaf: {  	[dreg:$0x3] =	wrdreg $0x9  }
0xb0: {  	_ =	task.clear_ibuf [dreg:s6], $0x4FFFF;
	_ =	strace $0x90000046  }
0xb1: {  	s29 =	simm.s32 $0x9;
	_ =	strace $0x80000048  }
0xb2: {  	_ =	swait.ge [sflag:s29], $0x1  }
0xb3: {  	[sflag:s29] =	ssyncadd.s32 $0xFFFFFFFF  }
0xb4: {  	_ =	strace $0x90000048  }
0xb5: {  	_ =	sfence  }
0xb6: {  	s30 =	sld [smem:$0x0];
	_ =	sdelay $0x2  }
0xb7: {  	s31 =	sshll.u32 s1, $0xD;
	s1 =	sshrl.u32 s1, $0x2  }
0xb8: {  	s3 =	sand.u32 $0x4000, s31;
	s1 =	sadd.s32 s1, s30  }
0xb9: {  	s0 =	sor.u32 s3, s0;
	s1 =	sshll.u32 s1, $0x11  }
0xba: {  	s0 =	sor.u32 s1, s0  }
0xbb: {  	s0 =	sadd.s32 $0x8F2B, s0  }
0xbc: {  	[sflag:s0] =	ssyncadd.remote.s32 $0x1  }
0xbd: {  	_ =	sfence.sel $0xFFFF  }
0xbe: {  	[dreg:$0x0] =	wrdreg $0xFFFFFFFF;
	(pc) =	sbr.abs _section_cstart, $3  }
0xbf: {  	[dreg:$0x1] =	wrdreg $0xFFFFFFFF  }
0xc0: {  	_ =	task.clear_ibuf [dreg:s6], $0x2FFFF;
	_ =	strace $0x9FFFFFFF  }
0xc1: {  	(tm) =	ssettm $0x7FFFFFFF  }
tec
execute0_lowered:
.L_overlay_start_1:
0x0: {  	(tag) =	ssettag $0x1  }
0x1: {  	s1 =	srdreg.scid  }
0x2: {  	s0 =	rddreg [dreg:$0x0];
	s3 =	stileid.u32;
	s1 =	sand.u32 $0x1, s1  }
0x3: {  	s3 =	sshll.u32 s3, $0x4;
	s4 =	sshll.u32 s1, $0x3;
	s1 =	ssub.s32 $0x2, s1  }
0x4: {  	s2 =	simm.s32 $0x0;
	s3 =	sor.u32 s4, s3;
	s26 =	sshrl.u32 s1, $0x1  }
0x5: {  	[smem:$0x7FF] =	sst s2;
	s4 =	sshll.u32 s3, $0x8;
	s1 =	ssub.s32 s1, s26  }
0x6: {  	_ =	strace $0x80000047;
	s6 =	sadd.s32 s4, s0;
	s7 =	smax.u32 s1, $0x1  }
0x7: {  	s3 =	sshll.u32 s3, $0x5;
	s4 =	sadd.s32 $0x1000, s6;
	[dreg:$0x5] =	wrdreg s7  }
0x8: {  	s0 =	sadd.s32 s3, s0;
	s5 =	sadd.s32 $0x1040, s6;
	[dreg:$0x2] =	wrdreg s4  }
0x9: {  	s0 =	sadd.s32 $0x11000, s0;
	[dreg:$0x3] =	wrdreg s5  }
0xa: {  	s8 =	sadd.s32 $0x1080, s6;
	[dreg:$0x4] =	wrdreg s0  }
0xb: {  	s9 =	sadd.s32 $0x1100, s6;
	[dreg:$0x6] =	wrdreg s8  }
0xc: {  	s10 =	sadd.s32 $0x1180, s6;
	[dreg:$0x7] =	wrdreg s9  }
0xd: {  	s11 =	sadd.s32 $0x1200, s6;
	[dreg:$0x8] =	wrdreg s10  }
0xe: {  	s12 =	sadd.s32 $0x1280, s6;
	[dreg:$0x9] =	wrdreg s11  }
0xf: {  	s13 =	sadd.s32 $0x1300, s6;
	[dreg:$0xa] =	wrdreg s12  }
0x10: {  	s14 =	sadd.s32 $0x1380, s6;
	[dreg:$0xb] =	wrdreg s13  }
0x11: {  	s15 =	sadd.s32 $0x1400, s6;
	[dreg:$0xc] =	wrdreg s14  }
0x12: {  	s16 =	sadd.s32 $0x1480, s6;
	[dreg:$0xd] =	wrdreg s15  }
0x13: {  	s17 =	sadd.s32 $0x1500, s6;
	[dreg:$0xe] =	wrdreg s16  }
0x14: {  	s18 =	sadd.s32 $0x1580, s6;
	[dreg:$0xf] =	wrdreg s17  }
0x15: {  	s19 =	sadd.s32 $0x1600, s6;
	[dreg:$0x10] =	wrdreg s18  }
0x16: {  	s20 =	sadd.s32 $0x1680, s6;
	s21 =	sadd.s32 $0x1700, s6;
	[dreg:$0x11] =	wrdreg s19  }
0x17: {  	s22 =	sadd.s32 $0x1780, s6;
	s23 =	sadd.s32 $0x10C0, s6;
	[dreg:$0x12] =	wrdreg s20  }
0x18: {  	s24 =	sadd.s32 $0x1140, s6;
	s25 =	sadd.s32 $0x11C0, s6;
	[dreg:$0x13] =	wrdreg s21  }
0x19: {  	s26 =	sadd.s32 $0x1240, s6;
	s28 =	sadd.s32 $0x1340, s6;
	[dreg:$0x14] =	wrdreg s22  }
0x1a: {  	s29 =	sadd.s32 $0x13C0, s6;
	s30 =	sadd.s32 $0x1440, s6;
	[dreg:$0x15] =	wrdreg s23  }
0x1b: {  	s31 =	sadd.s32 $0x14C0, s6;
	s1 =	sadd.s32 $0x15C0, s6;
	[dreg:$0x16] =	wrdreg s24  }
0x1c: {  	s3 =	sadd.s32 $0x1640, s6;
	s7 =	simm.s32 $0x1;
	[dreg:$0x17] =	wrdreg s25  }
0x1d: {  	[dreg:$0x18] =	wrdreg s26;
	s26 =	sadd.s32 $0x12C0, s6;
	s0 =	sadd.s32 $0x1540, s6  }
0x1e: {  	s4 =	sadd.s32 $0x16C0, s6;
	s5 =	sadd.s32 $0x1740, s6;
	s6 =	sadd.s32 $0x17C0, s6  }
0x1f: {  	v0 =	vimm.f32 $0.0e+00;
	s8 =	simm.s32 $0x2;
	s9 =	simm.s32 $0x3;
	s10 =	simm.s32 $0x0  }
.LBB2_1:
0x20: {  	s11 =	rddreg [dreg:$0x2]  }
0x21: {  	[tilespmem:s2], [sflag:$0x1] =	stream.linear.gather [hbm4b:s11+s2], $0x200, $0x38;
	[tilespmem:$0x4900] =	vst v63  }
0x22: {  	s17 =	rddreg [dreg:$0x6];
	s12 =	simm.s32 $0x400  }
0x23: {  	[tilespmem:s12], [sflag:$0x1] =	stream.linear.gather [hbm4b:s17+s2], $0x200, $0x38;
	[tilespmem:$0x4900] =	vst v63  }
0x24: {  	s18 =	rddreg [dreg:$0x7];
	s19 =	simm.s32 $0x800  }
0x25: {  	[tilespmem:s19], [sflag:$0x1] =	stream.linear.gather [hbm4b:s18+s2], $0x200, $0x38;
	[tilespmem:$0x4900] =	vst v63  }
0x26: {  	s20 =	rddreg [dreg:$0x8];
	s21 =	simm.s32 $0xC00  }
0x27: {  	[tilespmem:s21], [sflag:$0x1] =	stream.linear.gather [hbm4b:s20+s2], $0x200, $0x38;
	[tilespmem:$0x4900] =	vst v63  }
0x28: {  	s22 =	rddreg [dreg:$0x9];
	s23 =	simm.s32 $0x1000  }
0x29: {  	[tilespmem:s23], [sflag:$0x1] =	stream.linear.gather [hbm4b:s22+s2], $0x200, $0x38;
	[tilespmem:$0x4900] =	vst v63  }
0x2a: {  	s24 =	rddreg [dreg:$0xa];
	s25 =	simm.s32 $0x1400  }
0x2b: {  	[tilespmem:s25], [sflag:$0x1] =	stream.linear.gather [hbm4b:s24+s2], $0x200, $0x38;
	[tilespmem:$0x4900] =	vst v63  }
0x2c: {  	s13 =	simm.s32 $0x1800;
	s12 =	rddreg [dreg:$0xb]  }
0x2d: {  	[tilespmem:s13], [sflag:$0x1] =	stream.linear.gather [hbm4b:s12+s2], $0x200, $0x38;
	[tilespmem:$0x4900] =	vst v63  }
0x2e: {  	s14 =	rddreg [dreg:$0xc];
	s15 =	simm.s32 $0x1C00  }
0x2f: {  	[tilespmem:s15], [sflag:$0x1] =	stream.linear.gather [hbm4b:s14+s2], $0x200, $0x38;
	[tilespmem:$0x4900] =	vst v63  }
0x30: {  	s16 =	rddreg [dreg:$0xd];
	s17 =	simm.s32 $0x2000  }
0x31: {  	[tilespmem:s17], [sflag:$0x1] =	stream.linear.gather [hbm4b:s16+s2], $0x200, $0x38;
	[tilespmem:$0x4900] =	vst v63  }
0x32: {  	s18 =	rddreg [dreg:$0xe];
	s19 =	simm.s32 $0x2400  }
0x33: {  	[tilespmem:s19], [sflag:$0x1] =	stream.linear.gather [hbm4b:s18+s2], $0x200, $0x38;
	[tilespmem:$0x4900] =	vst v63  }
0x34: {  	s20 =	rddreg [dreg:$0xf];
	s21 =	simm.s32 $0x2800  }
0x35: {  	[tilespmem:s21], [sflag:$0x1] =	stream.linear.gather [hbm4b:s20+s2], $0x200, $0x38;
	[tilespmem:$0x4900] =	vst v63  }
0x36: {  	s22 =	rddreg [dreg:$0x10];
	s23 =	simm.s32 $0x2C00  }
0x37: {  	[tilespmem:s23], [sflag:$0x1] =	stream.linear.gather [hbm4b:s22+s2], $0x200, $0x38;
	[tilespmem:$0x4900] =	vst v63  }
0x38: {  	s24 =	rddreg [dreg:$0x11];
	s25 =	simm.s32 $0x3000  }
0x39: {  	[tilespmem:s25], [sflag:$0x1] =	stream.linear.gather [hbm4b:s24+s2], $0x200, $0x38;
	[tilespmem:$0x4900] =	vst v63  }
0x3a: {  	s12 =	rddreg [dreg:$0x12];
	s13 =	simm.s32 $0x3400  }
0x3b: {  	[tilespmem:s13], [sflag:$0x1] =	stream.linear.gather [hbm4b:s12+s2], $0x200, $0x38;
	[tilespmem:$0x4900] =	vst v63  }
0x3c: {  	s14 =	rddreg [dreg:$0x13];
	s15 =	simm.s32 $0x3800  }
0x3d: {  	[tilespmem:s15], [sflag:$0x1] =	stream.linear.gather [hbm4b:s14+s2], $0x200, $0x38;
	[tilespmem:$0x4900] =	vst v63  }
0x3e: {  	s16 =	rddreg [dreg:$0x14];
	s17 =	simm.s32 $0x3C00  }
0x3f: {  	[tilespmem:s17], [sflag:$0x1] =	stream.linear.gather [hbm4b:s16+s2], $0x200, $0x38;
	[tilespmem:$0x4900] =	vst v63  }
0x40: {  	s18 =	rddreg [dreg:$0x3];
	s19 =	simm.s32 $0x200  }
0x41: {  	[tilespmem:s19], [sflag:$0x2] =	stream.linear.gather [hbm4b:s18+s2], $0x200, $0x38;
	[tilespmem:$0x4900] =	vst v63  }
0x42: {  	s20 =	rddreg [dreg:$0x15];
	s21 =	simm.s32 $0x600  }
0x43: {  	[tilespmem:s21], [sflag:$0x2] =	stream.linear.gather [hbm4b:s20+s2], $0x200, $0x38;
	[tilespmem:$0x4900] =	vst v63  }
0x44: {  	s22 =	rddreg [dreg:$0x16];
	s23 =	simm.s32 $0xA00  }
0x45: {  	[tilespmem:s23], [sflag:$0x2] =	stream.linear.gather [hbm4b:s22+s2], $0x200, $0x38;
	[tilespmem:$0x4900] =	vst v63  }
0x46: {  	s24 =	rddreg [dreg:$0x17];
	s25 =	simm.s32 $0xE00  }
0x47: {  	[tilespmem:s25], [sflag:$0x2] =	stream.linear.gather [hbm4b:s24+s2], $0x200, $0x38;
	[tilespmem:$0x4900] =	vst v63  }
0x48: {  	s13 =	rddreg [dreg:$0x18];
	s14 =	simm.s32 $0x1200  }
0x49: {  	[tilespmem:s14], [sflag:$0x2] =	stream.linear.gather [hbm4b:s13+s2], $0x200, $0x38;
	[tilespmem:$0x4900] =	vst v63  }
0x4a: {  	s15 =	simm.s32 $0x1600  }
0x4b: {  	[tilespmem:s15], [sflag:$0x2] =	stream.linear.gather [hbm4b:s26+s2], $0x200, $0x38;
	[tilespmem:$0x4900] =	vst v63  }
0x4c: {  	s16 =	simm.s32 $0x1A00  }
0x4d: {  	[tilespmem:s16], [sflag:$0x2] =	stream.linear.gather [hbm4b:s28+s2], $0x200, $0x38;
	[tilespmem:$0x4900] =	vst v63  }
0x4e: {  	s17 =	simm.s32 $0x1E00  }
0x4f: {  	[tilespmem:s17], [sflag:$0x2] =	stream.linear.gather [hbm4b:s29+s2], $0x200, $0x38;
	[tilespmem:$0x4900] =	vst v63  }
0x50: {  	s18 =	simm.s32 $0x2200  }
0x51: {  	[tilespmem:s18], [sflag:$0x2] =	stream.linear.gather [hbm4b:s30+s2], $0x200, $0x38;
	[tilespmem:$0x4900] =	vst v63  }
0x52: {  	s19 =	simm.s32 $0x2600  }
0x53: {  	[tilespmem:s19], [sflag:$0x2] =	stream.linear.gather [hbm4b:s31+s2], $0x200, $0x38;
	[tilespmem:$0x4900] =	vst v63  }
0x54: {  	s20 =	simm.s32 $0x2A00  }
0x55: {  	[tilespmem:s20], [sflag:$0x2] =	stream.linear.gather [hbm4b:s0+s2], $0x200, $0x38;
	[tilespmem:$0x4900] =	vst v63  }
0x56: {  	s21 =	simm.s32 $0x2E00  }
0x57: {  	[tilespmem:s21], [sflag:$0x2] =	stream.linear.gather [hbm4b:s1+s2], $0x200, $0x38;
	[tilespmem:$0x4900] =	vst v63  }
0x58: {  	s22 =	simm.s32 $0x3200  }
0x59: {  	[tilespmem:s22], [sflag:$0x2] =	stream.linear.gather [hbm4b:s3+s2], $0x200, $0x38;
	[tilespmem:$0x4900] =	vst v63  }
0x5a: {  	s23 =	simm.s32 $0x3600  }
0x5b: {  	[tilespmem:s23], [sflag:$0x2] =	stream.linear.gather [hbm4b:s4+s2], $0x200, $0x38;
	[tilespmem:$0x4900] =	vst v63  }
0x5c: {  	s24 =	simm.s32 $0x3A00  }
0x5d: {  	[tilespmem:s24], [sflag:$0x2] =	stream.linear.gather [hbm4b:s5+s2], $0x200, $0x38;
	[tilespmem:$0x4900] =	vst v63  }
0x5e: {  	p0 =	por $0x1, $0x1;
	s11 =	simm.s32 $0x0;
	s25 =	simm.s32 $0x3E00  }
0x5f: {  	[tilespmem:s25], [sflag:$0x2] =	stream.linear.gather [hbm4b:s6+s2], $0x200, $0x38;
	[tilespmem:$0x4900] =	vst v63  }
.LBB2_2:
0x60: {  	s11 =	sshra.s32 s11, $0x2  }
0x61: {  	[tilespmem:s11+$0x4000] =	vst v0  }
0x62: {  	[tilespmem:s11+$0x4010] =	vst v0  }
0x63: {  	p1 =	por p0, p0;
	[tilespmem:s11+$0x4020] =	vst v0  }
.Ltmp0:
0x64: {  	[tilespmem:s11+$0x4030] =	vst v0;
	(pc) =	sbr.rel @p1 .LBB2_2-.Ltmp0, $4  }
0x65: {  	[tilespmem:s11+$0x4040] =	vst v0  }
0x66: {  	[tilespmem:s11+$0x4050] =	vst v0  }
0x67: {  	[tilespmem:s11+$0x4060] =	vst v0  }
0x68: {  	p0 =	por $0x0, $0x0;
	[tilespmem:s11+$0x4070] =	vst v0;
	s11 =	simm.s32 $0x200  }
0x69: {  	_ =	swait.ge [sflag:s7], $0x2000  }
0x6a: {  	[sflag:s7] =	ssyncset.done $0x0  }
0x6b: {  	[sflag:s7] =	ssyncadd.s32 $0xFFFFE000  }
0x6c: {  	s13 =	simm.s32 $0x0;
	v3 =	vld [tilespmem:$0x0]  }
0x6d: {  	v4 =	vld [tilespmem:s13+$0x10]  }
0x6e: {  	v5 =	vld [tilespmem:s13+$0x20]  }
0x6f: {  	v6 =	vld [tilespmem:s13+$0x30]  }
0x70: {  	v2 =	vld [tilespmem:s13+$0x40]  }
0x71: {  	v1 =	vld [tilespmem:s13+$0x50]  }
0x72: {  	v4 =	vmax.f32 v3, v4;
	v3 =	vld [tilespmem:s13+$0x60]  }
0x73: {  	v5 =	vmax.f32 v4, v5;
	v4 =	vld [tilespmem:s13+$0x70]  }
0x74: {  	s11 =	simm.s32 $0x1;
	s12 =	simm.s32 $0x400;
	v6 =	vmax.f32 v5, v6;
	v5 =	vld [tilespmem:s13+$0x400]  }
.LBB2_4:
0x75: {  	v7 =	vld [tilespmem:s12+$0x10];
	s11 =	sadd.s32 $0x8, s11;
	v2 =	vmax.f32 v6, v2  }
0x76: {  	v6 =	vld [tilespmem:s12+$0x20];
	p0 =	slt.u32 s11, $0x71;
	v1 =	vmax.f32 v2, v1  }
0x77: {  	v8 =	vld [tilespmem:s12+$0x30];
	v1 =	vmax.f32 v1, v3  }
.Ltmp1:
0x78: {  	v2 =	vld [tilespmem:s12+$0x40];
	v3 =	vmax.f32 v1, v4;
	(pc) =	sbr.rel @p0 .LBB2_4-.Ltmp1, $4  }
0x79: {  	s13 =	simm.s32 $0x3C80;
	s14 =	simm.s32 $0x10;
	v1 =	vld [tilespmem:s12+$0x50];
	v3 =	vmax.f32 v3, v5  }
0x7a: {  	v4 =	vmax.f32 v3, v7;
	v3 =	vld [tilespmem:s12+$0x60]  }
0x7b: {  	v5 =	vmax.f32 v4, v6;
	v4 =	vld [tilespmem:s12+$0x70]  }
0x7c: {  	v6 =	vmax.f32 v5, v8;
	v5 =	vld [tilespmem:s12+$0x400];
	s12 =	sadd.s32 $0x400, s12  }
0x7d: {  	v2 =	vmax.f32 v6, v2  }
0x7e: {  	v1 =	vmax.f32 v2, v1  }
0x7f: {  	v1 =	vmax.f32 v1, v3  }
0x80: {  	v1 =	vmax.f32 v1, v4  }
0x81: {  	v1 =	vmax.f32 v1, v5  }
.LBB2_6:
0x82: {  	s11 =	sand.u32 $0x3FFFFC00, s13  }
0x83: {  	s11 =	sadd.s32 s11, s14  }
0x84: {  	p0 =	sne.s32 s13, $0x3F80;
	v2 =	vld [tilespmem:s11+$0x0]  }
.Ltmp2:
0x85: {  	_ = 	snop;
	(pc) =	sbr.rel @p0 .LBB2_6-.Ltmp2, $2  }
0x86: {  	_ =	sdelay $0x2  }
0x87: {  	s13 =	sadd.s32 $0x80, s13;
	s14 =	sadd.s32 $0x10, s14;
	v1 =	vmax.f32 v1, v2  }
0x88: {  	(xrf0) =	vmax.scan.msk.f32 $0xffff, v1;
	_ =	sdelay $0x5  }
0x89: {  	v1, _, _ =	vpop (xrf0)  }
0x8a: {  	v1 =	vbroadcast v1, $0xF;
	_ =	sdelay $0x1  }
0x8b: {  	(erf) = vrcp.f32 v1  }
0x8c: {  	s11 =	simm.s32 $0x40  }
0x8d: {  	v2 =	vld [tilespmem:s11+$0xFFFFFFC0]  }
0x8e: {  	v4 =	vld [tilespmem:s11+$0x10]  }
0x8f: {  	v5 =	vld [tilespmem:s11+$0x30]  }
0x90: {  	v6 =	vld [tilespmem:s11+$0xFFFFFFD0]  }
0x91: {  	v1 =	vld [tilespmem:s11+$0x0]  }
0x92: {  	v7 =	vld [tilespmem:s11+$0x20]  }
0x93: {  	v8 =	vld [tilespmem:s11+$0xFFFFFFE0]  }
0x94: {  	v9 =	vld [tilespmem:s11+$0xFFFFFFF0];
	v3 =	vpop (erf)  }
0x95: {  	v2 =	vmul.f32 v2, v3  }
0x96: {  	v4 =	vmul.f32 v4, v3;
	v1 =	vmul.f32 v1, v3  }
0x97: {  	v5 =	vmul.f32 v5, v3;
	v6 =	vmul.f32 v6, v3  }
0x98: {  	v7 =	vmul.f32 v7, v3;
	v1 =	vmul.f32 $2.550000000e+02, v1  }
0x99: {  	v8 =	vmul.f32 v8, v3;
	v9 =	vmul.f32 v9, v3  }
0x9a: {  	v2 =	vmul.f32 $2.550000000e+02, v2;
	v5 =	vmul.f32 $2.550000000e+02, v5;
	v1 =	vadd.f32 $8.388608000e+06, v1  }
0x9b: {  	v6 =	vmul.f32 $2.550000000e+02, v6;
	v10 =	vmul.f32 $2.550000000e+02, v8  }
0x9c: {  	v4 =	vmul.f32 $2.550000000e+02, v4;
	v8 =	vmul.f32 $2.550000000e+02, v9;
	v1 =	vadd.s32 $0xB5000000, v1  }
0x9d: {  	v7 =	vmul.f32 $2.550000000e+02, v7;
	v2 =	vadd.f32 $8.388608000e+06, v2;
	vm0 =	vgt.s32 v1, $0x0  }
0x9e: {  	v5 =	vadd.f32 $8.388608000e+06, v5;
	v6 =	vadd.f32 $8.388608000e+06, v6;
	v1 =	vnsel vm0, $0x0, v1  }
0x9f: {  	s25 =	simm.s32 $0x440;
	v7 =	vadd.f32 $8.388608000e+06, v7;
	v8 =	vadd.f32 $8.388608000e+06, v8;
	v1 =	vmin.u32 v1, $0xFF  }
0xa0: {  	v11 =	vld [tilespmem:s25+$0xFFFFFFC0];
	v4 =	vadd.f32 $8.388608000e+06, v4;
	v2 =	vadd.s32 $0xB5000000, v2;
	v5 =	vadd.s32 $0xB5000000, v5;
	(xrf1) =	vunique.msk.u32 $0xffff, v1  }
0xa1: {  	v13 =	vld [tilespmem:s25+$0x0];
	v12 =	vadd.s32 $0xB5000000, v6;
	v7 =	vadd.s32 $0xB5000000, v7;
	vm1 =	vgt.s32 v5, $0x0  }
0xa2: {  	v15 =	vld [tilespmem:s25+$0xFFFFFFD0];
	v8 =	vadd.s32 $0xB5000000, v8;
	vm0 =	vgt.s32 v2, $0x0;
	v5 =	vnsel vm1, $0x0, v5  }
0xa3: {  	v18 =	vld [tilespmem:s25+$0xFFFFFFF0];
	vm1 =	vgt.s32 v7, $0x0;
	v2 =	vnsel vm0, $0x0, v2;
	v5 =	vmin.u32 v5, $0xFF  }
0xa4: {  	v6 =	vld [tilespmem:s25+$0x10];
	vm2 =	vgt.s32 v8, $0x0;
	v7 =	vnsel vm1, $0x0, v7;
	v2 =	vmin.u32 v2, $0xFF;
	(xrf1) =	vunique.msk.u32 $0xffff, v5  }
0xa5: {  	v9 =	vld [tilespmem:s25+$0x30];
	v14 =	vnsel vm2, $0x0, v8;
	v8 =	vmin.u32 v7, $0xFF;
	(xrf1) =	vunique.msk.u32 $0xffff, v2  }
0xa6: {  	v13 =	vmul.f32 v13, v3;
	v16 =	vadd.s32 $0xB5000000, v4;
	v4 =	vmin.u32 v14, $0xFF;
	(xrf1) =	vunique.msk.u32 $0xffff, v8  }
0xa7: {  	v15 =	vmul.f32 v15, v3;
	(xrf1) =	vunique.msk.u32 $0xffff, v4  }
0xa8: {  	v18 =	vmul.f32 v18, v3;
	v13 =	vmul.f32 $2.550000000e+02, v13  }
0xa9: {  	v17 =	vld [tilespmem:s25+$0xFFFFFFE0];
	v7 =	vadd.f32 $8.388608000e+06, v10;
	v10 =	vmul.f32 v6, v3;
	v6 =	vmul.f32 v11, v3  }
0xaa: {  	v18 =	vmul.f32 $2.550000000e+02, v18;
	v20 =	vadd.f32 $8.388608000e+06, v13;
	v9 =	vmul.f32 v9, v3;
	v11 =	vld [tilespmem:s25+$0x20]  }
0xab: {  	vm1 =	vgt.s32 v16, $0x0;
	v7 =	vadd.s32 $0xB5000000, v7;
	v6 =	vmul.f32 $2.550000000e+02, v6  }
0xac: {  	vm0 =	vgt.s32 v12, $0x0;
	v16 =	vnsel vm1, $0x0, v16;
	vm2 =	vgt.s32 v7, $0x0  }
0xad: {  	v7 =	vnsel vm2, $0x0, v7;
	v19 =	vadd.f32 $8.388608000e+06, v6;
	v6 =	vmin.u32 v16, $0xFF  }
0xae: {  	v9 =	vmul.f32 $2.550000000e+02, v9;
	v16 =	vmul.f32 $2.550000000e+02, v15;
	v7 =	vmin.u32 v7, $0xFF;
	_, v13, vm2 =	vpop (xrf1);
	(xrf1) =	vunique.msk.u32 $0xffff, v6  }
0xaf: {  	v14 =	vmul.f32 v11, v3;
	v11 =	vmul.f32 v17, v3;
	v17 =	vadd.s32 $0xB5000000, v19  }
0xb0: {  	v20 =	vadd.s32 $0xB5000000, v20;
	v15 =	vadd.f32 $8.388608000e+06, v9;
	v9 =	vnsel vm0, $0x0, v12;
	(xrf1) =	vunique.msk.u32 $0xffff, v7  }
0xb1: {  	vm3 =	vgt.s32 v20, $0x0;
	v9 =	vmin.u32 v9, $0xFF;
	v21 =	vadd.f32 $8.388608000e+06, v16  }
0xb2: {  	v20 =	vnsel vm3, $0x0, v20;
	v16 =	vmul.f32 $2.550000000e+02, v10;
	vm0 =	vgt.s32 v17, $0x0;
	_, v12, vm1 =	vpop (xrf1);
	(xrf1) =	vunique.msk.u32 $0xffff, v9  }
0xb3: {  	s12 =	simm.s32 $0x8;
	s13 =	simm.s32 $0x840;
	v11 =	vmul.f32 $2.550000000e+02, v11;
	v19 =	vnsel vm0, $0x0, v17;
	v10 =	vadd.s32 $0xB5000000, v21;
	_, v17, vm0 =	vpop (xrf1)  }
.LBB2_8:
0xb4: {  	v21 =	vld [tilespmem:s13+$0x30];
	s12 =	sadd.s32 $0x8, s12;
	v14 =	vmul.f32 $2.550000000e+02, v14;
	v15 =	vadd.s32 $0xB5000000, v15;
	v17 =	vcvt.s32.f32 v17;
	_, v22, vm5 =	vpop (xrf1)  }
0xb5: {  	v20 =	vmin.u32 v20, $0xFF;
	v13 =	vcvt.s32.f32 v13;
	v23 =	vld [tilespmem:s13+$0x0];
	p0 =	slt.u32 s12, $0x78;
	vm3 =	vgt.s32 v15, $0x0;
	_, v24, vm4 =	vpop (xrf1)  }
0xb6: {  	v19 =	vmin.u32 v19, $0xFF;
	v25 =	vld [tilespmem:s13+$0xFFFFFFC0];
	v14 =	vadd.f32 $8.388608000e+06, v14;
	(xrf1) =	vunique.msk.u32 $0xffff, v20;
	v24 =	vcvt.s32.f32 v24  }
0xb7: {  	v18 =	vadd.f32 $8.388608000e+06, v18;
	v16 =	vadd.f32 $8.388608000e+06, v16;
	s11 =	simm.s32 $0x4000;
	v15 =	vnsel vm3, $0x0, v15;
	v26 =	vld [tilespmem:s13+$0x10]  }
0xb8: {  	vm3 =	vgt.s32 v10, $0x0;
	v15 =	vmin.u32 v15, $0xFF;
	v14 =	vadd.s32 $0xB5000000, v14;
	[tilespmem:v1+s11+$0x0] =	vst.idx.add.f32.msk vm2, v13;
	v1 =	vmovc v20  }
0xb9: {  	v12 =	vcvt.s32.f32 v12;
	v18 =	vadd.s32 $0xB5000000, v18;
	v13 =	vld [tilespmem:s13+$0xFFFFFFD0];
	vm2 =	vgt.s32 v14, $0x0;
	(xrf1) =	vunique.msk.u32 $0xffff, v15  }
0xba: {  	v22 =	vcvt.s32.f32 v22;
	vm6 =	vgt.s32 v18, $0x0;
	v20 =	vld [tilespmem:s13+$0xFFFFFFE0];
	v14 =	vnsel vm2, $0x0, v14  }
0xbb: {  	v16 =	vadd.s32 $0xB5000000, v16;
	v18 =	vnsel vm6, $0x0, v18;
	v27 =	vld [tilespmem:s13+$0xFFFFFFF0];
	v14 =	vmin.u32 v14, $0xFF;
	(xrf1) =	vunique.msk.u32 $0xffff, v19  }
0xbc: {  	v11 =	vadd.f32 $8.388608000e+06, v11;
	v18 =	vmin.u32 v18, $0xFF;
	(xrf1) =	vunique.msk.u32 $0xffff, v14;
	[tilespmem:v5+s11+$0x0] =	vst.idx.add.f32.msk vm1, v12;
	_, v5, vm2 =	vpop (xrf1)  }
0xbd: {  	v21 =	vmul.f32 v21, v3;
	v12 =	vmul.f32 v26, v3;
	(xrf1) =	vunique.msk.u32 $0xffff, v18;
	[tilespmem:v8+s11+$0x0] =	vst.idx.add.f32.msk vm5, v22  }
0xbe: {  	v28 =	vmul.f32 v25, v3;
	vm5 =	vgt.s32 v16, $0x0;
	v25 =	vcvt.s32.f32 v5;
	v22 =	vld [tilespmem:s13+$0x20];
	_, v5, vm1 =	vpop (xrf1)  }
0xbf: {  	v11 =	vadd.s32 $0xB5000000, v11;
	v23 =	vmul.f32 v23, v3;
	v16 =	vnsel vm5, $0x0, v16;
	[tilespmem:v2+s11+$0x0] =	vst.idx.add.f32.msk vm0, v17;
	v2 =	vmovc v19  }
0xc0: {  	vm5 =	vgt.s32 v11, $0x0;
	v17 =	vmul.f32 $2.550000000e+02, v28;
	v19 =	vcvt.s32.f32 v5;
	_, v5, vm0 =	vpop (xrf1)  }
0xc1: {  	v23 =	vmul.f32 $2.550000000e+02, v23;
	v8 =	vmovc v14;
	v11 =	vnsel vm5, $0x0, v11;
	v26 =	vcvt.s32.f32 v5;
	[tilespmem:v4+s11+$0x0] =	vst.idx.add.f32.msk vm4, v24;
	v5 =	vmovc v15  }
0xc2: {  	v17 =	vadd.f32 $8.388608000e+06, v17;
	v24 =	vmul.f32 v13, v3;
	v15 =	vmul.f32 $2.550000000e+02, v21;
	v4 =	vmovc v18;
	[tilespmem:v6+s11+$0x0] =	vst.idx.add.f32.msk vm2, v25  }
0xc3: {  	v18 =	vadd.f32 $8.388608000e+06, v23;
	v6 =	vmin.u32 v16, $0xFF;
	v14 =	vmul.f32 v22, v3  }
0xc4: {  	v20 =	vmul.f32 v20, v3;
	v16 =	vmul.f32 $2.550000000e+02, v24;
	v15 =	vadd.f32 $8.388608000e+06, v15;
	_, v13, vm2 =	vpop (xrf1);
	(xrf1) =	vunique.msk.u32 $0xffff, v6  }
.Ltmp3:
0xc5: {  	v10 =	vnsel vm3, $0x0, v10;
	v17 =	vadd.s32 $0xB5000000, v17;
	[tilespmem:v7+s11+$0x0] =	vst.idx.add.f32.msk vm1, v19;
	v7 =	vmin.u32 v11, $0xFF;
	(pc) =	sbr.rel @p0 .LBB2_8-.Ltmp3, $4  }
0xc6: {  	v10 =	vmin.u32 v10, $0xFF;
	v11 =	vmul.f32 $2.550000000e+02, v20;
	v19 =	vmul.f32 v27, v3;
	(xrf1) =	vunique.msk.u32 $0xffff, v7  }
0xc7: {  	v21 =	vadd.s32 $0xB5000000, v18;
	v20 =	vadd.f32 $8.388608000e+06, v16;
	v16 =	vmul.f32 $2.550000000e+02, v12;
	_, v12, vm1 =	vpop (xrf1);
	[tilespmem:v9+s11+$0x0] =	vst.idx.add.f32.msk vm0, v26  }
0xc8: {  	vm3 =	vgt.s32 v21, $0x0;
	vm0 =	vgt.s32 v17, $0x0;
	v18 =	vmul.f32 $2.550000000e+02, v19;
	v9 =	vmovc v10;
	(xrf1) =	vunique.msk.u32 $0xffff, v10  }
0xc9: {  	s13 =	sadd.s32 $0x400, s13;
	v19 =	vnsel vm0, $0x0, v17;
	v10 =	vadd.s32 $0xB5000000, v20;
	v20 =	vnsel vm3, $0x0, v21;
	_, v17, vm0 =	vpop (xrf1)  }
0xca: {  	v3 =	vmul.f32 $2.550000000e+02, v14  }
0xcb: {  	v55 =	vadd.s32 $0xB5000000, v15;
	v56 =	vmin.u32 v20, $0xFF  }
0xcc: {  	v19 =	vmin.u32 v19, $0xFF;
	v18 =	vadd.f32 $8.388608000e+06, v18;
	v3 =	vadd.f32 $8.388608000e+06, v3  }
0xcd: {  	v16 =	vadd.f32 $8.388608000e+06, v16;
	v11 =	vadd.f32 $8.388608000e+06, v11;
	vm3 =	vgt.s32 v55, $0x0  }
0xce: {  	v14 =	vnsel vm3, $0x0, v55;
	v18 =	vadd.s32 $0xB5000000, v18;
	v3 =	vadd.s32 $0xB5000000, v3  }
0xcf: {  	(xrf1) =	vunique.msk.u32 $0xffff, v56;
	v16 =	vadd.s32 $0xB5000000, v16;
	v14 =	vmin.u32 v14, $0xFF;
	vm9 =	vgt.s32 v3, $0x0  }
0xd0: {  	v11 =	vadd.s32 $0xB5000000, v11;
	vm10 =	vgt.s32 v18, $0x0;
	(xrf1) =	vunique.msk.u32 $0xffff, v14;
	v3 =	vnsel vm9, $0x0, v3  }
0xd1: {  	vm11 =	vgt.s32 v16, $0x0;
	v18 =	vnsel vm10, $0x0, v18;
	(xrf1) =	vunique.msk.u32 $0xffff, v19;
	v3 =	vmin.u32 v3, $0xFF  }
0xd2: {  	vm12 =	vgt.s32 v11, $0x0;
	v16 =	vnsel vm11, $0x0, v16;
	v18 =	vmin.u32 v18, $0xFF;
	(xrf1) =	vunique.msk.u32 $0xffff, v3  }
0xd3: {  	vm4 =	vgt.s32 v10, $0x0;
	v11 =	vnsel vm12, $0x0, v11;
	v16 =	vmin.u32 v16, $0xFF;
	(xrf1) =	vunique.msk.u32 $0xffff, v18  }
0xd4: {  	v10 =	vnsel vm4, $0x0, v10;
	v11 =	vmin.u32 v11, $0xFF;
	(xrf1) =	vunique.msk.u32 $0xffff, v16  }
0xd5: {  	_, v57, vm13 =	vpop (xrf1);
	v10 =	vmin.u32 v10, $0xFF;
	(xrf1) =	vunique.msk.u32 $0xffff, v11  }
0xd6: {  	_, v21, vm14 =	vpop (xrf1);
	(xrf1) =	vunique.msk.u32 $0xffff, v10  }
0xd7: {  	v13 =	vcvt.s32.f32 v13;
	_, v22, vm5 =	vpop (xrf1)  }
0xd8: {  	_, v23, vm6 =	vpop (xrf1)  }
0xd9: {  	[tilespmem:v1+s11+$0x0] =	vst.idx.add.f32.msk vm2, v13;
	_, v1, vm2 =	vpop (xrf1)  }
0xda: {  	v12 =	vcvt.s32.f32 v12  }
0xdb: {  	v59 =	vcvt.s32.f32 v17  }
0xdc: {  	v58 =	vcvt.s32.f32 v57;
	[tilespmem:v5+s11+$0x0] =	vst.idx.add.f32.msk vm1, v12  }
0xdd: {  	[tilespmem:v2+s11+$0x0] =	vst.idx.add.f32.msk vm0, v59;
	v1 =	vcvt.s32.f32 v1;
	_, v5, vm1 =	vpop (xrf1)  }
0xde: {  	v60 =	vcvt.s32.f32 v21;
	[tilespmem:v8+s11+$0x0] =	vst.idx.add.f32.msk vm13, v58;
	v5 =	vcvt.s32.f32 v5;
	_, v13, vm3 =	vpop (xrf1)  }
0xdf: {  	v61 =	vcvt.s32.f32 v22;
	[tilespmem:v9+s11+$0x0] =	vst.idx.add.f32.msk vm2, v1;
	_, v2, vm0 =	vpop (xrf1);
	v1 =	vcvt.s32.f32 v13  }
0xe0: {  	[tilespmem:v4+s11+$0x0] =	vst.idx.add.f32.msk vm14, v60;
	v62 =	vcvt.s32.f32 v23;
	_, v4, vm4 =	vpop (xrf1)  }
0xe1: {  	[tilespmem:v6+s11+$0x0] =	vst.idx.add.f32.msk vm5, v61;
	_, v6, vm5 =	vpop (xrf1)  }
0xe2: {  	[tilespmem:v7+s11+$0x0] =	vst.idx.add.f32.msk vm6, v62;
	_, v63, vm15 =	vpop (xrf1)  }
0xe3: {  	v2 =	vcvt.s32.f32 v2;
	[tilespmem:v56+s11+$0x0] =	vst.idx.add.f32.msk vm1, v5;
	_, v5, vm1 =	vpop (xrf1)  }
0xe4: {  	v4 =	vcvt.s32.f32 v4;
	[tilespmem:v14+s11+$0x0] =	vst.idx.add.f32.msk vm3, v1;
	_, v1, vm3 =	vpop (xrf1)  }
0xe5: {  	v6 =	vcvt.s32.f32 v6;
	[tilespmem:v19+s11+$0x0] =	vst.idx.add.f32.msk vm0, v2  }
0xe6: {  	[tilespmem:v3+s11+$0x0] =	vst.idx.add.f32.msk vm4, v4;
	v3 =	vcvt.s32.f32 v63  }
0xe7: {  	s12 =	simm.s32 $0x0;
	v2 =	vcvt.s32.f32 v5;
	[tilespmem:v18+s11+$0x0] =	vst.idx.add.f32.msk vm5, v6  }
0xe8: {  	s17 =	sand.u32 $0x40, s12;
	s13 =	sand.u32 $0x80, s12;
	v1 =	vcvt.s32.f32 v1;
	[tilespmem:v16+s11+$0x0] =	vst.idx.add.f32.msk vm15, v3  }
0xe9: {  	s15 =	sor.u32 $0x4000, s13;
	s20 =	sor.u32 $0x30, s17;
	[tilespmem:v11+s11+$0x0] =	vst.idx.add.f32.msk vm1, v2  }
0xea: {  	s16 =	sor.u32 s20, s15;
	[tilespmem:v10+s11+$0x0] =	vst.idx.add.f32.msk vm3, v1  }
0xeb: {  	s19 =	sor.u32 $0x10, s17;
	v3 =	vld [tilespmem:s16+$0x0]  }
0xec: {  	s21 =	sand.u32 $0x400, s12;
	s14 =	sor.u32 $0x20, s17;
	s13 =	sor.u32 s19, s15  }
0xed: {  	s18 =	simm.s32 $0x0;
	s21 =	sor.u32 $0x4100, s21;
	s15 =	sor.u32 s14, s15;
	v2 =	vld [tilespmem:s13+$0x0]  }
0xee: {  	s17 =	sor.u32 s17, s21;
	s22 =	sor.u32 s20, s21;
	s20 =	simm.s32 $0x40;
	v1 =	vld [tilespmem:s15+$0x0]  }
.LBB2_10:
0xef: {  	s23 =	sand.u32 $0x40, s20  }
0xf0: {  	s24 =	sand.u32 $0x80, s20;
	s25 =	sor.u32 s19, s21;
	[tilespmem:s22+$0x0] =	vst v3;
	s18 =	sadd.s32 $0x4, s18  }
0xf1: {  	s21 =	sor.u32 s14, s21;
	s22 =	sor.u32 $0x4000, s24;
	s24 =	sor.u32 $0x30, s23;
	v4 =	vld [tilespmem:s11+$0x0];
	[tilespmem:s16+$0x0] =	vst v0  }
0xf2: {  	s19 =	sor.u32 $0x10, s23;
	p0 =	slt.u32 s18, $0xC;
	s16 =	sor.u32 s24, s22;
	[tilespmem:s25+$0x0] =	vst v2  }
.Ltmp4:
0xf3: {  	s14 =	sor.u32 $0x20, s23;
	v3 =	vld [tilespmem:s16+$0x0];
	[tilespmem:s13+$0x0] =	vst v0;
	s13 =	sor.u32 s19, s22;
	(pc) =	sbr.rel @p0 .LBB2_10-.Ltmp4, $4  }
0xf4: {  	s12 =	sadd.s32 $0x200, s12;
	s25 =	smov.u32 s11;
	s22 =	sor.u32 s14, s22;
	v2 =	vld [tilespmem:s13+$0x0];
	[tilespmem:s21+$0x0] =	vst v1  }
0xf5: {  	s21 =	sand.u32 $0x400, s12;
	v1 =	vld [tilespmem:s22+$0x0];
	[tilespmem:s15+$0x0] =	vst v0;
	s15 =	smov.u32 s22  }
0xf6: {  	s11 =	sadd.s32 $0x40, s11;
	s21 =	sor.u32 $0x4100, s21;
	[tilespmem:s17+$0x0] =	vst v4  }
0xf7: {  	s20 =	sadd.s32 $0x40, s20;
	s17 =	sor.u32 s23, s21;
	s22 =	sor.u32 s24, s21;
	[tilespmem:s25+$0x0] =	vst v0  }
0xf8: {  	[tilespmem:s22+$0x0] =	vst v3  }
0xf9: {  	s12 =	sor.u32 s19, s21;
	v3 =	vld [tilespmem:s11+$0x0];
	[tilespmem:s16+$0x0] =	vst v0  }
0xfa: {  	[tilespmem:s12+$0x0] =	vst v2  }
0xfb: {  	s24 =	sor.u32 s14, s21;
	[tilespmem:s13+$0x0] =	vst v0  }
0xfc: {  	[tilespmem:s24+$0x0] =	vst v1  }
0xfd: {  	[tilespmem:s15+$0x0] =	vst v0  }
0xfe: {  	[tilespmem:s17+$0x0] =	vst v3  }
0xff: {  	[tilespmem:s11+$0x0] =	vst v0  }
0x100: {  	s25 =	simm.s32 $0x480;
	v3 =	vld [tilespmem:$0x80]  }
0x101: {  	v4 =	vld [tilespmem:s25+$0xFFFFFC10]  }
0x102: {  	v5 =	vld [tilespmem:s25+$0xFFFFFC20]  }
0x103: {  	v6 =	vld [tilespmem:s25+$0xFFFFFC30]  }
0x104: {  	v2 =	vld [tilespmem:s25+$0xFFFFFC40]  }
0x105: {  	v1 =	vld [tilespmem:s25+$0xFFFFFC50]  }
0x106: {  	v4 =	vmax.f32 v3, v4;
	v3 =	vld [tilespmem:s25+$0xFFFFFC60]  }
0x107: {  	v5 =	vmax.f32 v4, v5;
	v4 =	vld [tilespmem:s25+$0xFFFFFC70]  }
0x108: {  	s12 =	simm.s32 $0x880;
	s11 =	simm.s32 $0x1;
	v6 =	vmax.f32 v5, v6;
	v5 =	vld [tilespmem:s25+$0x0]  }
.LBB2_12:
0x109: {  	v7 =	vld [tilespmem:s12+$0xFFFFFC10];
	s11 =	sadd.s32 $0x8, s11;
	v2 =	vmax.f32 v6, v2  }
0x10a: {  	v6 =	vld [tilespmem:s12+$0xFFFFFC20];
	p0 =	slt.u32 s11, $0x71;
	v1 =	vmax.f32 v2, v1  }
0x10b: {  	v8 =	vld [tilespmem:s12+$0xFFFFFC30];
	v1 =	vmax.f32 v1, v3  }
.Ltmp5:
0x10c: {  	v2 =	vld [tilespmem:s12+$0xFFFFFC40];
	v3 =	vmax.f32 v1, v4;
	(pc) =	sbr.rel @p0 .LBB2_12-.Ltmp5, $4  }
0x10d: {  	s13 =	simm.s32 $0x90;
	v1 =	vld [tilespmem:s12+$0xFFFFFC50];
	v3 =	vmax.f32 v3, v5  }
0x10e: {  	v4 =	vmax.f32 v3, v7;
	v3 =	vld [tilespmem:s12+$0xFFFFFC60]  }
0x10f: {  	v5 =	vmax.f32 v4, v6;
	v4 =	vld [tilespmem:s12+$0xFFFFFC70]  }
0x110: {  	v6 =	vmax.f32 v5, v8;
	v5 =	vld [tilespmem:s12+$0x0];
	s12 =	sadd.s32 $0x400, s12  }
0x111: {  	v2 =	vmax.f32 v6, v2  }
0x112: {  	v1 =	vmax.f32 v2, v1  }
0x113: {  	v1 =	vmax.f32 v1, v3  }
0x114: {  	v1 =	vmax.f32 v1, v4  }
0x115: {  	s11 =	simm.s32 $0x3C80;
	v1 =	vmax.f32 v1, v5  }
.LBB2_14:
0x116: {  	s12 =	sand.u32 $0x3FFFFC00, s11  }
0x117: {  	s12 =	sadd.s32 s12, s13  }
0x118: {  	p0 =	sne.s32 s11, $0x3F80;
	v2 =	vld [tilespmem:s12+$0x0]  }
.Ltmp6:
0x119: {  	_ = 	snop;
	(pc) =	sbr.rel @p0 .LBB2_14-.Ltmp6, $2  }
0x11a: {  	_ =	sdelay $0x2  }
0x11b: {  	s11 =	sadd.s32 $0x80, s11;
	s13 =	sadd.s32 $0x10, s13;
	v1 =	vmax.f32 v1, v2  }
0x11c: {  	(xrf0) =	vmax.scan.msk.f32 $0xffff, v1;
	_ =	sdelay $0x5  }
0x11d: {  	v1, _, _ =	vpop (xrf0)  }
0x11e: {  	v1 =	vbroadcast v1, $0xF;
	_ =	sdelay $0x1  }
0x11f: {  	(erf) = vrcp.f32 v1  }
0x120: {  	s11 =	simm.s32 $0xF0  }
0x121: {  	v2 =	vld [tilespmem:s11+$0xFFFFFF90]  }
0x122: {  	v4 =	vld [tilespmem:s11+$0xFFFFFFE0]  }
0x123: {  	v5 =	vld [tilespmem:s11+$0x0]  }
0x124: {  	v6 =	vld [tilespmem:s11+$0xFFFFFFA0]  }
0x125: {  	v1 =	vld [tilespmem:s11+$0xFFFFFFD0]  }
0x126: {  	v7 =	vld [tilespmem:s11+$0xFFFFFFF0]  }
0x127: {  	v8 =	vld [tilespmem:s11+$0xFFFFFFB0]  }
0x128: {  	v9 =	vld [tilespmem:s11+$0xFFFFFFC0];
	v3 =	vpop (erf)  }
0x129: {  	v2 =	vmul.f32 v2, v3  }
0x12a: {  	v4 =	vmul.f32 v4, v3;
	v1 =	vmul.f32 v1, v3  }
0x12b: {  	v5 =	vmul.f32 v5, v3;
	v6 =	vmul.f32 v6, v3  }
0x12c: {  	v7 =	vmul.f32 v7, v3;
	v1 =	vmul.f32 $2.550000000e+02, v1  }
0x12d: {  	v8 =	vmul.f32 v8, v3;
	v9 =	vmul.f32 v9, v3  }
0x12e: {  	v2 =	vmul.f32 $2.550000000e+02, v2;
	v5 =	vmul.f32 $2.550000000e+02, v5;
	v1 =	vadd.f32 $8.388608000e+06, v1  }
0x12f: {  	v6 =	vmul.f32 $2.550000000e+02, v6;
	v10 =	vmul.f32 $2.550000000e+02, v8  }
0x130: {  	v4 =	vmul.f32 $2.550000000e+02, v4;
	v8 =	vmul.f32 $2.550000000e+02, v9;
	v1 =	vadd.s32 $0xB5000000, v1  }
0x131: {  	v7 =	vmul.f32 $2.550000000e+02, v7;
	v2 =	vadd.f32 $8.388608000e+06, v2;
	vm0 =	vgt.s32 v1, $0x0  }
0x132: {  	v5 =	vadd.f32 $8.388608000e+06, v5;
	v6 =	vadd.f32 $8.388608000e+06, v6;
	v1 =	vnsel vm0, $0x0, v1  }
0x133: {  	s25 =	simm.s32 $0x4F0;
	v7 =	vadd.f32 $8.388608000e+06, v7;
	v8 =	vadd.f32 $8.388608000e+06, v8;
	v1 =	vmin.u32 v1, $0xFF  }
0x134: {  	v11 =	vld [tilespmem:s25+$0xFFFFFF90];
	v4 =	vadd.f32 $8.388608000e+06, v4;
	v2 =	vadd.s32 $0xB5000000, v2;
	v5 =	vadd.s32 $0xB5000000, v5;
	(xrf1) =	vunique.msk.u32 $0xffff, v1  }
0x135: {  	v13 =	vld [tilespmem:s25+$0xFFFFFFD0];
	v12 =	vadd.s32 $0xB5000000, v6;
	v7 =	vadd.s32 $0xB5000000, v7;
	vm1 =	vgt.s32 v5, $0x0  }
0x136: {  	v15 =	vld [tilespmem:s25+$0xFFFFFFA0];
	v8 =	vadd.s32 $0xB5000000, v8;
	vm0 =	vgt.s32 v2, $0x0;
	v5 =	vnsel vm1, $0x0, v5  }
0x137: {  	v18 =	vld [tilespmem:s25+$0xFFFFFFC0];
	vm1 =	vgt.s32 v7, $0x0;
	v2 =	vnsel vm0, $0x0, v2;
	v5 =	vmin.u32 v5, $0xFF  }
0x138: {  	v6 =	vld [tilespmem:s25+$0xFFFFFFE0];
	vm2 =	vgt.s32 v8, $0x0;
	v7 =	vnsel vm1, $0x0, v7;
	v2 =	vmin.u32 v2, $0xFF;
	(xrf1) =	vunique.msk.u32 $0xffff, v5  }
0x139: {  	v9 =	vld [tilespmem:s25+$0x0];
	v14 =	vnsel vm2, $0x0, v8;
	v8 =	vmin.u32 v7, $0xFF;
	(xrf1) =	vunique.msk.u32 $0xffff, v2  }
0x13a: {  	v13 =	vmul.f32 v13, v3;
	v16 =	vadd.s32 $0xB5000000, v4;
	v4 =	vmin.u32 v14, $0xFF;
	(xrf1) =	vunique.msk.u32 $0xffff, v8  }
0x13b: {  	v15 =	vmul.f32 v15, v3;
	(xrf1) =	vunique.msk.u32 $0xffff, v4  }
0x13c: {  	v18 =	vmul.f32 v18, v3;
	v13 =	vmul.f32 $2.550000000e+02, v13  }
0x13d: {  	v17 =	vld [tilespmem:s25+$0xFFFFFFB0];
	v7 =	vadd.f32 $8.388608000e+06, v10;
	v10 =	vmul.f32 v6, v3;
	v6 =	vmul.f32 v11, v3  }
0x13e: {  	v18 =	vmul.f32 $2.550000000e+02, v18;
	v20 =	vadd.f32 $8.388608000e+06, v13;
	v9 =	vmul.f32 v9, v3;
	v11 =	vld [tilespmem:s25+$0xFFFFFFF0]  }
0x13f: {  	vm1 =	vgt.s32 v16, $0x0;
	v7 =	vadd.s32 $0xB5000000, v7;
	v6 =	vmul.f32 $2.550000000e+02, v6  }
0x140: {  	vm0 =	vgt.s32 v12, $0x0;
	v16 =	vnsel vm1, $0x0, v16;
	vm2 =	vgt.s32 v7, $0x0  }
0x141: {  	v7 =	vnsel vm2, $0x0, v7;
	v19 =	vadd.f32 $8.388608000e+06, v6;
	v6 =	vmin.u32 v16, $0xFF  }
0x142: {  	v9 =	vmul.f32 $2.550000000e+02, v9;
	v16 =	vmul.f32 $2.550000000e+02, v15;
	v7 =	vmin.u32 v7, $0xFF;
	_, v13, vm2 =	vpop (xrf1);
	(xrf1) =	vunique.msk.u32 $0xffff, v6  }
0x143: {  	v14 =	vmul.f32 v11, v3;
	v11 =	vmul.f32 v17, v3;
	v17 =	vadd.s32 $0xB5000000, v19  }
0x144: {  	v20 =	vadd.s32 $0xB5000000, v20;
	v15 =	vadd.f32 $8.388608000e+06, v9;
	v9 =	vnsel vm0, $0x0, v12;
	(xrf1) =	vunique.msk.u32 $0xffff, v7  }
0x145: {  	vm3 =	vgt.s32 v20, $0x0;
	v9 =	vmin.u32 v9, $0xFF;
	v21 =	vadd.f32 $8.388608000e+06, v16  }
0x146: {  	v20 =	vnsel vm3, $0x0, v20;
	v16 =	vmul.f32 $2.550000000e+02, v10;
	vm0 =	vgt.s32 v17, $0x0;
	_, v12, vm1 =	vpop (xrf1);
	(xrf1) =	vunique.msk.u32 $0xffff, v9  }
0x147: {  	s12 =	simm.s32 $0x8;
	s13 =	simm.s32 $0x8F0;
	v11 =	vmul.f32 $2.550000000e+02, v11;
	v19 =	vnsel vm0, $0x0, v17;
	v10 =	vadd.s32 $0xB5000000, v21;
	_, v17, vm0 =	vpop (xrf1)  }
.LBB2_16:
0x148: {  	v21 =	vld [tilespmem:s13+$0x0];
	s12 =	sadd.s32 $0x8, s12;
	v14 =	vmul.f32 $2.550000000e+02, v14;
	v15 =	vadd.s32 $0xB5000000, v15;
	v17 =	vcvt.s32.f32 v17;
	_, v22, vm5 =	vpop (xrf1)  }
0x149: {  	v20 =	vmin.u32 v20, $0xFF;
	v13 =	vcvt.s32.f32 v13;
	v23 =	vld [tilespmem:s13+$0xFFFFFFD0];
	p0 =	slt.u32 s12, $0x78;
	vm3 =	vgt.s32 v15, $0x0;
	_, v24, vm4 =	vpop (xrf1)  }
0x14a: {  	v19 =	vmin.u32 v19, $0xFF;
	v25 =	vld [tilespmem:s13+$0xFFFFFF90];
	v14 =	vadd.f32 $8.388608000e+06, v14;
	(xrf1) =	vunique.msk.u32 $0xffff, v20;
	v24 =	vcvt.s32.f32 v24  }
0x14b: {  	v18 =	vadd.f32 $8.388608000e+06, v18;
	v16 =	vadd.f32 $8.388608000e+06, v16;
	s11 =	simm.s32 $0x4000;
	v15 =	vnsel vm3, $0x0, v15;
	v26 =	vld [tilespmem:s13+$0xFFFFFFE0]  }
0x14c: {  	vm3 =	vgt.s32 v10, $0x0;
	v15 =	vmin.u32 v15, $0xFF;
	v14 =	vadd.s32 $0xB5000000, v14;
	[tilespmem:v1+s11+$0x0] =	vst.idx.add.f32.msk vm2, v13;
	v1 =	vmovc v20  }
0x14d: {  	v12 =	vcvt.s32.f32 v12;
	v18 =	vadd.s32 $0xB5000000, v18;
	v13 =	vld [tilespmem:s13+$0xFFFFFFA0];
	vm2 =	vgt.s32 v14, $0x0;
	(xrf1) =	vunique.msk.u32 $0xffff, v15  }
0x14e: {  	v22 =	vcvt.s32.f32 v22;
	vm6 =	vgt.s32 v18, $0x0;
	v20 =	vld [tilespmem:s13+$0xFFFFFFB0];
	v14 =	vnsel vm2, $0x0, v14  }
0x14f: {  	v16 =	vadd.s32 $0xB5000000, v16;
	v18 =	vnsel vm6, $0x0, v18;
	v27 =	vld [tilespmem:s13+$0xFFFFFFC0];
	v14 =	vmin.u32 v14, $0xFF;
	(xrf1) =	vunique.msk.u32 $0xffff, v19  }
0x150: {  	v11 =	vadd.f32 $8.388608000e+06, v11;
	v18 =	vmin.u32 v18, $0xFF;
	(xrf1) =	vunique.msk.u32 $0xffff, v14;
	[tilespmem:v5+s11+$0x0] =	vst.idx.add.f32.msk vm1, v12;
	_, v5, vm2 =	vpop (xrf1)  }
0x151: {  	v21 =	vmul.f32 v21, v3;
	v12 =	vmul.f32 v26, v3;
	(xrf1) =	vunique.msk.u32 $0xffff, v18;
	[tilespmem:v8+s11+$0x0] =	vst.idx.add.f32.msk vm5, v22  }
0x152: {  	v28 =	vmul.f32 v25, v3;
	vm5 =	vgt.s32 v16, $0x0;
	v25 =	vcvt.s32.f32 v5;
	v22 =	vld [tilespmem:s13+$0xFFFFFFF0];
	_, v5, vm1 =	vpop (xrf1)  }
0x153: {  	v11 =	vadd.s32 $0xB5000000, v11;
	v23 =	vmul.f32 v23, v3;
	v16 =	vnsel vm5, $0x0, v16;
	[tilespmem:v2+s11+$0x0] =	vst.idx.add.f32.msk vm0, v17;
	v2 =	vmovc v19  }
0x154: {  	vm5 =	vgt.s32 v11, $0x0;
	v17 =	vmul.f32 $2.550000000e+02, v28;
	v19 =	vcvt.s32.f32 v5;
	_, v5, vm0 =	vpop (xrf1)  }
0x155: {  	v23 =	vmul.f32 $2.550000000e+02, v23;
	v8 =	vmovc v14;
	v11 =	vnsel vm5, $0x0, v11;
	v26 =	vcvt.s32.f32 v5;
	[tilespmem:v4+s11+$0x0] =	vst.idx.add.f32.msk vm4, v24;
	v5 =	vmovc v15  }
0x156: {  	v17 =	vadd.f32 $8.388608000e+06, v17;
	v24 =	vmul.f32 v13, v3;
	v15 =	vmul.f32 $2.550000000e+02, v21;
	v4 =	vmovc v18;
	[tilespmem:v6+s11+$0x0] =	vst.idx.add.f32.msk vm2, v25  }
0x157: {  	v18 =	vadd.f32 $8.388608000e+06, v23;
	v6 =	vmin.u32 v16, $0xFF;
	v14 =	vmul.f32 v22, v3  }
0x158: {  	v20 =	vmul.f32 v20, v3;
	v16 =	vmul.f32 $2.550000000e+02, v24;
	v15 =	vadd.f32 $8.388608000e+06, v15;
	_, v13, vm2 =	vpop (xrf1);
	(xrf1) =	vunique.msk.u32 $0xffff, v6  }
.Ltmp7:
0x159: {  	v10 =	vnsel vm3, $0x0, v10;
	v17 =	vadd.s32 $0xB5000000, v17;
	[tilespmem:v7+s11+$0x0] =	vst.idx.add.f32.msk vm1, v19;
	v7 =	vmin.u32 v11, $0xFF;
	(pc) =	sbr.rel @p0 .LBB2_16-.Ltmp7, $4  }
0x15a: {  	v10 =	vmin.u32 v10, $0xFF;
	v11 =	vmul.f32 $2.550000000e+02, v20;
	v19 =	vmul.f32 v27, v3;
	(xrf1) =	vunique.msk.u32 $0xffff, v7  }
0x15b: {  	v21 =	vadd.s32 $0xB5000000, v18;
	v20 =	vadd.f32 $8.388608000e+06, v16;
	v16 =	vmul.f32 $2.550000000e+02, v12;
	_, v12, vm1 =	vpop (xrf1);
	[tilespmem:v9+s11+$0x0] =	vst.idx.add.f32.msk vm0, v26  }
0x15c: {  	vm3 =	vgt.s32 v21, $0x0;
	vm0 =	vgt.s32 v17, $0x0;
	v18 =	vmul.f32 $2.550000000e+02, v19;
	v9 =	vmovc v10;
	(xrf1) =	vunique.msk.u32 $0xffff, v10  }
0x15d: {  	s13 =	sadd.s32 $0x400, s13;
	v19 =	vnsel vm0, $0x0, v17;
	v10 =	vadd.s32 $0xB5000000, v20;
	v20 =	vnsel vm3, $0x0, v21;
	_, v17, vm0 =	vpop (xrf1)  }
0x15e: {  	v3 =	vmul.f32 $2.550000000e+02, v14  }
0x15f: {  	v55 =	vadd.s32 $0xB5000000, v15;
	v56 =	vmin.u32 v20, $0xFF  }
0x160: {  	v19 =	vmin.u32 v19, $0xFF;
	v18 =	vadd.f32 $8.388608000e+06, v18;
	v3 =	vadd.f32 $8.388608000e+06, v3  }
0x161: {  	v16 =	vadd.f32 $8.388608000e+06, v16;
	v11 =	vadd.f32 $8.388608000e+06, v11;
	vm3 =	vgt.s32 v55, $0x0  }
0x162: {  	v14 =	vnsel vm3, $0x0, v55;
	v18 =	vadd.s32 $0xB5000000, v18;
	v3 =	vadd.s32 $0xB5000000, v3  }
0x163: {  	(xrf1) =	vunique.msk.u32 $0xffff, v56;
	v16 =	vadd.s32 $0xB5000000, v16;
	v14 =	vmin.u32 v14, $0xFF;
	vm9 =	vgt.s32 v3, $0x0  }
0x164: {  	v11 =	vadd.s32 $0xB5000000, v11;
	vm10 =	vgt.s32 v18, $0x0;
	(xrf1) =	vunique.msk.u32 $0xffff, v14;
	v3 =	vnsel vm9, $0x0, v3  }
0x165: {  	vm11 =	vgt.s32 v16, $0x0;
	v18 =	vnsel vm10, $0x0, v18;
	(xrf1) =	vunique.msk.u32 $0xffff, v19;
	v3 =	vmin.u32 v3, $0xFF  }
0x166: {  	vm12 =	vgt.s32 v11, $0x0;
	v16 =	vnsel vm11, $0x0, v16;
	v18 =	vmin.u32 v18, $0xFF;
	(xrf1) =	vunique.msk.u32 $0xffff, v3  }
0x167: {  	vm4 =	vgt.s32 v10, $0x0;
	v11 =	vnsel vm12, $0x0, v11;
	v16 =	vmin.u32 v16, $0xFF;
	(xrf1) =	vunique.msk.u32 $0xffff, v18  }
0x168: {  	v10 =	vnsel vm4, $0x0, v10;
	v11 =	vmin.u32 v11, $0xFF;
	(xrf1) =	vunique.msk.u32 $0xffff, v16  }
0x169: {  	_, v57, vm13 =	vpop (xrf1);
	v10 =	vmin.u32 v10, $0xFF;
	(xrf1) =	vunique.msk.u32 $0xffff, v11  }
0x16a: {  	_, v21, vm14 =	vpop (xrf1);
	(xrf1) =	vunique.msk.u32 $0xffff, v10  }
0x16b: {  	v13 =	vcvt.s32.f32 v13;
	_, v22, vm5 =	vpop (xrf1)  }
0x16c: {  	_, v23, vm6 =	vpop (xrf1)  }
0x16d: {  	[tilespmem:v1+s11+$0x0] =	vst.idx.add.f32.msk vm2, v13;
	_, v1, vm2 =	vpop (xrf1)  }
0x16e: {  	v12 =	vcvt.s32.f32 v12  }
0x16f: {  	v59 =	vcvt.s32.f32 v17  }
0x170: {  	v58 =	vcvt.s32.f32 v57;
	[tilespmem:v5+s11+$0x0] =	vst.idx.add.f32.msk vm1, v12  }
0x171: {  	[tilespmem:v2+s11+$0x0] =	vst.idx.add.f32.msk vm0, v59;
	v1 =	vcvt.s32.f32 v1;
	_, v5, vm1 =	vpop (xrf1)  }
0x172: {  	v60 =	vcvt.s32.f32 v21;
	[tilespmem:v8+s11+$0x0] =	vst.idx.add.f32.msk vm13, v58;
	v5 =	vcvt.s32.f32 v5;
	_, v13, vm3 =	vpop (xrf1)  }
0x173: {  	v61 =	vcvt.s32.f32 v22;
	[tilespmem:v9+s11+$0x0] =	vst.idx.add.f32.msk vm2, v1;
	_, v2, vm0 =	vpop (xrf1);
	v1 =	vcvt.s32.f32 v13  }
0x174: {  	[tilespmem:v4+s11+$0x0] =	vst.idx.add.f32.msk vm14, v60;
	v62 =	vcvt.s32.f32 v23;
	_, v4, vm4 =	vpop (xrf1)  }
0x175: {  	[tilespmem:v6+s11+$0x0] =	vst.idx.add.f32.msk vm5, v61;
	_, v6, vm5 =	vpop (xrf1)  }
0x176: {  	[tilespmem:v7+s11+$0x0] =	vst.idx.add.f32.msk vm6, v62;
	_, v63, vm15 =	vpop (xrf1)  }
0x177: {  	v2 =	vcvt.s32.f32 v2;
	[tilespmem:v56+s11+$0x0] =	vst.idx.add.f32.msk vm1, v5;
	_, v5, vm1 =	vpop (xrf1)  }
0x178: {  	v4 =	vcvt.s32.f32 v4;
	[tilespmem:v14+s11+$0x0] =	vst.idx.add.f32.msk vm3, v1;
	_, v1, vm3 =	vpop (xrf1)  }
0x179: {  	v6 =	vcvt.s32.f32 v6;
	[tilespmem:v19+s11+$0x0] =	vst.idx.add.f32.msk vm0, v2  }
0x17a: {  	[tilespmem:v3+s11+$0x0] =	vst.idx.add.f32.msk vm4, v4;
	v3 =	vcvt.s32.f32 v63  }
0x17b: {  	s12 =	simm.s32 $0x0;
	v2 =	vcvt.s32.f32 v5;
	[tilespmem:v18+s11+$0x0] =	vst.idx.add.f32.msk vm5, v6  }
0x17c: {  	s17 =	sand.u32 $0x40, s12;
	s13 =	sand.u32 $0x80, s12;
	v1 =	vcvt.s32.f32 v1;
	[tilespmem:v16+s11+$0x0] =	vst.idx.add.f32.msk vm15, v3  }
0x17d: {  	s15 =	sor.u32 $0x4000, s13;
	s20 =	sor.u32 $0x30, s17;
	[tilespmem:v11+s11+$0x0] =	vst.idx.add.f32.msk vm1, v2  }
0x17e: {  	s16 =	sor.u32 s20, s15;
	[tilespmem:v10+s11+$0x0] =	vst.idx.add.f32.msk vm3, v1  }
0x17f: {  	s19 =	sor.u32 $0x10, s17;
	v3 =	vld [tilespmem:s16+$0x0]  }
0x180: {  	s21 =	sand.u32 $0x400, s12;
	s14 =	sor.u32 $0x20, s17;
	s13 =	sor.u32 s19, s15  }
0x181: {  	s18 =	simm.s32 $0x0;
	s21 =	sor.u32 $0x4100, s21;
	s15 =	sor.u32 s14, s15;
	v2 =	vld [tilespmem:s13+$0x0]  }
0x182: {  	s17 =	sor.u32 s17, s21;
	s22 =	sor.u32 s20, s21;
	s20 =	simm.s32 $0x40;
	v1 =	vld [tilespmem:s15+$0x0]  }
.LBB2_18:
0x183: {  	s23 =	sand.u32 $0x40, s20  }
0x184: {  	s24 =	sand.u32 $0x80, s20;
	s25 =	sor.u32 s19, s21;
	[tilespmem:s22+$0x80] =	vst v3;
	s18 =	sadd.s32 $0x4, s18  }
0x185: {  	s21 =	sor.u32 s14, s21;
	s22 =	sor.u32 $0x4000, s24;
	s24 =	sor.u32 $0x30, s23;
	v4 =	vld [tilespmem:s11+$0x0];
	[tilespmem:s16+$0x0] =	vst v0  }
0x186: {  	s19 =	sor.u32 $0x10, s23;
	p0 =	slt.u32 s18, $0xC;
	s16 =	sor.u32 s24, s22;
	[tilespmem:s25+$0x80] =	vst v2  }
.Ltmp8:
0x187: {  	s14 =	sor.u32 $0x20, s23;
	v3 =	vld [tilespmem:s16+$0x0];
	[tilespmem:s13+$0x0] =	vst v0;
	s13 =	sor.u32 s19, s22;
	(pc) =	sbr.rel @p0 .LBB2_18-.Ltmp8, $4  }
0x188: {  	s12 =	sadd.s32 $0x200, s12;
	s25 =	smov.u32 s11;
	s22 =	sor.u32 s14, s22;
	v2 =	vld [tilespmem:s13+$0x0];
	[tilespmem:s21+$0x80] =	vst v1  }
0x189: {  	s21 =	sand.u32 $0x400, s12;
	v1 =	vld [tilespmem:s22+$0x0];
	[tilespmem:s15+$0x0] =	vst v0;
	s15 =	smov.u32 s22  }
0x18a: {  	s11 =	sadd.s32 $0x40, s11;
	s21 =	sor.u32 $0x4100, s21;
	[tilespmem:s17+$0x80] =	vst v4  }
0x18b: {  	s20 =	sadd.s32 $0x40, s20;
	s17 =	sor.u32 s23, s21;
	s22 =	sor.u32 s24, s21;
	[tilespmem:s25+$0x0] =	vst v0  }
0x18c: {  	[tilespmem:s22+$0x80] =	vst v3  }
0x18d: {  	s12 =	sor.u32 s19, s21;
	v3 =	vld [tilespmem:s11+$0x0];
	[tilespmem:s16+$0x0] =	vst v0  }
0x18e: {  	[tilespmem:s12+$0x80] =	vst v2  }
0x18f: {  	s24 =	sor.u32 s14, s21;
	[tilespmem:s13+$0x0] =	vst v0  }
0x190: {  	[tilespmem:s24+$0x80] =	vst v1  }
0x191: {  	[tilespmem:s15+$0x0] =	vst v0  }
0x192: {  	[tilespmem:s17+$0x80] =	vst v3  }
0x193: {  	[tilespmem:s11+$0x0] =	vst v0  }
0x194: {  	s25 =	simm.s32 $0x500;
	v3 =	vld [tilespmem:$0x100]  }
0x195: {  	v4 =	vld [tilespmem:s25+$0xFFFFFC10]  }
0x196: {  	v5 =	vld [tilespmem:s25+$0xFFFFFC20]  }
0x197: {  	v6 =	vld [tilespmem:s25+$0xFFFFFC30]  }
0x198: {  	v2 =	vld [tilespmem:s25+$0xFFFFFC40]  }
0x199: {  	v1 =	vld [tilespmem:s25+$0xFFFFFC50]  }
0x19a: {  	v4 =	vmax.f32 v3, v4;
	v3 =	vld [tilespmem:s25+$0xFFFFFC60]  }
0x19b: {  	v5 =	vmax.f32 v4, v5;
	v4 =	vld [tilespmem:s25+$0xFFFFFC70]  }
0x19c: {  	s12 =	simm.s32 $0x900;
	s11 =	simm.s32 $0x1;
	v6 =	vmax.f32 v5, v6;
	v5 =	vld [tilespmem:s25+$0x0]  }
.LBB2_20:
0x19d: {  	v7 =	vld [tilespmem:s12+$0xFFFFFC10];
	s11 =	sadd.s32 $0x8, s11;
	v2 =	vmax.f32 v6, v2  }
0x19e: {  	v6 =	vld [tilespmem:s12+$0xFFFFFC20];
	p0 =	slt.u32 s11, $0x71;
	v1 =	vmax.f32 v2, v1  }
0x19f: {  	v8 =	vld [tilespmem:s12+$0xFFFFFC30];
	v1 =	vmax.f32 v1, v3  }
.Ltmp9:
0x1a0: {  	v2 =	vld [tilespmem:s12+$0xFFFFFC40];
	v3 =	vmax.f32 v1, v4;
	(pc) =	sbr.rel @p0 .LBB2_20-.Ltmp9, $4  }
0x1a1: {  	s13 =	simm.s32 $0x110;
	v1 =	vld [tilespmem:s12+$0xFFFFFC50];
	v3 =	vmax.f32 v3, v5  }
0x1a2: {  	v4 =	vmax.f32 v3, v7;
	v3 =	vld [tilespmem:s12+$0xFFFFFC60]  }
0x1a3: {  	v5 =	vmax.f32 v4, v6;
	v4 =	vld [tilespmem:s12+$0xFFFFFC70]  }
0x1a4: {  	v6 =	vmax.f32 v5, v8;
	v5 =	vld [tilespmem:s12+$0x0];
	s12 =	sadd.s32 $0x400, s12  }
0x1a5: {  	v2 =	vmax.f32 v6, v2  }
0x1a6: {  	v1 =	vmax.f32 v2, v1  }
0x1a7: {  	v1 =	vmax.f32 v1, v3  }
0x1a8: {  	v1 =	vmax.f32 v1, v4  }
0x1a9: {  	s11 =	simm.s32 $0x3C80;
	v1 =	vmax.f32 v1, v5  }
.LBB2_22:
0x1aa: {  	s12 =	sand.u32 $0x3FFFFC00, s11  }
0x1ab: {  	s12 =	sadd.s32 s12, s13  }
0x1ac: {  	p0 =	sne.s32 s11, $0x3F80;
	v2 =	vld [tilespmem:s12+$0x0]  }
.Ltmp10:
0x1ad: {  	_ = 	snop;
	(pc) =	sbr.rel @p0 .LBB2_22-.Ltmp10, $2  }
0x1ae: {  	_ =	sdelay $0x2  }
0x1af: {  	s11 =	sadd.s32 $0x80, s11;
	s13 =	sadd.s32 $0x10, s13;
	v1 =	vmax.f32 v1, v2  }
0x1b0: {  	(xrf0) =	vmax.scan.msk.f32 $0xffff, v1;
	_ =	sdelay $0x5  }
0x1b1: {  	v1, _, _ =	vpop (xrf0)  }
0x1b2: {  	v1 =	vbroadcast v1, $0xF;
	_ =	sdelay $0x1  }
0x1b3: {  	(erf) = vrcp.f32 v1  }
0x1b4: {  	s11 =	simm.s32 $0x170  }
0x1b5: {  	v2 =	vld [tilespmem:s11+$0xFFFFFF90]  }
0x1b6: {  	v4 =	vld [tilespmem:s11+$0xFFFFFFE0]  }
0x1b7: {  	v5 =	vld [tilespmem:s11+$0x0]  }
0x1b8: {  	v6 =	vld [tilespmem:s11+$0xFFFFFFA0]  }
0x1b9: {  	v1 =	vld [tilespmem:s11+$0xFFFFFFD0]  }
0x1ba: {  	v7 =	vld [tilespmem:s11+$0xFFFFFFF0]  }
0x1bb: {  	v8 =	vld [tilespmem:s11+$0xFFFFFFB0]  }
0x1bc: {  	v9 =	vld [tilespmem:s11+$0xFFFFFFC0];
	v3 =	vpop (erf)  }
0x1bd: {  	v2 =	vmul.f32 v2, v3  }
0x1be: {  	v4 =	vmul.f32 v4, v3;
	v1 =	vmul.f32 v1, v3  }
0x1bf: {  	v5 =	vmul.f32 v5, v3;
	v6 =	vmul.f32 v6, v3  }
0x1c0: {  	v7 =	vmul.f32 v7, v3;
	v1 =	vmul.f32 $2.550000000e+02, v1  }
0x1c1: {  	v8 =	vmul.f32 v8, v3;
	v9 =	vmul.f32 v9, v3  }
0x1c2: {  	v2 =	vmul.f32 $2.550000000e+02, v2;
	v5 =	vmul.f32 $2.550000000e+02, v5;
	v1 =	vadd.f32 $8.388608000e+06, v1  }
0x1c3: {  	v6 =	vmul.f32 $2.550000000e+02, v6;
	v10 =	vmul.f32 $2.550000000e+02, v8  }
0x1c4: {  	v4 =	vmul.f32 $2.550000000e+02, v4;
	v8 =	vmul.f32 $2.550000000e+02, v9;
	v1 =	vadd.s32 $0xB5000000, v1  }
0x1c5: {  	v7 =	vmul.f32 $2.550000000e+02, v7;
	v2 =	vadd.f32 $8.388608000e+06, v2;
	vm0 =	vgt.s32 v1, $0x0  }
0x1c6: {  	v5 =	vadd.f32 $8.388608000e+06, v5;
	v6 =	vadd.f32 $8.388608000e+06, v6;
	v1 =	vnsel vm0, $0x0, v1  }
0x1c7: {  	s25 =	simm.s32 $0x570;
	v7 =	vadd.f32 $8.388608000e+06, v7;
	v8 =	vadd.f32 $8.388608000e+06, v8;
	v1 =	vmin.u32 v1, $0xFF  }
0x1c8: {  	v11 =	vld [tilespmem:s25+$0xFFFFFF90];
	v4 =	vadd.f32 $8.388608000e+06, v4;
	v2 =	vadd.s32 $0xB5000000, v2;
	v5 =	vadd.s32 $0xB5000000, v5;
	(xrf1) =	vunique.msk.u32 $0xffff, v1  }
0x1c9: {  	v13 =	vld [tilespmem:s25+$0xFFFFFFD0];
	v12 =	vadd.s32 $0xB5000000, v6;
	v7 =	vadd.s32 $0xB5000000, v7;
	vm1 =	vgt.s32 v5, $0x0  }
0x1ca: {  	v15 =	vld [tilespmem:s25+$0xFFFFFFA0];
	v8 =	vadd.s32 $0xB5000000, v8;
	vm0 =	vgt.s32 v2, $0x0;
	v5 =	vnsel vm1, $0x0, v5  }
0x1cb: {  	v18 =	vld [tilespmem:s25+$0xFFFFFFC0];
	vm1 =	vgt.s32 v7, $0x0;
	v2 =	vnsel vm0, $0x0, v2;
	v5 =	vmin.u32 v5, $0xFF  }
0x1cc: {  	v6 =	vld [tilespmem:s25+$0xFFFFFFE0];
	vm2 =	vgt.s32 v8, $0x0;
	v7 =	vnsel vm1, $0x0, v7;
	v2 =	vmin.u32 v2, $0xFF;
	(xrf1) =	vunique.msk.u32 $0xffff, v5  }
0x1cd: {  	v9 =	vld [tilespmem:s25+$0x0];
	v14 =	vnsel vm2, $0x0, v8;
	v8 =	vmin.u32 v7, $0xFF;
	(xrf1) =	vunique.msk.u32 $0xffff, v2  }
0x1ce: {  	v13 =	vmul.f32 v13, v3;
	v16 =	vadd.s32 $0xB5000000, v4;
	v4 =	vmin.u32 v14, $0xFF;
	(xrf1) =	vunique.msk.u32 $0xffff, v8  }
0x1cf: {  	v15 =	vmul.f32 v15, v3;
	(xrf1) =	vunique.msk.u32 $0xffff, v4  }
0x1d0: {  	v18 =	vmul.f32 v18, v3;
	v13 =	vmul.f32 $2.550000000e+02, v13  }
0x1d1: {  	v17 =	vld [tilespmem:s25+$0xFFFFFFB0];
	v7 =	vadd.f32 $8.388608000e+06, v10;
	v10 =	vmul.f32 v6, v3;
	v6 =	vmul.f32 v11, v3  }
0x1d2: {  	v18 =	vmul.f32 $2.550000000e+02, v18;
	v20 =	vadd.f32 $8.388608000e+06, v13;
	v9 =	vmul.f32 v9, v3;
	v11 =	vld [tilespmem:s25+$0xFFFFFFF0]  }
0x1d3: {  	vm1 =	vgt.s32 v16, $0x0;
	v7 =	vadd.s32 $0xB5000000, v7;
	v6 =	vmul.f32 $2.550000000e+02, v6  }
0x1d4: {  	vm0 =	vgt.s32 v12, $0x0;
	v16 =	vnsel vm1, $0x0, v16;
	vm2 =	vgt.s32 v7, $0x0  }
0x1d5: {  	v7 =	vnsel vm2, $0x0, v7;
	v19 =	vadd.f32 $8.388608000e+06, v6;
	v6 =	vmin.u32 v16, $0xFF  }
0x1d6: {  	v9 =	vmul.f32 $2.550000000e+02, v9;
	v16 =	vmul.f32 $2.550000000e+02, v15;
	v7 =	vmin.u32 v7, $0xFF;
	_, v13, vm2 =	vpop (xrf1);
	(xrf1) =	vunique.msk.u32 $0xffff, v6  }
0x1d7: {  	v14 =	vmul.f32 v11, v3;
	v11 =	vmul.f32 v17, v3;
	v17 =	vadd.s32 $0xB5000000, v19  }
0x1d8: {  	v20 =	vadd.s32 $0xB5000000, v20;
	v15 =	vadd.f32 $8.388608000e+06, v9;
	v9 =	vnsel vm0, $0x0, v12;
	(xrf1) =	vunique.msk.u32 $0xffff, v7  }
0x1d9: {  	vm3 =	vgt.s32 v20, $0x0;
	v9 =	vmin.u32 v9, $0xFF;
	v21 =	vadd.f32 $8.388608000e+06, v16  }
0x1da: {  	v20 =	vnsel vm3, $0x0, v20;
	v16 =	vmul.f32 $2.550000000e+02, v10;
	vm0 =	vgt.s32 v17, $0x0;
	_, v12, vm1 =	vpop (xrf1);
	(xrf1) =	vunique.msk.u32 $0xffff, v9  }
0x1db: {  	s12 =	simm.s32 $0x8;
	s13 =	simm.s32 $0x970;
	v11 =	vmul.f32 $2.550000000e+02, v11;
	v19 =	vnsel vm0, $0x0, v17;
	v10 =	vadd.s32 $0xB5000000, v21;
	_, v17, vm0 =	vpop (xrf1)  }
.LBB2_24:
0x1dc: {  	v21 =	vld [tilespmem:s13+$0x0];
	s12 =	sadd.s32 $0x8, s12;
	v14 =	vmul.f32 $2.550000000e+02, v14;
	v15 =	vadd.s32 $0xB5000000, v15;
	v17 =	vcvt.s32.f32 v17;
	_, v22, vm5 =	vpop (xrf1)  }
0x1dd: {  	v20 =	vmin.u32 v20, $0xFF;
	v13 =	vcvt.s32.f32 v13;
	v23 =	vld [tilespmem:s13+$0xFFFFFFD0];
	p0 =	slt.u32 s12, $0x78;
	vm3 =	vgt.s32 v15, $0x0;
	_, v24, vm4 =	vpop (xrf1)  }
0x1de: {  	v19 =	vmin.u32 v19, $0xFF;
	v25 =	vld [tilespmem:s13+$0xFFFFFF90];
	v14 =	vadd.f32 $8.388608000e+06, v14;
	(xrf1) =	vunique.msk.u32 $0xffff, v20;
	v24 =	vcvt.s32.f32 v24  }
0x1df: {  	v18 =	vadd.f32 $8.388608000e+06, v18;
	v16 =	vadd.f32 $8.388608000e+06, v16;
	s11 =	simm.s32 $0x4000;
	v15 =	vnsel vm3, $0x0, v15;
	v26 =	vld [tilespmem:s13+$0xFFFFFFE0]  }
0x1e0: {  	vm3 =	vgt.s32 v10, $0x0;
	v15 =	vmin.u32 v15, $0xFF;
	v14 =	vadd.s32 $0xB5000000, v14;
	[tilespmem:v1+s11+$0x0] =	vst.idx.add.f32.msk vm2, v13;
	v1 =	vmovc v20  }
0x1e1: {  	v12 =	vcvt.s32.f32 v12;
	v18 =	vadd.s32 $0xB5000000, v18;
	v13 =	vld [tilespmem:s13+$0xFFFFFFA0];
	vm2 =	vgt.s32 v14, $0x0;
	(xrf1) =	vunique.msk.u32 $0xffff, v15  }
0x1e2: {  	v22 =	vcvt.s32.f32 v22;
	vm6 =	vgt.s32 v18, $0x0;
	v20 =	vld [tilespmem:s13+$0xFFFFFFB0];
	v14 =	vnsel vm2, $0x0, v14  }
0x1e3: {  	v16 =	vadd.s32 $0xB5000000, v16;
	v18 =	vnsel vm6, $0x0, v18;
	v27 =	vld [tilespmem:s13+$0xFFFFFFC0];
	v14 =	vmin.u32 v14, $0xFF;
	(xrf1) =	vunique.msk.u32 $0xffff, v19  }
0x1e4: {  	v11 =	vadd.f32 $8.388608000e+06, v11;
	v18 =	vmin.u32 v18, $0xFF;
	(xrf1) =	vunique.msk.u32 $0xffff, v14;
	[tilespmem:v5+s11+$0x0] =	vst.idx.add.f32.msk vm1, v12;
	_, v5, vm2 =	vpop (xrf1)  }
0x1e5: {  	v21 =	vmul.f32 v21, v3;
	v12 =	vmul.f32 v26, v3;
	(xrf1) =	vunique.msk.u32 $0xffff, v18;
	[tilespmem:v8+s11+$0x0] =	vst.idx.add.f32.msk vm5, v22  }
0x1e6: {  	v28 =	vmul.f32 v25, v3;
	vm5 =	vgt.s32 v16, $0x0;
	v25 =	vcvt.s32.f32 v5;
	v22 =	vld [tilespmem:s13+$0xFFFFFFF0];
	_, v5, vm1 =	vpop (xrf1)  }
0x1e7: {  	v11 =	vadd.s32 $0xB5000000, v11;
	v23 =	vmul.f32 v23, v3;
	v16 =	vnsel vm5, $0x0, v16;
	[tilespmem:v2+s11+$0x0] =	vst.idx.add.f32.msk vm0, v17;
	v2 =	vmovc v19  }
0x1e8: {  	vm5 =	vgt.s32 v11, $0x0;
	v17 =	vmul.f32 $2.550000000e+02, v28;
	v19 =	vcvt.s32.f32 v5;
	_, v5, vm0 =	vpop (xrf1)  }
0x1e9: {  	v23 =	vmul.f32 $2.550000000e+02, v23;
	v8 =	vmovc v14;
	v11 =	vnsel vm5, $0x0, v11;
	v26 =	vcvt.s32.f32 v5;
	[tilespmem:v4+s11+$0x0] =	vst.idx.add.f32.msk vm4, v24;
	v5 =	vmovc v15  }
0x1ea: {  	v17 =	vadd.f32 $8.388608000e+06, v17;
	v24 =	vmul.f32 v13, v3;
	v15 =	vmul.f32 $2.550000000e+02, v21;
	v4 =	vmovc v18;
	[tilespmem:v6+s11+$0x0] =	vst.idx.add.f32.msk vm2, v25  }
0x1eb: {  	v18 =	vadd.f32 $8.388608000e+06, v23;
	v6 =	vmin.u32 v16, $0xFF;
	v14 =	vmul.f32 v22, v3  }
0x1ec: {  	v20 =	vmul.f32 v20, v3;
	v16 =	vmul.f32 $2.550000000e+02, v24;
	v15 =	vadd.f32 $8.388608000e+06, v15;
	_, v13, vm2 =	vpop (xrf1);
	(xrf1) =	vunique.msk.u32 $0xffff, v6  }
.Ltmp11:
0x1ed: {  	v10 =	vnsel vm3, $0x0, v10;
	v17 =	vadd.s32 $0xB5000000, v17;
	[tilespmem:v7+s11+$0x0] =	vst.idx.add.f32.msk vm1, v19;
	v7 =	vmin.u32 v11, $0xFF;
	(pc) =	sbr.rel @p0 .LBB2_24-.Ltmp11, $4  }
0x1ee: {  	v10 =	vmin.u32 v10, $0xFF;
	v11 =	vmul.f32 $2.550000000e+02, v20;
	v19 =	vmul.f32 v27, v3;
	(xrf1) =	vunique.msk.u32 $0xffff, v7  }
0x1ef: {  	v21 =	vadd.s32 $0xB5000000, v18;
	v20 =	vadd.f32 $8.388608000e+06, v16;
	v16 =	vmul.f32 $2.550000000e+02, v12;
	_, v12, vm1 =	vpop (xrf1);
	[tilespmem:v9+s11+$0x0] =	vst.idx.add.f32.msk vm0, v26  }
0x1f0: {  	vm3 =	vgt.s32 v21, $0x0;
	vm0 =	vgt.s32 v17, $0x0;
	v18 =	vmul.f32 $2.550000000e+02, v19;
	v9 =	vmovc v10;
	(xrf1) =	vunique.msk.u32 $0xffff, v10  }
0x1f1: {  	s13 =	sadd.s32 $0x400, s13;
	v19 =	vnsel vm0, $0x0, v17;
	v10 =	vadd.s32 $0xB5000000, v20;
	v20 =	vnsel vm3, $0x0, v21;
	_, v17, vm0 =	vpop (xrf1)  }
0x1f2: {  	v3 =	vmul.f32 $2.550000000e+02, v14  }
0x1f3: {  	v55 =	vadd.s32 $0xB5000000, v15;
	v56 =	vmin.u32 v20, $0xFF  }
0x1f4: {  	v19 =	vmin.u32 v19, $0xFF;
	v18 =	vadd.f32 $8.388608000e+06, v18;
	v3 =	vadd.f32 $8.388608000e+06, v3  }
0x1f5: {  	v16 =	vadd.f32 $8.388608000e+06, v16;
	v11 =	vadd.f32 $8.388608000e+06, v11;
	vm3 =	vgt.s32 v55, $0x0  }
0x1f6: {  	v14 =	vnsel vm3, $0x0, v55;
	v18 =	vadd.s32 $0xB5000000, v18;
	v3 =	vadd.s32 $0xB5000000, v3  }
0x1f7: {  	(xrf1) =	vunique.msk.u32 $0xffff, v56;
	v16 =	vadd.s32 $0xB5000000, v16;
	v14 =	vmin.u32 v14, $0xFF;
	vm9 =	vgt.s32 v3, $0x0  }
0x1f8: {  	v11 =	vadd.s32 $0xB5000000, v11;
	vm10 =	vgt.s32 v18, $0x0;
	(xrf1) =	vunique.msk.u32 $0xffff, v14;
	v3 =	vnsel vm9, $0x0, v3  }
0x1f9: {  	vm11 =	vgt.s32 v16, $0x0;
	v18 =	vnsel vm10, $0x0, v18;
	(xrf1) =	vunique.msk.u32 $0xffff, v19;
	v3 =	vmin.u32 v3, $0xFF  }
0x1fa: {  	vm12 =	vgt.s32 v11, $0x0;
	v16 =	vnsel vm11, $0x0, v16;
	v18 =	vmin.u32 v18, $0xFF;
	(xrf1) =	vunique.msk.u32 $0xffff, v3  }
0x1fb: {  	vm4 =	vgt.s32 v10, $0x0;
	v11 =	vnsel vm12, $0x0, v11;
	v16 =	vmin.u32 v16, $0xFF;
	(xrf1) =	vunique.msk.u32 $0xffff, v18  }
0x1fc: {  	v10 =	vnsel vm4, $0x0, v10;
	v11 =	vmin.u32 v11, $0xFF;
	(xrf1) =	vunique.msk.u32 $0xffff, v16  }
0x1fd: {  	_, v57, vm13 =	vpop (xrf1);
	v10 =	vmin.u32 v10, $0xFF;
	(xrf1) =	vunique.msk.u32 $0xffff, v11  }
0x1fe: {  	_, v21, vm14 =	vpop (xrf1);
	(xrf1) =	vunique.msk.u32 $0xffff, v10  }
0x1ff: {  	v13 =	vcvt.s32.f32 v13;
	_, v22, vm5 =	vpop (xrf1)  }
0x200: {  	_, v23, vm6 =	vpop (xrf1)  }
0x201: {  	[tilespmem:v1+s11+$0x0] =	vst.idx.add.f32.msk vm2, v13;
	_, v1, vm2 =	vpop (xrf1)  }
0x202: {  	v12 =	vcvt.s32.f32 v12  }
0x203: {  	v59 =	vcvt.s32.f32 v17  }
0x204: {  	v58 =	vcvt.s32.f32 v57;
	[tilespmem:v5+s11+$0x0] =	vst.idx.add.f32.msk vm1, v12  }
0x205: {  	[tilespmem:v2+s11+$0x0] =	vst.idx.add.f32.msk vm0, v59;
	v1 =	vcvt.s32.f32 v1;
	_, v5, vm1 =	vpop (xrf1)  }
0x206: {  	v60 =	vcvt.s32.f32 v21;
	[tilespmem:v8+s11+$0x0] =	vst.idx.add.f32.msk vm13, v58;
	v5 =	vcvt.s32.f32 v5;
	_, v13, vm3 =	vpop (xrf1)  }
0x207: {  	v61 =	vcvt.s32.f32 v22;
	[tilespmem:v9+s11+$0x0] =	vst.idx.add.f32.msk vm2, v1;
	_, v2, vm0 =	vpop (xrf1);
	v1 =	vcvt.s32.f32 v13  }
0x208: {  	[tilespmem:v4+s11+$0x0] =	vst.idx.add.f32.msk vm14, v60;
	v62 =	vcvt.s32.f32 v23;
	_, v4, vm4 =	vpop (xrf1)  }
0x209: {  	[tilespmem:v6+s11+$0x0] =	vst.idx.add.f32.msk vm5, v61;
	_, v6, vm5 =	vpop (xrf1)  }
0x20a: {  	[tilespmem:v7+s11+$0x0] =	vst.idx.add.f32.msk vm6, v62;
	_, v63, vm15 =	vpop (xrf1)  }
0x20b: {  	v2 =	vcvt.s32.f32 v2;
	[tilespmem:v56+s11+$0x0] =	vst.idx.add.f32.msk vm1, v5;
	_, v5, vm1 =	vpop (xrf1)  }
0x20c: {  	v4 =	vcvt.s32.f32 v4;
	[tilespmem:v14+s11+$0x0] =	vst.idx.add.f32.msk vm3, v1;
	_, v1, vm3 =	vpop (xrf1)  }
0x20d: {  	v6 =	vcvt.s32.f32 v6;
	[tilespmem:v19+s11+$0x0] =	vst.idx.add.f32.msk vm0, v2  }
0x20e: {  	[tilespmem:v3+s11+$0x0] =	vst.idx.add.f32.msk vm4, v4;
	v3 =	vcvt.s32.f32 v63  }
0x20f: {  	s12 =	simm.s32 $0x0;
	v2 =	vcvt.s32.f32 v5;
	[tilespmem:v18+s11+$0x0] =	vst.idx.add.f32.msk vm5, v6  }
0x210: {  	s17 =	sand.u32 $0x40, s12;
	s13 =	sand.u32 $0x80, s12;
	v1 =	vcvt.s32.f32 v1;
	[tilespmem:v16+s11+$0x0] =	vst.idx.add.f32.msk vm15, v3  }
0x211: {  	s15 =	sor.u32 $0x4000, s13;
	s20 =	sor.u32 $0x30, s17;
	[tilespmem:v11+s11+$0x0] =	vst.idx.add.f32.msk vm1, v2  }
0x212: {  	s16 =	sor.u32 s20, s15;
	[tilespmem:v10+s11+$0x0] =	vst.idx.add.f32.msk vm3, v1  }
0x213: {  	s19 =	sor.u32 $0x10, s17;
	v3 =	vld [tilespmem:s16+$0x0]  }
0x214: {  	s21 =	sand.u32 $0x400, s12;
	s14 =	sor.u32 $0x20, s17;
	s13 =	sor.u32 s19, s15  }
0x215: {  	s18 =	simm.s32 $0x0;
	s21 =	sor.u32 $0x4100, s21;
	s15 =	sor.u32 s14, s15;
	v2 =	vld [tilespmem:s13+$0x0]  }
0x216: {  	s17 =	sor.u32 s17, s21;
	s22 =	sor.u32 s20, s21;
	s20 =	simm.s32 $0x40;
	v1 =	vld [tilespmem:s15+$0x0]  }
.LBB2_26:
0x217: {  	s23 =	sand.u32 $0x40, s20  }
0x218: {  	s24 =	sand.u32 $0x80, s20;
	s25 =	sor.u32 s19, s21;
	[tilespmem:s22+$0x100] =	vst v3;
	s18 =	sadd.s32 $0x4, s18  }
0x219: {  	s21 =	sor.u32 s14, s21;
	s22 =	sor.u32 $0x4000, s24;
	s24 =	sor.u32 $0x30, s23;
	v4 =	vld [tilespmem:s11+$0x0];
	[tilespmem:s16+$0x0] =	vst v0  }
0x21a: {  	s19 =	sor.u32 $0x10, s23;
	p0 =	slt.u32 s18, $0xC;
	s16 =	sor.u32 s24, s22;
	[tilespmem:s25+$0x100] =	vst v2  }
.Ltmp12:
0x21b: {  	s14 =	sor.u32 $0x20, s23;
	v3 =	vld [tilespmem:s16+$0x0];
	[tilespmem:s13+$0x0] =	vst v0;
	s13 =	sor.u32 s19, s22;
	(pc) =	sbr.rel @p0 .LBB2_26-.Ltmp12, $4  }
0x21c: {  	s12 =	sadd.s32 $0x200, s12;
	s25 =	smov.u32 s11;
	s22 =	sor.u32 s14, s22;
	v2 =	vld [tilespmem:s13+$0x0];
	[tilespmem:s21+$0x100] =	vst v1  }
0x21d: {  	s21 =	sand.u32 $0x400, s12;
	v1 =	vld [tilespmem:s22+$0x0];
	[tilespmem:s15+$0x0] =	vst v0;
	s15 =	smov.u32 s22  }
0x21e: {  	s11 =	sadd.s32 $0x40, s11;
	s21 =	sor.u32 $0x4100, s21;
	[tilespmem:s17+$0x100] =	vst v4  }
0x21f: {  	s20 =	sadd.s32 $0x40, s20;
	s17 =	sor.u32 s23, s21;
	s22 =	sor.u32 s24, s21;
	[tilespmem:s25+$0x0] =	vst v0  }
0x220: {  	[tilespmem:s22+$0x100] =	vst v3  }
0x221: {  	s12 =	sor.u32 s19, s21;
	v3 =	vld [tilespmem:s11+$0x0];
	[tilespmem:s16+$0x0] =	vst v0  }
0x222: {  	[tilespmem:s12+$0x100] =	vst v2  }
0x223: {  	s24 =	sor.u32 s14, s21;
	[tilespmem:s13+$0x0] =	vst v0  }
0x224: {  	[tilespmem:s24+$0x100] =	vst v1  }
0x225: {  	[tilespmem:s15+$0x0] =	vst v0  }
0x226: {  	[tilespmem:s17+$0x100] =	vst v3  }
0x227: {  	[tilespmem:s11+$0x0] =	vst v0  }
0x228: {  	s25 =	simm.s32 $0x580;
	v3 =	vld [tilespmem:$0x180]  }
0x229: {  	v4 =	vld [tilespmem:s25+$0xFFFFFC10]  }
0x22a: {  	v5 =	vld [tilespmem:s25+$0xFFFFFC20]  }
0x22b: {  	v6 =	vld [tilespmem:s25+$0xFFFFFC30]  }
0x22c: {  	v2 =	vld [tilespmem:s25+$0xFFFFFC40]  }
0x22d: {  	v1 =	vld [tilespmem:s25+$0xFFFFFC50]  }
0x22e: {  	v4 =	vmax.f32 v3, v4;
	v3 =	vld [tilespmem:s25+$0xFFFFFC60]  }
0x22f: {  	v5 =	vmax.f32 v4, v5;
	v4 =	vld [tilespmem:s25+$0xFFFFFC70]  }
0x230: {  	s12 =	simm.s32 $0x980;
	s11 =	simm.s32 $0x1;
	v6 =	vmax.f32 v5, v6;
	v5 =	vld [tilespmem:s25+$0x0]  }
.LBB2_28:
0x231: {  	v7 =	vld [tilespmem:s12+$0xFFFFFC10];
	s11 =	sadd.s32 $0x8, s11;
	v2 =	vmax.f32 v6, v2  }
0x232: {  	v6 =	vld [tilespmem:s12+$0xFFFFFC20];
	p0 =	slt.u32 s11, $0x71;
	v1 =	vmax.f32 v2, v1  }
0x233: {  	v8 =	vld [tilespmem:s12+$0xFFFFFC30];
	v1 =	vmax.f32 v1, v3  }
.Ltmp13:
0x234: {  	v2 =	vld [tilespmem:s12+$0xFFFFFC40];
	v3 =	vmax.f32 v1, v4;
	(pc) =	sbr.rel @p0 .LBB2_28-.Ltmp13, $4  }
0x235: {  	s13 =	simm.s32 $0x190;
	v1 =	vld [tilespmem:s12+$0xFFFFFC50];
	v3 =	vmax.f32 v3, v5  }
0x236: {  	v4 =	vmax.f32 v3, v7;
	v3 =	vld [tilespmem:s12+$0xFFFFFC60]  }
0x237: {  	v5 =	vmax.f32 v4, v6;
	v4 =	vld [tilespmem:s12+$0xFFFFFC70]  }
0x238: {  	v6 =	vmax.f32 v5, v8;
	v5 =	vld [tilespmem:s12+$0x0];
	s12 =	sadd.s32 $0x400, s12  }
0x239: {  	v2 =	vmax.f32 v6, v2  }
0x23a: {  	v1 =	vmax.f32 v2, v1  }
0x23b: {  	v1 =	vmax.f32 v1, v3  }
0x23c: {  	v1 =	vmax.f32 v1, v4  }
0x23d: {  	s11 =	simm.s32 $0x3C80;
	v1 =	vmax.f32 v1, v5  }
.LBB2_30:
0x23e: {  	s12 =	sand.u32 $0x3FFFFC00, s11  }
0x23f: {  	s12 =	sadd.s32 s12, s13  }
0x240: {  	p0 =	sne.s32 s11, $0x3F80;
	v2 =	vld [tilespmem:s12+$0x0]  }
.Ltmp14:
0x241: {  	_ = 	snop;
	(pc) =	sbr.rel @p0 .LBB2_30-.Ltmp14, $2  }
0x242: {  	_ =	sdelay $0x2  }
0x243: {  	s11 =	sadd.s32 $0x80, s11;
	s13 =	sadd.s32 $0x10, s13;
	v1 =	vmax.f32 v1, v2  }
0x244: {  	(xrf0) =	vmax.scan.msk.f32 $0xffff, v1;
	_ =	sdelay $0x5  }
0x245: {  	v1, _, _ =	vpop (xrf0)  }
0x246: {  	v1 =	vbroadcast v1, $0xF;
	_ =	sdelay $0x1  }
0x247: {  	(erf) = vrcp.f32 v1  }
0x248: {  	s11 =	simm.s32 $0x1F0  }
0x249: {  	v2 =	vld [tilespmem:s11+$0xFFFFFF90]  }
0x24a: {  	v4 =	vld [tilespmem:s11+$0xFFFFFFE0]  }
0x24b: {  	v5 =	vld [tilespmem:s11+$0x0]  }
0x24c: {  	v6 =	vld [tilespmem:s11+$0xFFFFFFA0]  }
0x24d: {  	v1 =	vld [tilespmem:s11+$0xFFFFFFD0]  }
0x24e: {  	v7 =	vld [tilespmem:s11+$0xFFFFFFF0]  }
0x24f: {  	v8 =	vld [tilespmem:s11+$0xFFFFFFB0]  }
0x250: {  	v9 =	vld [tilespmem:s11+$0xFFFFFFC0];
	v3 =	vpop (erf)  }
0x251: {  	v2 =	vmul.f32 v2, v3  }
0x252: {  	v4 =	vmul.f32 v4, v3;
	v1 =	vmul.f32 v1, v3  }
0x253: {  	v5 =	vmul.f32 v5, v3;
	v6 =	vmul.f32 v6, v3  }
0x254: {  	v7 =	vmul.f32 v7, v3;
	v1 =	vmul.f32 $2.550000000e+02, v1  }
0x255: {  	v8 =	vmul.f32 v8, v3;
	v9 =	vmul.f32 v9, v3  }
0x256: {  	v2 =	vmul.f32 $2.550000000e+02, v2;
	v5 =	vmul.f32 $2.550000000e+02, v5;
	v1 =	vadd.f32 $8.388608000e+06, v1  }
0x257: {  	v6 =	vmul.f32 $2.550000000e+02, v6;
	v10 =	vmul.f32 $2.550000000e+02, v8  }
0x258: {  	v4 =	vmul.f32 $2.550000000e+02, v4;
	v8 =	vmul.f32 $2.550000000e+02, v9;
	v1 =	vadd.s32 $0xB5000000, v1  }
0x259: {  	v7 =	vmul.f32 $2.550000000e+02, v7;
	v2 =	vadd.f32 $8.388608000e+06, v2;
	vm0 =	vgt.s32 v1, $0x0  }
0x25a: {  	v5 =	vadd.f32 $8.388608000e+06, v5;
	v6 =	vadd.f32 $8.388608000e+06, v6;
	v1 =	vnsel vm0, $0x0, v1  }
0x25b: {  	s25 =	simm.s32 $0x5F0;
	v7 =	vadd.f32 $8.388608000e+06, v7;
	v8 =	vadd.f32 $8.388608000e+06, v8;
	v1 =	vmin.u32 v1, $0xFF  }
0x25c: {  	v11 =	vld [tilespmem:s25+$0xFFFFFF90];
	v4 =	vadd.f32 $8.388608000e+06, v4;
	v2 =	vadd.s32 $0xB5000000, v2;
	v5 =	vadd.s32 $0xB5000000, v5;
	(xrf1) =	vunique.msk.u32 $0xffff, v1  }
0x25d: {  	v13 =	vld [tilespmem:s25+$0xFFFFFFD0];
	v12 =	vadd.s32 $0xB5000000, v6;
	v7 =	vadd.s32 $0xB5000000, v7;
	vm1 =	vgt.s32 v5, $0x0  }
0x25e: {  	v15 =	vld [tilespmem:s25+$0xFFFFFFA0];
	v8 =	vadd.s32 $0xB5000000, v8;
	vm0 =	vgt.s32 v2, $0x0;
	v5 =	vnsel vm1, $0x0, v5  }
0x25f: {  	v18 =	vld [tilespmem:s25+$0xFFFFFFC0];
	vm1 =	vgt.s32 v7, $0x0;
	v2 =	vnsel vm0, $0x0, v2;
	v5 =	vmin.u32 v5, $0xFF  }
0x260: {  	v6 =	vld [tilespmem:s25+$0xFFFFFFE0];
	vm2 =	vgt.s32 v8, $0x0;
	v7 =	vnsel vm1, $0x0, v7;
	v2 =	vmin.u32 v2, $0xFF;
	(xrf1) =	vunique.msk.u32 $0xffff, v5  }
0x261: {  	v9 =	vld [tilespmem:s25+$0x0];
	v14 =	vnsel vm2, $0x0, v8;
	v8 =	vmin.u32 v7, $0xFF;
	(xrf1) =	vunique.msk.u32 $0xffff, v2  }
0x262: {  	v13 =	vmul.f32 v13, v3;
	v16 =	vadd.s32 $0xB5000000, v4;
	v4 =	vmin.u32 v14, $0xFF;
	(xrf1) =	vunique.msk.u32 $0xffff, v8  }
0x263: {  	v15 =	vmul.f32 v15, v3;
	(xrf1) =	vunique.msk.u32 $0xffff, v4  }
0x264: {  	v18 =	vmul.f32 v18, v3;
	v13 =	vmul.f32 $2.550000000e+02, v13  }
0x265: {  	v17 =	vld [tilespmem:s25+$0xFFFFFFB0];
	v7 =	vadd.f32 $8.388608000e+06, v10;
	v10 =	vmul.f32 v6, v3;
	v6 =	vmul.f32 v11, v3  }
0x266: {  	v18 =	vmul.f32 $2.550000000e+02, v18;
	v20 =	vadd.f32 $8.388608000e+06, v13;
	v9 =	vmul.f32 v9, v3;
	v11 =	vld [tilespmem:s25+$0xFFFFFFF0]  }
0x267: {  	vm1 =	vgt.s32 v16, $0x0;
	v7 =	vadd.s32 $0xB5000000, v7;
	v6 =	vmul.f32 $2.550000000e+02, v6  }
0x268: {  	vm0 =	vgt.s32 v12, $0x0;
	v16 =	vnsel vm1, $0x0, v16;
	vm2 =	vgt.s32 v7, $0x0  }
0x269: {  	v7 =	vnsel vm2, $0x0, v7;
	v19 =	vadd.f32 $8.388608000e+06, v6;
	v6 =	vmin.u32 v16, $0xFF  }
0x26a: {  	v9 =	vmul.f32 $2.550000000e+02, v9;
	v16 =	vmul.f32 $2.550000000e+02, v15;
	v7 =	vmin.u32 v7, $0xFF;
	_, v13, vm2 =	vpop (xrf1);
	(xrf1) =	vunique.msk.u32 $0xffff, v6  }
0x26b: {  	v14 =	vmul.f32 v11, v3;
	v11 =	vmul.f32 v17, v3;
	v17 =	vadd.s32 $0xB5000000, v19  }
0x26c: {  	v20 =	vadd.s32 $0xB5000000, v20;
	v15 =	vadd.f32 $8.388608000e+06, v9;
	v9 =	vnsel vm0, $0x0, v12;
	(xrf1) =	vunique.msk.u32 $0xffff, v7  }
0x26d: {  	vm3 =	vgt.s32 v20, $0x0;
	v9 =	vmin.u32 v9, $0xFF;
	v21 =	vadd.f32 $8.388608000e+06, v16  }
0x26e: {  	v20 =	vnsel vm3, $0x0, v20;
	v16 =	vmul.f32 $2.550000000e+02, v10;
	vm0 =	vgt.s32 v17, $0x0;
	_, v12, vm1 =	vpop (xrf1);
	(xrf1) =	vunique.msk.u32 $0xffff, v9  }
0x26f: {  	s12 =	simm.s32 $0x8;
	s13 =	simm.s32 $0x9F0;
	v11 =	vmul.f32 $2.550000000e+02, v11;
	v19 =	vnsel vm0, $0x0, v17;
	v10 =	vadd.s32 $0xB5000000, v21;
	_, v17, vm0 =	vpop (xrf1)  }
.LBB2_32:
0x270: {  	v21 =	vld [tilespmem:s13+$0x0];
	s12 =	sadd.s32 $0x8, s12;
	v14 =	vmul.f32 $2.550000000e+02, v14;
	v15 =	vadd.s32 $0xB5000000, v15;
	v17 =	vcvt.s32.f32 v17;
	_, v22, vm5 =	vpop (xrf1)  }
0x271: {  	v20 =	vmin.u32 v20, $0xFF;
	v13 =	vcvt.s32.f32 v13;
	v23 =	vld [tilespmem:s13+$0xFFFFFFD0];
	p0 =	slt.u32 s12, $0x78;
	vm3 =	vgt.s32 v15, $0x0;
	_, v24, vm4 =	vpop (xrf1)  }
0x272: {  	v19 =	vmin.u32 v19, $0xFF;
	v25 =	vld [tilespmem:s13+$0xFFFFFF90];
	v14 =	vadd.f32 $8.388608000e+06, v14;
	(xrf1) =	vunique.msk.u32 $0xffff, v20;
	v24 =	vcvt.s32.f32 v24  }
0x273: {  	v18 =	vadd.f32 $8.388608000e+06, v18;
	v16 =	vadd.f32 $8.388608000e+06, v16;
	s11 =	simm.s32 $0x4000;
	v15 =	vnsel vm3, $0x0, v15;
	v26 =	vld [tilespmem:s13+$0xFFFFFFE0]  }
0x274: {  	vm3 =	vgt.s32 v10, $0x0;
	v15 =	vmin.u32 v15, $0xFF;
	v14 =	vadd.s32 $0xB5000000, v14;
	[tilespmem:v1+s11+$0x0] =	vst.idx.add.f32.msk vm2, v13;
	v1 =	vmovc v20  }
0x275: {  	v12 =	vcvt.s32.f32 v12;
	v18 =	vadd.s32 $0xB5000000, v18;
	v13 =	vld [tilespmem:s13+$0xFFFFFFA0];
	vm2 =	vgt.s32 v14, $0x0;
	(xrf1) =	vunique.msk.u32 $0xffff, v15  }
0x276: {  	v22 =	vcvt.s32.f32 v22;
	vm6 =	vgt.s32 v18, $0x0;
	v20 =	vld [tilespmem:s13+$0xFFFFFFB0];
	v14 =	vnsel vm2, $0x0, v14  }
0x277: {  	v16 =	vadd.s32 $0xB5000000, v16;
	v18 =	vnsel vm6, $0x0, v18;
	v27 =	vld [tilespmem:s13+$0xFFFFFFC0];
	v14 =	vmin.u32 v14, $0xFF;
	(xrf1) =	vunique.msk.u32 $0xffff, v19  }
0x278: {  	v11 =	vadd.f32 $8.388608000e+06, v11;
	v18 =	vmin.u32 v18, $0xFF;
	(xrf1) =	vunique.msk.u32 $0xffff, v14;
	[tilespmem:v5+s11+$0x0] =	vst.idx.add.f32.msk vm1, v12;
	_, v5, vm2 =	vpop (xrf1)  }
0x279: {  	v21 =	vmul.f32 v21, v3;
	v12 =	vmul.f32 v26, v3;
	(xrf1) =	vunique.msk.u32 $0xffff, v18;
	[tilespmem:v8+s11+$0x0] =	vst.idx.add.f32.msk vm5, v22  }
0x27a: {  	v28 =	vmul.f32 v25, v3;
	vm5 =	vgt.s32 v16, $0x0;
	v25 =	vcvt.s32.f32 v5;
	v22 =	vld [tilespmem:s13+$0xFFFFFFF0];
	_, v5, vm1 =	vpop (xrf1)  }
0x27b: {  	v11 =	vadd.s32 $0xB5000000, v11;
	v23 =	vmul.f32 v23, v3;
	v16 =	vnsel vm5, $0x0, v16;
	[tilespmem:v2+s11+$0x0] =	vst.idx.add.f32.msk vm0, v17;
	v2 =	vmovc v19  }
0x27c: {  	vm5 =	vgt.s32 v11, $0x0;
	v17 =	vmul.f32 $2.550000000e+02, v28;
	v19 =	vcvt.s32.f32 v5;
	_, v5, vm0 =	vpop (xrf1)  }
0x27d: {  	v23 =	vmul.f32 $2.550000000e+02, v23;
	v8 =	vmovc v14;
	v11 =	vnsel vm5, $0x0, v11;
	v26 =	vcvt.s32.f32 v5;
	[tilespmem:v4+s11+$0x0] =	vst.idx.add.f32.msk vm4, v24;
	v5 =	vmovc v15  }
0x27e: {  	v17 =	vadd.f32 $8.388608000e+06, v17;
	v24 =	vmul.f32 v13, v3;
	v15 =	vmul.f32 $2.550000000e+02, v21;
	v4 =	vmovc v18;
	[tilespmem:v6+s11+$0x0] =	vst.idx.add.f32.msk vm2, v25  }
0x27f: {  	v18 =	vadd.f32 $8.388608000e+06, v23;
	v6 =	vmin.u32 v16, $0xFF;
	v14 =	vmul.f32 v22, v3  }
0x280: {  	v20 =	vmul.f32 v20, v3;
	v16 =	vmul.f32 $2.550000000e+02, v24;
	v15 =	vadd.f32 $8.388608000e+06, v15;
	_, v13, vm2 =	vpop (xrf1);
	(xrf1) =	vunique.msk.u32 $0xffff, v6  }
.Ltmp15:
0x281: {  	v10 =	vnsel vm3, $0x0, v10;
	v17 =	vadd.s32 $0xB5000000, v17;
	[tilespmem:v7+s11+$0x0] =	vst.idx.add.f32.msk vm1, v19;
	v7 =	vmin.u32 v11, $0xFF;
	(pc) =	sbr.rel @p0 .LBB2_32-.Ltmp15, $4  }
0x282: {  	v10 =	vmin.u32 v10, $0xFF;
	v11 =	vmul.f32 $2.550000000e+02, v20;
	v19 =	vmul.f32 v27, v3;
	(xrf1) =	vunique.msk.u32 $0xffff, v7  }
0x283: {  	v21 =	vadd.s32 $0xB5000000, v18;
	v20 =	vadd.f32 $8.388608000e+06, v16;
	v16 =	vmul.f32 $2.550000000e+02, v12;
	_, v12, vm1 =	vpop (xrf1);
	[tilespmem:v9+s11+$0x0] =	vst.idx.add.f32.msk vm0, v26  }
0x284: {  	vm3 =	vgt.s32 v21, $0x0;
	vm0 =	vgt.s32 v17, $0x0;
	v18 =	vmul.f32 $2.550000000e+02, v19;
	v9 =	vmovc v10;
	(xrf1) =	vunique.msk.u32 $0xffff, v10  }
0x285: {  	s13 =	sadd.s32 $0x400, s13;
	v19 =	vnsel vm0, $0x0, v17;
	v10 =	vadd.s32 $0xB5000000, v20;
	v20 =	vnsel vm3, $0x0, v21;
	_, v17, vm0 =	vpop (xrf1)  }
0x286: {  	v3 =	vmul.f32 $2.550000000e+02, v14  }
0x287: {  	v55 =	vadd.s32 $0xB5000000, v15;
	v56 =	vmin.u32 v20, $0xFF  }
0x288: {  	v19 =	vmin.u32 v19, $0xFF;
	v18 =	vadd.f32 $8.388608000e+06, v18;
	v3 =	vadd.f32 $8.388608000e+06, v3  }
0x289: {  	v16 =	vadd.f32 $8.388608000e+06, v16;
	v11 =	vadd.f32 $8.388608000e+06, v11;
	vm3 =	vgt.s32 v55, $0x0  }
0x28a: {  	v14 =	vnsel vm3, $0x0, v55;
	v18 =	vadd.s32 $0xB5000000, v18;
	v3 =	vadd.s32 $0xB5000000, v3  }
0x28b: {  	(xrf1) =	vunique.msk.u32 $0xffff, v56;
	v16 =	vadd.s32 $0xB5000000, v16;
	v14 =	vmin.u32 v14, $0xFF;
	vm9 =	vgt.s32 v3, $0x0  }
0x28c: {  	v11 =	vadd.s32 $0xB5000000, v11;
	vm10 =	vgt.s32 v18, $0x0;
	(xrf1) =	vunique.msk.u32 $0xffff, v14;
	v3 =	vnsel vm9, $0x0, v3  }
0x28d: {  	vm11 =	vgt.s32 v16, $0x0;
	v18 =	vnsel vm10, $0x0, v18;
	(xrf1) =	vunique.msk.u32 $0xffff, v19;
	v3 =	vmin.u32 v3, $0xFF  }
0x28e: {  	vm12 =	vgt.s32 v11, $0x0;
	v16 =	vnsel vm11, $0x0, v16;
	v18 =	vmin.u32 v18, $0xFF;
	(xrf1) =	vunique.msk.u32 $0xffff, v3  }
0x28f: {  	vm4 =	vgt.s32 v10, $0x0;
	v11 =	vnsel vm12, $0x0, v11;
	v16 =	vmin.u32 v16, $0xFF;
	(xrf1) =	vunique.msk.u32 $0xffff, v18  }
0x290: {  	v10 =	vnsel vm4, $0x0, v10;
	v11 =	vmin.u32 v11, $0xFF;
	(xrf1) =	vunique.msk.u32 $0xffff, v16  }
0x291: {  	_, v57, vm13 =	vpop (xrf1);
	v10 =	vmin.u32 v10, $0xFF;
	(xrf1) =	vunique.msk.u32 $0xffff, v11  }
0x292: {  	_, v21, vm14 =	vpop (xrf1);
	(xrf1) =	vunique.msk.u32 $0xffff, v10  }
0x293: {  	v13 =	vcvt.s32.f32 v13;
	_, v22, vm5 =	vpop (xrf1)  }
0x294: {  	_, v23, vm6 =	vpop (xrf1)  }
0x295: {  	[tilespmem:v1+s11+$0x0] =	vst.idx.add.f32.msk vm2, v13;
	_, v1, vm2 =	vpop (xrf1)  }
0x296: {  	v12 =	vcvt.s32.f32 v12  }
0x297: {  	v59 =	vcvt.s32.f32 v17  }
0x298: {  	v58 =	vcvt.s32.f32 v57;
	[tilespmem:v5+s11+$0x0] =	vst.idx.add.f32.msk vm1, v12  }
0x299: {  	[tilespmem:v2+s11+$0x0] =	vst.idx.add.f32.msk vm0, v59;
	v1 =	vcvt.s32.f32 v1;
	_, v5, vm1 =	vpop (xrf1)  }
0x29a: {  	v60 =	vcvt.s32.f32 v21;
	[tilespmem:v8+s11+$0x0] =	vst.idx.add.f32.msk vm13, v58;
	v5 =	vcvt.s32.f32 v5;
	_, v13, vm3 =	vpop (xrf1)  }
0x29b: {  	v61 =	vcvt.s32.f32 v22;
	[tilespmem:v9+s11+$0x0] =	vst.idx.add.f32.msk vm2, v1;
	_, v2, vm0 =	vpop (xrf1);
	v1 =	vcvt.s32.f32 v13  }
0x29c: {  	[tilespmem:v4+s11+$0x0] =	vst.idx.add.f32.msk vm14, v60;
	v62 =	vcvt.s32.f32 v23;
	_, v4, vm4 =	vpop (xrf1)  }
0x29d: {  	[tilespmem:v6+s11+$0x0] =	vst.idx.add.f32.msk vm5, v61;
	_, v6, vm5 =	vpop (xrf1)  }
0x29e: {  	[tilespmem:v7+s11+$0x0] =	vst.idx.add.f32.msk vm6, v62;
	_, v63, vm15 =	vpop (xrf1)  }
0x29f: {  	v2 =	vcvt.s32.f32 v2;
	[tilespmem:v56+s11+$0x0] =	vst.idx.add.f32.msk vm1, v5;
	_, v5, vm1 =	vpop (xrf1)  }
0x2a0: {  	v4 =	vcvt.s32.f32 v4;
	[tilespmem:v14+s11+$0x0] =	vst.idx.add.f32.msk vm3, v1;
	_, v1, vm3 =	vpop (xrf1)  }
0x2a1: {  	v6 =	vcvt.s32.f32 v6;
	[tilespmem:v19+s11+$0x0] =	vst.idx.add.f32.msk vm0, v2  }
0x2a2: {  	[tilespmem:v3+s11+$0x0] =	vst.idx.add.f32.msk vm4, v4;
	v3 =	vcvt.s32.f32 v63  }
0x2a3: {  	s12 =	simm.s32 $0x0;
	v2 =	vcvt.s32.f32 v5;
	[tilespmem:v18+s11+$0x0] =	vst.idx.add.f32.msk vm5, v6  }
0x2a4: {  	s17 =	sand.u32 $0x40, s12;
	s13 =	sand.u32 $0x80, s12;
	v1 =	vcvt.s32.f32 v1;
	[tilespmem:v16+s11+$0x0] =	vst.idx.add.f32.msk vm15, v3  }
0x2a5: {  	s15 =	sor.u32 $0x4000, s13;
	s20 =	sor.u32 $0x30, s17;
	[tilespmem:v11+s11+$0x0] =	vst.idx.add.f32.msk vm1, v2  }
0x2a6: {  	s16 =	sor.u32 s20, s15;
	[tilespmem:v10+s11+$0x0] =	vst.idx.add.f32.msk vm3, v1  }
0x2a7: {  	s19 =	sor.u32 $0x10, s17;
	v3 =	vld [tilespmem:s16+$0x0]  }
0x2a8: {  	s21 =	sand.u32 $0x400, s12;
	s14 =	sor.u32 $0x20, s17;
	s13 =	sor.u32 s19, s15  }
0x2a9: {  	s18 =	simm.s32 $0x0;
	s21 =	sor.u32 $0x4100, s21;
	s15 =	sor.u32 s14, s15;
	v2 =	vld [tilespmem:s13+$0x0]  }
0x2aa: {  	s17 =	sor.u32 s17, s21;
	s22 =	sor.u32 s20, s21;
	s20 =	simm.s32 $0x40;
	v1 =	vld [tilespmem:s15+$0x0]  }
.LBB2_34:
0x2ab: {  	s23 =	sand.u32 $0x40, s20  }
0x2ac: {  	s24 =	sand.u32 $0x80, s20;
	s25 =	sor.u32 s19, s21;
	[tilespmem:s22+$0x180] =	vst v3;
	s18 =	sadd.s32 $0x4, s18  }
0x2ad: {  	s21 =	sor.u32 s14, s21;
	s22 =	sor.u32 $0x4000, s24;
	s24 =	sor.u32 $0x30, s23;
	v4 =	vld [tilespmem:s11+$0x0];
	[tilespmem:s16+$0x0] =	vst v0  }
0x2ae: {  	s19 =	sor.u32 $0x10, s23;
	p0 =	slt.u32 s18, $0xC;
	s16 =	sor.u32 s24, s22;
	[tilespmem:s25+$0x180] =	vst v2  }
.Ltmp16:
0x2af: {  	s14 =	sor.u32 $0x20, s23;
	v3 =	vld [tilespmem:s16+$0x0];
	[tilespmem:s13+$0x0] =	vst v0;
	s13 =	sor.u32 s19, s22;
	(pc) =	sbr.rel @p0 .LBB2_34-.Ltmp16, $4  }
0x2b0: {  	s12 =	sadd.s32 $0x200, s12;
	s25 =	smov.u32 s11;
	s22 =	sor.u32 s14, s22;
	v2 =	vld [tilespmem:s13+$0x0];
	[tilespmem:s21+$0x180] =	vst v1  }
0x2b1: {  	s21 =	sand.u32 $0x400, s12;
	v1 =	vld [tilespmem:s22+$0x0];
	[tilespmem:s15+$0x0] =	vst v0;
	s15 =	smov.u32 s22  }
0x2b2: {  	s11 =	sadd.s32 $0x40, s11;
	s21 =	sor.u32 $0x4100, s21;
	[tilespmem:s17+$0x180] =	vst v4  }
0x2b3: {  	s20 =	sadd.s32 $0x40, s20;
	s17 =	sor.u32 s23, s21;
	s22 =	sor.u32 s24, s21;
	[tilespmem:s25+$0x0] =	vst v0  }
0x2b4: {  	[tilespmem:s22+$0x180] =	vst v3  }
0x2b5: {  	s12 =	sor.u32 s19, s21;
	v3 =	vld [tilespmem:s11+$0x0];
	[tilespmem:s16+$0x0] =	vst v0  }
0x2b6: {  	[tilespmem:s12+$0x180] =	vst v2  }
0x2b7: {  	s24 =	sor.u32 s14, s21;
	[tilespmem:s13+$0x0] =	vst v0  }
0x2b8: {  	[tilespmem:s24+$0x180] =	vst v1  }
0x2b9: {  	[tilespmem:s15+$0x0] =	vst v0  }
0x2ba: {  	[tilespmem:s17+$0x180] =	vst v3  }
0x2bb: {  	[tilespmem:s11+$0x0] =	vst v0  }
0x2bc: {  	_ =	swait.ge [sflag:s8], $0x2000  }
0x2bd: {  	[sflag:s8] =	ssyncset.done $0x0  }
0x2be: {  	[sflag:s8] =	ssyncadd.s32 $0xFFFFE000  }
0x2bf: {  	s25 =	simm.s32 $0x600;
	v3 =	vld [tilespmem:$0x200]  }
0x2c0: {  	v4 =	vld [tilespmem:s25+$0xFFFFFC10]  }
0x2c1: {  	v5 =	vld [tilespmem:s25+$0xFFFFFC20]  }
0x2c2: {  	v6 =	vld [tilespmem:s25+$0xFFFFFC30]  }
0x2c3: {  	v2 =	vld [tilespmem:s25+$0xFFFFFC40]  }
0x2c4: {  	v1 =	vld [tilespmem:s25+$0xFFFFFC50]  }
0x2c5: {  	v4 =	vmax.f32 v3, v4;
	v3 =	vld [tilespmem:s25+$0xFFFFFC60]  }
0x2c6: {  	v5 =	vmax.f32 v4, v5;
	v4 =	vld [tilespmem:s25+$0xFFFFFC70]  }
0x2c7: {  	s12 =	simm.s32 $0xA00;
	s11 =	simm.s32 $0x1;
	v6 =	vmax.f32 v5, v6;
	v5 =	vld [tilespmem:s25+$0x0]  }
.LBB2_36:
0x2c8: {  	v7 =	vld [tilespmem:s12+$0xFFFFFC10];
	s11 =	sadd.s32 $0x8, s11;
	v2 =	vmax.f32 v6, v2  }
0x2c9: {  	v6 =	vld [tilespmem:s12+$0xFFFFFC20];
	p0 =	slt.u32 s11, $0x71;
	v1 =	vmax.f32 v2, v1  }
0x2ca: {  	v8 =	vld [tilespmem:s12+$0xFFFFFC30];
	v1 =	vmax.f32 v1, v3  }
.Ltmp17:
0x2cb: {  	v2 =	vld [tilespmem:s12+$0xFFFFFC40];
	v3 =	vmax.f32 v1, v4;
	(pc) =	sbr.rel @p0 .LBB2_36-.Ltmp17, $4  }
0x2cc: {  	s13 =	simm.s32 $0x210;
	v1 =	vld [tilespmem:s12+$0xFFFFFC50];
	v3 =	vmax.f32 v3, v5  }
0x2cd: {  	v4 =	vmax.f32 v3, v7;
	v3 =	vld [tilespmem:s12+$0xFFFFFC60]  }
0x2ce: {  	v5 =	vmax.f32 v4, v6;
	v4 =	vld [tilespmem:s12+$0xFFFFFC70]  }
0x2cf: {  	v6 =	vmax.f32 v5, v8;
	v5 =	vld [tilespmem:s12+$0x0];
	s12 =	sadd.s32 $0x400, s12  }
0x2d0: {  	v2 =	vmax.f32 v6, v2  }
0x2d1: {  	v1 =	vmax.f32 v2, v1  }
0x2d2: {  	v1 =	vmax.f32 v1, v3  }
0x2d3: {  	v1 =	vmax.f32 v1, v4  }
0x2d4: {  	s11 =	simm.s32 $0x3C80;
	v1 =	vmax.f32 v1, v5  }
.LBB2_38:
0x2d5: {  	s12 =	sand.u32 $0x3FFFFC00, s11  }
0x2d6: {  	s12 =	sadd.s32 s12, s13  }
0x2d7: {  	p0 =	sne.s32 s11, $0x3F80;
	v2 =	vld [tilespmem:s12+$0x0]  }
.Ltmp18:
0x2d8: {  	_ = 	snop;
	(pc) =	sbr.rel @p0 .LBB2_38-.Ltmp18, $2  }
0x2d9: {  	_ =	sdelay $0x2  }
0x2da: {  	s11 =	sadd.s32 $0x80, s11;
	s13 =	sadd.s32 $0x10, s13;
	v1 =	vmax.f32 v1, v2  }
0x2db: {  	(xrf0) =	vmax.scan.msk.f32 $0xffff, v1;
	_ =	sdelay $0x5  }
0x2dc: {  	v1, _, _ =	vpop (xrf0)  }
0x2dd: {  	v1 =	vbroadcast v1, $0xF;
	_ =	sdelay $0x1  }
0x2de: {  	s11 =	simm.s32 $0x270;
	(erf) = vrcp.f32 v1  }
0x2df: {  	v2 =	vld [tilespmem:s11+$0xFFFFFF90]  }
0x2e0: {  	v3 =	vld [tilespmem:s11+$0xFFFFFFD0]  }
0x2e1: {  	v5 =	vld [tilespmem:s11+$0xFFFFFFE0]  }
0x2e2: {  	v6 =	vld [tilespmem:s11+$0x0]  }
0x2e3: {  	v1 =	vld [tilespmem:s11+$0xFFFFFFA0]  }
0x2e4: {  	v7 =	vld [tilespmem:s11+$0xFFFFFFC0]  }
0x2e5: {  	v8 =	vld [tilespmem:s11+$0xFFFFFFF0]  }
0x2e6: {  	s25 =	simm.s32 $0x670;
	v9 =	vld [tilespmem:s11+$0xFFFFFFB0]  }
0x2e7: {  	v13 =	vld [tilespmem:s25+$0xFFFFFFA0];
	v4 =	vpop (erf)  }
0x2e8: {  	v2 =	vmul.f32 v2, v4;
	v1 =	vmul.f32 v1, v4  }
0x2e9: {  	v3 =	vmul.f32 v3, v4;
	v5 =	vmul.f32 v5, v4  }
0x2ea: {  	v6 =	vmul.f32 v6, v4;
	v7 =	vmul.f32 v7, v4  }
0x2eb: {  	v8 =	vmul.f32 v8, v4;
	v9 =	vmul.f32 v9, v4  }
0x2ec: {  	v13 =	vmul.f32 v13, v4;
	v2 =	vmul.f32 $2.550000000e+02, v2  }
0x2ed: {  	v1 =	vmul.f32 $2.550000000e+02, v1;
	v3 =	vmul.f32 $2.550000000e+02, v3  }
0x2ee: {  	v5 =	vmul.f32 $2.550000000e+02, v5;
	v6 =	vmul.f32 $2.550000000e+02, v6;
	v2 =	vadd.f32 $8.388608000e+06, v2  }
0x2ef: {  	v13 =	vmul.f32 $2.550000000e+02, v13;
	v1 =	vadd.f32 $8.388608000e+06, v1;
	v3 =	vadd.f32 $8.388608000e+06, v3  }
0x2f0: {  	v5 =	vadd.f32 $8.388608000e+06, v5;
	v6 =	vadd.f32 $8.388608000e+06, v6;
	v2 =	vadd.s32 $0xB5000000, v2  }
0x2f1: {  	v10 =	vadd.s32 $0xB5000000, v1;
	v1 =	vmul.f32 $2.550000000e+02, v7;
	v3 =	vadd.s32 $0xB5000000, v3  }
0x2f2: {  	v7 =	vmul.f32 $2.550000000e+02, v9;
	v12 =	vadd.s32 $0xB5000000, v5;
	v6 =	vadd.s32 $0xB5000000, v6  }
0x2f3: {  	vm0 =	vgt.s32 v2, $0x0;
	vm1 =	vgt.s32 v3, $0x0;
	v9 =	vadd.f32 $8.388608000e+06, v1  }
0x2f4: {  	v1 =	vnsel vm0, $0x0, v2;
	v2 =	vnsel vm1, $0x0, v3;
	v3 =	vmul.f32 $2.550000000e+02, v8  }
0x2f5: {  	v11 =	vld [tilespmem:s25+$0x0];
	v5 =	vadd.f32 $8.388608000e+06, v7;
	vm0 =	vgt.s32 v10, $0x0;
	v2 =	vmin.u32 v2, $0xFF  }
0x2f6: {  	v7 =	vld [tilespmem:s25+$0xFFFFFF90];
	v10 =	vnsel vm0, $0x0, v10;
	vm0 =	vgt.s32 v6, $0x0;
	v14 =	vadd.f32 $8.388608000e+06, v3  }
0x2f7: {  	v15 =	vld [tilespmem:s25+$0xFFFFFFC0];
	v16 =	vadd.s32 $0xB5000000, v9;
	v3 =	vmin.u32 v10, $0xFF;
	(xrf1) =	vunique.msk.u32 $0xffff, v2;
	v9 =	vadd.s32 $0xB5000000, v5  }
0x2f8: {  	v8 =	vld [tilespmem:s25+$0xFFFFFFD0];
	v5 =	vnsel vm0, $0x0, v6;
	vm0 =	vgt.s32 v9, $0x0;
	v14 =	vadd.s32 $0xB5000000, v14  }
0x2f9: {  	v18 =	vld [tilespmem:s25+$0xFFFFFFF0];
	v5 =	vmin.u32 v5, $0xFF;
	(xrf1) =	vunique.msk.u32 $0xffff, v3;
	v9 =	vnsel vm0, $0x0, v9;
	vm1 =	vgt.s32 v14, $0x0  }
0x2fa: {  	v11 =	vmul.f32 v11, v4;
	v10 =	vld [tilespmem:s25+$0xFFFFFFE0];
	(xrf1) =	vunique.msk.u32 $0xffff, v5;
	v9 =	vmin.u32 v9, $0xFF;
	v14 =	vnsel vm1, $0x0, v14  }
0x2fb: {  	v13 =	vadd.f32 $8.388608000e+06, v13;
	v6 =	vld [tilespmem:s25+$0xFFFFFFB0];
	v17 =	vmul.f32 v7, v4;
	(xrf1) =	vunique.msk.u32 $0xffff, v9;
	v7 =	vmin.u32 v14, $0xFF  }
0x2fc: {  	v15 =	vmul.f32 v15, v4;
	(xrf1) =	vunique.msk.u32 $0xffff, v7  }
0x2fd: {  	v11 =	vmul.f32 $2.550000000e+02, v11;
	v13 =	vadd.s32 $0xB5000000, v13;
	v8 =	vmul.f32 v8, v4  }
0x2fe: {  	v1 =	vmin.u32 v1, $0xFF;
	vm0 =	vgt.s32 v12, $0x0;
	v14 =	vmul.f32 $2.550000000e+02, v17  }
0x2ff: {  	v10 =	vmul.f32 v10, v4;
	v8 =	vmul.f32 $2.550000000e+02, v8;
	v17 =	vnsel vm0, $0x0, v12  }
0x300: {  	v12 =	vmul.f32 v18, v4;
	v18 =	vmul.f32 v6, v4;
	v14 =	vadd.f32 $8.388608000e+06, v14  }
0x301: {  	v6 =	vmin.u32 v17, $0xFF;
	v10 =	vmul.f32 $2.550000000e+02, v10;
	v8 =	vadd.f32 $8.388608000e+06, v8  }
0x302: {  	vm0 =	vgt.s32 v16, $0x0;
	v17 =	vmul.f32 $2.550000000e+02, v18;
	(xrf1) =	vunique.msk.u32 $0xffff, v6;
	v19 =	vadd.s32 $0xB5000000, v14  }
0x303: {  	(xrf1) =	vunique.msk.u32 $0xffff, v1;
	v14 =	vmul.f32 $2.550000000e+02, v15;
	v10 =	vadd.f32 $8.388608000e+06, v10;
	v18 =	vadd.s32 $0xB5000000, v8  }
0x304: {  	v15 =	vadd.f32 $8.388608000e+06, v11;
	v8 =	vnsel vm0, $0x0, v16;
	vm1 =	vgt.s32 v19, $0x0  }
0x305: {  	vm2 =	vgt.s32 v18, $0x0;
	v8 =	vmin.u32 v8, $0xFF;
	v14 =	vadd.f32 $8.388608000e+06, v14;
	_, v11, vm0 =	vpop (xrf1)  }
0x306: {  	s12 =	simm.s32 $0x8;
	s13 =	simm.s32 $0xA70;
	v16 =	vnsel vm1, $0x0, v19;
	v18 =	vnsel vm2, $0x0, v18;
	v10 =	vadd.s32 $0xB5000000, v10;
	(xrf1) =	vunique.msk.u32 $0xffff, v8  }
.LBB2_40:
0x307: {  	v19 =	vld [tilespmem:s13+$0x0];
	s12 =	sadd.s32 $0x8, s12;
	v16 =	vmin.u32 v16, $0xFF;
	v17 =	vadd.f32 $8.388608000e+06, v17;
	_, v20, vm1 =	vpop (xrf1)  }
0x308: {  	v18 =	vmin.u32 v18, $0xFF;
	v12 =	vmul.f32 $2.550000000e+02, v12;
	v11 =	vcvt.s32.f32 v11;
	v21 =	vld [tilespmem:s13+$0xFFFFFFA0];
	p0 =	slt.u32 s12, $0x78;
	_, v22, vm2 =	vpop (xrf1)  }
0x309: {  	vm4 =	vgt.s32 v13, $0x0;
	v14 =	vadd.s32 $0xB5000000, v14;
	v23 =	vld [tilespmem:s13+$0xFFFFFF90];
	(xrf1) =	vunique.msk.u32 $0xffff, v18;
	v22 =	vcvt.s32.f32 v22;
	_, v24, vm3 =	vpop (xrf1)  }
0x30a: {  	v15 =	vadd.s32 $0xB5000000, v15;
	s11 =	simm.s32 $0x4000;
	v13 =	vnsel vm4, $0x0, v13;
	v12 =	vadd.f32 $8.388608000e+06, v12;
	v25 =	vld [tilespmem:s13+$0xFFFFFFD0];
	_, v26, vm4 =	vpop (xrf1)  }
0x30b: {  	vm5 =	vgt.s32 v15, $0x0;
	v13 =	vmin.u32 v13, $0xFF;
	v24 =	vcvt.s32.f32 v24;
	[tilespmem:v2+s11+$0x0] =	vst.idx.add.f32.msk vm0, v11;
	v2 =	vmovc v18  }
0x30c: {  	v17 =	vadd.s32 $0xB5000000, v17;
	v15 =	vnsel vm5, $0x0, v15;
	v12 =	vadd.s32 $0xB5000000, v12;
	v11 =	vld [tilespmem:s13+$0xFFFFFFE0]  }
0x30d: {  	v15 =	vmin.u32 v15, $0xFF;
	vm0 =	vgt.s32 v17, $0x0;
	vm5 =	vgt.s32 v12, $0x0  }
0x30e: {  	v17 =	vnsel vm0, $0x0, v17;
	v18 =	vmul.f32 v21, v4;
	v12 =	vnsel vm5, $0x0, v12;
	v21 =	vld [tilespmem:s13+$0xFFFFFFB0]  }
0x30f: {  	v19 =	vmul.f32 v19, v4;
	v28 =	vmin.u32 v17, $0xFF;
	v17 =	vcvt.s32.f32 v26;
	v27 =	vld [tilespmem:s13+$0xFFFFFFC0];
	(xrf1) =	vunique.msk.u32 $0xffff, v13  }
0x310: {  	v23 =	vmul.f32 v23, v4;
	v12 =	vmin.u32 v12, $0xFF;
	v25 =	vmul.f32 v25, v4;
	v26 =	vld [tilespmem:s13+$0xFFFFFFF0];
	(xrf1) =	vunique.msk.u32 $0xffff, v15;
	_, v29, vm0 =	vpop (xrf1)  }
0x311: {  	v18 =	vmul.f32 $2.550000000e+02, v18;
	v11 =	vmul.f32 v11, v4;
	(xrf1) =	vunique.msk.u32 $0xffff, v28;
	[tilespmem:v7+s11+$0x0] =	vst.idx.add.f32.msk vm4, v17;
	_, v7, vm4 =	vpop (xrf1)  }
0x312: {  	v20 =	vcvt.s32.f32 v20;
	vm5 =	vgt.s32 v10, $0x0;
	(xrf1) =	vunique.msk.u32 $0xffff, v12;
	v17 =	vcvt.s32.f32 v7;
	v7 =	vmovc v12  }
0x313: {  	v18 =	vadd.f32 $8.388608000e+06, v18;
	v12 =	vmul.f32 $2.550000000e+02, v23;
	v23 =	vmul.f32 $2.550000000e+02, v11;
	[tilespmem:v5+s11+$0x0] =	vst.idx.add.f32.msk vm2, v22;
	v5 =	vmovc v15  }
0x314: {  	v10 =	vnsel vm5, $0x0, v10;
	v25 =	vmul.f32 $2.550000000e+02, v25;
	[tilespmem:v9+s11+$0x0] =	vst.idx.add.f32.msk vm3, v24;
	v9 =	vcvt.s32.f32 v29;
	_, v15, vm2 =	vpop (xrf1)  }
0x315: {  	v22 =	vadd.f32 $8.388608000e+06, v12;
	v24 =	vmul.f32 v27, v4;
	v12 =	vmul.f32 v26, v4;
	[tilespmem:v3+s11+$0x0] =	vst.idx.add.f32.msk vm1, v20  }
0x316: {  	v20 =	vmul.f32 v21, v4;
	v21 =	vadd.f32 $8.388608000e+06, v25;
	v3 =	vmovc v13;
	[tilespmem:v6+s11+$0x0] =	vst.idx.add.f32.msk vm0, v9;
	v6 =	vmin.u32 v10, $0xFF  }
0x317: {  	v13 =	vadd.s32 $0xB5000000, v18;
	v18 =	vcvt.s32.f32 v15;
	v10 =	vadd.s32 $0xB5000000, v22;
	_, v11, vm0 =	vpop (xrf1);
	[tilespmem:v1+s11+$0x0] =	vst.idx.add.f32.msk vm4, v17  }
.Ltmp19:
0x318: {  	v23 =	vadd.f32 $8.388608000e+06, v23;
	v15 =	vmul.f32 $2.550000000e+02, v19;
	v22 =	vmul.f32 $2.550000000e+02, v24;
	v1 =	vmovc v16;
	(xrf1) =	vunique.msk.u32 $0xffff, v6;
	(pc) =	sbr.rel @p0 .LBB2_40-.Ltmp19, $4  }
0x319: {  	vm3 =	vgt.s32 v14, $0x0;
	vm1 =	vgt.s32 v10, $0x0;
	v17 =	vmul.f32 $2.550000000e+02, v20;
	v9 =	vmovc v28;
	(xrf1) =	vunique.msk.u32 $0xffff, v1  }
0x31a: {  	v19 =	vadd.s32 $0xB5000000, v21;
	v15 =	vadd.f32 $8.388608000e+06, v15;
	v16 =	vnsel vm3, $0x0, v14;
	[tilespmem:v8+s11+$0x0] =	vst.idx.add.f32.msk vm2, v18  }
0x31b: {  	v14 =	vadd.f32 $8.388608000e+06, v22;
	vm2 =	vgt.s32 v19, $0x0;
	v8 =	vmin.u32 v16, $0xFF  }
0x31c: {  	s13 =	sadd.s32 $0x400, s13;
	v16 =	vnsel vm1, $0x0, v10;
	v10 =	vadd.s32 $0xB5000000, v23;
	v18 =	vnsel vm2, $0x0, v19;
	(xrf1) =	vunique.msk.u32 $0xffff, v8  }
0x31d: {  	v4 =	vmul.f32 $2.550000000e+02, v12  }
0x31e: {  	v57 =	vadd.f32 $8.388608000e+06, v17;
	v58 =	vmin.u32 v18, $0xFF;
	vm1 =	vgt.s32 v13, $0x0  }
0x31f: {  	v15 =	vadd.s32 $0xB5000000, v15;
	v13 =	vnsel vm1, $0x0, v13;
	v4 =	vadd.f32 $8.388608000e+06, v4  }
0x320: {  	vm12 =	vgt.s32 v15, $0x0;
	v13 =	vmin.u32 v13, $0xFF;
	v12 =	vadd.s32 $0xB5000000, v57  }
0x321: {  	(xrf1) =	vunique.msk.u32 $0xffff, v58;
	v15 =	vnsel vm12, $0x0, v15;
	vm13 =	vgt.s32 v12, $0x0;
	v4 =	vadd.s32 $0xB5000000, v4  }
0x322: {  	v15 =	vmin.u32 v15, $0xFF;
	(xrf1) =	vunique.msk.u32 $0xffff, v13;
	v12 =	vnsel vm13, $0x0, v12;
	vm2 =	vgt.s32 v4, $0x0  }
0x323: {  	(xrf1) =	vunique.msk.u32 $0xffff, v15;
	v12 =	vmin.u32 v12, $0xFF;
	v4 =	vnsel vm2, $0x0, v4  }
0x324: {  	(xrf1) =	vunique.msk.u32 $0xffff, v12;
	v4 =	vmin.u32 v4, $0xFF  }
0x325: {  	vm14 =	vgt.s32 v10, $0x0;
	(xrf1) =	vunique.msk.u32 $0xffff, v4  }
0x326: {  	v10 =	vnsel vm14, $0x0, v10  }
0x327: {  	v14 =	vadd.s32 $0xB5000000, v14;
	v10 =	vmin.u32 v10, $0xFF  }
0x328: {  	_, v59, vm15 =	vpop (xrf1);
	vm11 =	vgt.s32 v14, $0x0;
	(xrf1) =	vunique.msk.u32 $0xffff, v10  }
0x329: {  	v16 =	vmin.u32 v16, $0xFF;
	_, v19, vm3 =	vpop (xrf1);
	v14 =	vnsel vm11, $0x0, v14  }
0x32a: {  	_, v20, vm12 =	vpop (xrf1);
	v14 =	vmin.u32 v14, $0xFF;
	(xrf1) =	vunique.msk.u32 $0xffff, v16  }
0x32b: {  	v11 =	vcvt.s32.f32 v11;
	_, v21, vm4 =	vpop (xrf1);
	(xrf1) =	vunique.msk.u32 $0xffff, v14  }
0x32c: {  	_, v22, vm5 =	vpop (xrf1)  }
0x32d: {  	[tilespmem:v2+s11+$0x0] =	vst.idx.add.f32.msk vm0, v11;
	v2 =	vcvt.s32.f32 v19;
	_, v23, vm6 =	vpop (xrf1)  }
0x32e: {  	_, v24, vm7 =	vpop (xrf1)  }
0x32f: {  	[tilespmem:v5+s11+$0x0] =	vst.idx.add.f32.msk vm3, v2;
	v2 =	vcvt.s32.f32 v59;
	_, v25, vm8 =	vpop (xrf1)  }
0x330: {  	v60 =	vcvt.s32.f32 v20;
	_, v11, vm0 =	vpop (xrf1)  }
0x331: {  	[tilespmem:v3+s11+$0x0] =	vst.idx.add.f32.msk vm15, v2;
	v2 =	vcvt.s32.f32 v23;
	v3 =	vcvt.s32.f32 v24;
	_, v61, vm13 =	vpop (xrf1)  }
0x332: {  	[tilespmem:v9+s11+$0x0] =	vst.idx.add.f32.msk vm12, v60;
	_, v5, vm3 =	vpop (xrf1)  }
0x333: {  	v21 =	vcvt.s32.f32 v21;
	[tilespmem:v1+s11+$0x0] =	vst.idx.add.f32.msk vm6, v2;
	v1 =	vcvt.s32.f32 v25;
	_, v9, vm2 =	vpop (xrf1)  }
0x334: {  	v2 =	vcvt.s32.f32 v9  }
0x335: {  	[tilespmem:v7+s11+$0x0] =	vst.idx.add.f32.msk vm4, v21;
	v62 =	vcvt.s32.f32 v22  }
0x336: {  	[tilespmem:v8+s11+$0x0] =	vst.idx.add.f32.msk vm7, v3;
	_, v3, vm14 =	vpop (xrf1)  }
0x337: {  	[tilespmem:v6+s11+$0x0] =	vst.idx.add.f32.msk vm5, v62  }
0x338: {  	v63 =	vcvt.s32.f32 v61;
	[tilespmem:v58+s11+$0x0] =	vst.idx.add.f32.msk vm8, v1;
	_, v1, vm15 =	vpop (xrf1)  }
0x339: {  	v5 =	vcvt.s32.f32 v5;
	[tilespmem:v4+s11+$0x0] =	vst.idx.add.f32.msk vm2, v2;
	_, v2, vm2 =	vpop (xrf1)  }
0x33a: {  	[tilespmem:v15+s11+$0x0] =	vst.idx.add.f32.msk vm13, v63;
	v3 =	vcvt.s32.f32 v3  }
0x33b: {  	[tilespmem:v12+s11+$0x0] =	vst.idx.add.f32.msk vm3, v5;
	v4 =	vcvt.s32.f32 v11  }
0x33c: {  	v1 =	vcvt.s32.f32 v1;
	[tilespmem:v10+s11+$0x0] =	vst.idx.add.f32.msk vm14, v3  }
0x33d: {  	v2 =	vcvt.s32.f32 v2;
	[tilespmem:v13+s11+$0x0] =	vst.idx.add.f32.msk vm0, v4  }
0x33e: {  	s12 =	simm.s32 $0x0;
	[tilespmem:v16+s11+$0x0] =	vst.idx.add.f32.msk vm15, v1  }
0x33f: {  	p0 =	por $0x0, $0x0;
	s14 =	simm.s32 $0x1;
	s13 =	sand.u32 $0xC0, s12;
	[tilespmem:v14+s11+$0x0] =	vst.idx.add.f32.msk vm2, v2  }
0x340: {  	s14 =	simm.s32 @!p0 $0x0;
	v3 =	vld [tilespmem:s13+$0x4030]  }
0x341: {  	s14 =	sshll.u32 s14, $0x6  }
0x342: {  	s15 =	sadd.s32 $0x0, s14;
	v2 =	vld [tilespmem:s13+$0x4010]  }
0x343: {  	s14 =	sadd.s32 $0x30, s15  }
0x344: {  	s16 =	sadd.s32 $0x10, s15;
	s17 =	sor.u32 $0x200, s14;
	v1 =	vld [tilespmem:s13+$0x4020]  }
0x345: {  	s19 =	sadd.s32 $0x20, s15;
	s15 =	sor.u32 $0x200, s15;
	s14 =	simm.s32 $0x0;
	[tilespmem:s17+$0x4100] =	vst v3  }
0x346: {  	s18 =	sor.u32 $0x200, s16;
	s16 =	simm.s32 $0x40;
	s17 =	sor.u32 $0x200, s19;
	v3 =	vld [tilespmem:s11+$0x0];
	[tilespmem:s13+$0x4030] =	vst v0  }
.LBB2_42:
0x347: {  	s19 =	sand.u32 $0xC0, s16;
	[tilespmem:s18+$0x4100] =	vst v2;
	p0 =	por !p0, !p0;
	s18 =	simm.s32 $0x1  }
0x348: {  	s14 =	sadd.s32 $0x4, s14;
	s18 =	simm.s32 @!p0 $0x0;
	v4 =	vld [tilespmem:s19+$0x4030];
	[tilespmem:s13+$0x4010] =	vst v0  }
0x349: {  	s12 =	sadd.s32 $0x200, s12;
	p1 =	slt.u32 s14, $0xC;
	s18 =	sshll.u32 s18, $0x6;
	v2 =	vld [tilespmem:s19+$0x4010];
	[tilespmem:s17+$0x4100] =	vst v1  }
.Ltmp20:
0x34a: {  	s20 =	sadd.s32 s18, s12;
	v1 =	vld [tilespmem:s19+$0x4020];
	[tilespmem:s13+$0x4020] =	vst v0;
	s13 =	smov.u32 s19;
	(pc) =	sbr.rel @p1 .LBB2_42-.Ltmp20, $4  }
0x34b: {  	s17 =	sadd.s32 $0x10, s20;
	s19 =	sadd.s32 $0x20, s20;
	s21 =	sadd.s32 $0x30, s20;
	[tilespmem:s15+$0x4100] =	vst v3  }
0x34c: {  	s18 =	sor.u32 $0x200, s17;
	s17 =	sor.u32 $0x200, s19;
	s19 =	sor.u32 $0x200, s21;
	[tilespmem:s11+$0x0] =	vst v0  }
0x34d: {  	s15 =	sor.u32 $0x200, s20;
	s11 =	sadd.s32 $0x40, s11;
	[tilespmem:s19+$0x4100] =	vst v4  }
0x34e: {  	s16 =	sadd.s32 $0x40, s16;
	v3 =	vld [tilespmem:s11+$0x0];
	[tilespmem:s13+$0x4030] =	vst v0  }
0x34f: {  	[tilespmem:s18+$0x4100] =	vst v2  }
0x350: {  	[tilespmem:s17+$0x4100] =	vst v1  }
0x351: {  	[tilespmem:s13+$0x4010] =	vst v0  }
0x352: {  	[tilespmem:s13+$0x4020] =	vst v0  }
0x353: {  	[tilespmem:s15+$0x4100] =	vst v3  }
0x354: {  	[tilespmem:s11+$0x0] =	vst v0  }
0x355: {  	s12 =	simm.s32 $0x680;
	v3 =	vld [tilespmem:$0x280]  }
0x356: {  	v4 =	vld [tilespmem:s12+$0xFFFFFC10]  }
0x357: {  	v5 =	vld [tilespmem:s12+$0xFFFFFC20]  }
0x358: {  	v6 =	vld [tilespmem:s12+$0xFFFFFC30]  }
0x359: {  	v2 =	vld [tilespmem:s12+$0xFFFFFC40]  }
0x35a: {  	v1 =	vld [tilespmem:s12+$0xFFFFFC50]  }
0x35b: {  	v4 =	vmax.f32 v3, v4;
	v3 =	vld [tilespmem:s12+$0xFFFFFC60]  }
0x35c: {  	v5 =	vmax.f32 v4, v5;
	v4 =	vld [tilespmem:s12+$0xFFFFFC70]  }
0x35d: {  	s11 =	simm.s32 $0x1;
	v6 =	vmax.f32 v5, v6;
	v5 =	vld [tilespmem:s12+$0x0];
	s12 =	simm.s32 $0xA80  }
.LBB2_44:
0x35e: {  	v7 =	vld [tilespmem:s12+$0xFFFFFC10];
	s11 =	sadd.s32 $0x8, s11;
	v2 =	vmax.f32 v6, v2  }
0x35f: {  	v6 =	vld [tilespmem:s12+$0xFFFFFC20];
	p0 =	slt.u32 s11, $0x71;
	v1 =	vmax.f32 v2, v1  }
0x360: {  	v8 =	vld [tilespmem:s12+$0xFFFFFC30];
	v1 =	vmax.f32 v1, v3  }
.Ltmp21:
0x361: {  	v2 =	vld [tilespmem:s12+$0xFFFFFC40];
	v3 =	vmax.f32 v1, v4;
	(pc) =	sbr.rel @p0 .LBB2_44-.Ltmp21, $4  }
0x362: {  	s13 =	simm.s32 $0x290;
	v1 =	vld [tilespmem:s12+$0xFFFFFC50];
	v3 =	vmax.f32 v3, v5  }
0x363: {  	v4 =	vmax.f32 v3, v7;
	v3 =	vld [tilespmem:s12+$0xFFFFFC60]  }
0x364: {  	v5 =	vmax.f32 v4, v6;
	v4 =	vld [tilespmem:s12+$0xFFFFFC70]  }
0x365: {  	v6 =	vmax.f32 v5, v8;
	v5 =	vld [tilespmem:s12+$0x0];
	s12 =	sadd.s32 $0x400, s12  }
0x366: {  	v2 =	vmax.f32 v6, v2  }
0x367: {  	v1 =	vmax.f32 v2, v1  }
0x368: {  	v1 =	vmax.f32 v1, v3  }
0x369: {  	v1 =	vmax.f32 v1, v4  }
0x36a: {  	s11 =	simm.s32 $0x3C80;
	v1 =	vmax.f32 v1, v5  }
.LBB2_46:
0x36b: {  	s12 =	sand.u32 $0x3FFFFC00, s11  }
0x36c: {  	s12 =	sadd.s32 s12, s13  }
0x36d: {  	p0 =	sne.s32 s11, $0x3F80;
	v2 =	vld [tilespmem:s12+$0x0]  }
.Ltmp22:
0x36e: {  	_ = 	snop;
	(pc) =	sbr.rel @p0 .LBB2_46-.Ltmp22, $2  }
0x36f: {  	_ =	sdelay $0x2  }
0x370: {  	s11 =	sadd.s32 $0x80, s11;
	s13 =	sadd.s32 $0x10, s13;
	v1 =	vmax.f32 v1, v2  }
0x371: {  	(xrf0) =	vmax.scan.msk.f32 $0xffff, v1;
	_ =	sdelay $0x5  }
0x372: {  	v1, _, _ =	vpop (xrf0)  }
0x373: {  	v1 =	vbroadcast v1, $0xF;
	_ =	sdelay $0x1  }
0x374: {  	s11 =	simm.s32 $0x2F0;
	(erf) = vrcp.f32 v1  }
0x375: {  	v2 =	vld [tilespmem:s11+$0xFFFFFF90]  }
0x376: {  	v3 =	vld [tilespmem:s11+$0xFFFFFFD0]  }
0x377: {  	v5 =	vld [tilespmem:s11+$0xFFFFFFE0]  }
0x378: {  	v6 =	vld [tilespmem:s11+$0x0]  }
0x379: {  	v1 =	vld [tilespmem:s11+$0xFFFFFFA0]  }
0x37a: {  	v7 =	vld [tilespmem:s11+$0xFFFFFFC0]  }
0x37b: {  	v8 =	vld [tilespmem:s11+$0xFFFFFFF0]  }
0x37c: {  	s25 =	simm.s32 $0x6F0;
	v9 =	vld [tilespmem:s11+$0xFFFFFFB0]  }
0x37d: {  	v13 =	vld [tilespmem:s25+$0xFFFFFFA0];
	v4 =	vpop (erf)  }
0x37e: {  	v2 =	vmul.f32 v2, v4;
	v1 =	vmul.f32 v1, v4  }
0x37f: {  	v3 =	vmul.f32 v3, v4;
	v5 =	vmul.f32 v5, v4  }
0x380: {  	v6 =	vmul.f32 v6, v4;
	v7 =	vmul.f32 v7, v4  }
0x381: {  	v8 =	vmul.f32 v8, v4;
	v9 =	vmul.f32 v9, v4  }
0x382: {  	v13 =	vmul.f32 v13, v4;
	v2 =	vmul.f32 $2.550000000e+02, v2  }
0x383: {  	v1 =	vmul.f32 $2.550000000e+02, v1;
	v3 =	vmul.f32 $2.550000000e+02, v3  }
0x384: {  	v5 =	vmul.f32 $2.550000000e+02, v5;
	v6 =	vmul.f32 $2.550000000e+02, v6;
	v2 =	vadd.f32 $8.388608000e+06, v2  }
0x385: {  	v13 =	vmul.f32 $2.550000000e+02, v13;
	v1 =	vadd.f32 $8.388608000e+06, v1;
	v3 =	vadd.f32 $8.388608000e+06, v3  }
0x386: {  	v5 =	vadd.f32 $8.388608000e+06, v5;
	v6 =	vadd.f32 $8.388608000e+06, v6;
	v2 =	vadd.s32 $0xB5000000, v2  }
0x387: {  	v10 =	vadd.s32 $0xB5000000, v1;
	v1 =	vmul.f32 $2.550000000e+02, v7;
	v3 =	vadd.s32 $0xB5000000, v3  }
0x388: {  	v7 =	vmul.f32 $2.550000000e+02, v9;
	v12 =	vadd.s32 $0xB5000000, v5;
	v6 =	vadd.s32 $0xB5000000, v6  }
0x389: {  	vm0 =	vgt.s32 v2, $0x0;
	vm1 =	vgt.s32 v3, $0x0;
	v9 =	vadd.f32 $8.388608000e+06, v1  }
0x38a: {  	v1 =	vnsel vm0, $0x0, v2;
	v2 =	vnsel vm1, $0x0, v3;
	v3 =	vmul.f32 $2.550000000e+02, v8  }
0x38b: {  	v11 =	vld [tilespmem:s25+$0x0];
	v5 =	vadd.f32 $8.388608000e+06, v7;
	vm0 =	vgt.s32 v10, $0x0;
	v2 =	vmin.u32 v2, $0xFF  }
0x38c: {  	v7 =	vld [tilespmem:s25+$0xFFFFFF90];
	v10 =	vnsel vm0, $0x0, v10;
	vm0 =	vgt.s32 v6, $0x0;
	v14 =	vadd.f32 $8.388608000e+06, v3  }
0x38d: {  	v15 =	vld [tilespmem:s25+$0xFFFFFFC0];
	v16 =	vadd.s32 $0xB5000000, v9;
	v3 =	vmin.u32 v10, $0xFF;
	(xrf1) =	vunique.msk.u32 $0xffff, v2;
	v9 =	vadd.s32 $0xB5000000, v5  }
0x38e: {  	v8 =	vld [tilespmem:s25+$0xFFFFFFD0];
	v5 =	vnsel vm0, $0x0, v6;
	vm0 =	vgt.s32 v9, $0x0;
	v14 =	vadd.s32 $0xB5000000, v14  }
0x38f: {  	v18 =	vld [tilespmem:s25+$0xFFFFFFF0];
	v5 =	vmin.u32 v5, $0xFF;
	(xrf1) =	vunique.msk.u32 $0xffff, v3;
	v9 =	vnsel vm0, $0x0, v9;
	vm1 =	vgt.s32 v14, $0x0  }
0x390: {  	v11 =	vmul.f32 v11, v4;
	v10 =	vld [tilespmem:s25+$0xFFFFFFE0];
	(xrf1) =	vunique.msk.u32 $0xffff, v5;
	v9 =	vmin.u32 v9, $0xFF;
	v14 =	vnsel vm1, $0x0, v14  }
0x391: {  	v13 =	vadd.f32 $8.388608000e+06, v13;
	v6 =	vld [tilespmem:s25+$0xFFFFFFB0];
	v17 =	vmul.f32 v7, v4;
	(xrf1) =	vunique.msk.u32 $0xffff, v9;
	v7 =	vmin.u32 v14, $0xFF  }
0x392: {  	v15 =	vmul.f32 v15, v4;
	(xrf1) =	vunique.msk.u32 $0xffff, v7  }
0x393: {  	v11 =	vmul.f32 $2.550000000e+02, v11;
	v13 =	vadd.s32 $0xB5000000, v13;
	v8 =	vmul.f32 v8, v4  }
0x394: {  	v1 =	vmin.u32 v1, $0xFF;
	vm0 =	vgt.s32 v12, $0x0;
	v14 =	vmul.f32 $2.550000000e+02, v17  }
0x395: {  	v10 =	vmul.f32 v10, v4;
	v8 =	vmul.f32 $2.550000000e+02, v8;
	v17 =	vnsel vm0, $0x0, v12  }
0x396: {  	v12 =	vmul.f32 v18, v4;
	v18 =	vmul.f32 v6, v4;
	v14 =	vadd.f32 $8.388608000e+06, v14  }
0x397: {  	v6 =	vmin.u32 v17, $0xFF;
	v10 =	vmul.f32 $2.550000000e+02, v10;
	v8 =	vadd.f32 $8.388608000e+06, v8  }
0x398: {  	vm0 =	vgt.s32 v16, $0x0;
	v17 =	vmul.f32 $2.550000000e+02, v18;
	(xrf1) =	vunique.msk.u32 $0xffff, v6;
	v19 =	vadd.s32 $0xB5000000, v14  }
0x399: {  	(xrf1) =	vunique.msk.u32 $0xffff, v1;
	v14 =	vmul.f32 $2.550000000e+02, v15;
	v10 =	vadd.f32 $8.388608000e+06, v10;
	v18 =	vadd.s32 $0xB5000000, v8  }
0x39a: {  	v15 =	vadd.f32 $8.388608000e+06, v11;
	v8 =	vnsel vm0, $0x0, v16;
	vm1 =	vgt.s32 v19, $0x0  }
0x39b: {  	vm2 =	vgt.s32 v18, $0x0;
	v8 =	vmin.u32 v8, $0xFF;
	v14 =	vadd.f32 $8.388608000e+06, v14;
	_, v11, vm0 =	vpop (xrf1)  }
0x39c: {  	s12 =	simm.s32 $0x8;
	s13 =	simm.s32 $0xAF0;
	v16 =	vnsel vm1, $0x0, v19;
	v18 =	vnsel vm2, $0x0, v18;
	v10 =	vadd.s32 $0xB5000000, v10;
	(xrf1) =	vunique.msk.u32 $0xffff, v8  }
.LBB2_48:
0x39d: {  	v19 =	vld [tilespmem:s13+$0x0];
	s12 =	sadd.s32 $0x8, s12;
	v16 =	vmin.u32 v16, $0xFF;
	v17 =	vadd.f32 $8.388608000e+06, v17;
	_, v20, vm1 =	vpop (xrf1)  }
0x39e: {  	v18 =	vmin.u32 v18, $0xFF;
	v12 =	vmul.f32 $2.550000000e+02, v12;
	v11 =	vcvt.s32.f32 v11;
	v21 =	vld [tilespmem:s13+$0xFFFFFFA0];
	p0 =	slt.u32 s12, $0x78;
	_, v22, vm2 =	vpop (xrf1)  }
0x39f: {  	vm4 =	vgt.s32 v13, $0x0;
	v14 =	vadd.s32 $0xB5000000, v14;
	v23 =	vld [tilespmem:s13+$0xFFFFFF90];
	(xrf1) =	vunique.msk.u32 $0xffff, v18;
	v22 =	vcvt.s32.f32 v22;
	_, v24, vm3 =	vpop (xrf1)  }
0x3a0: {  	v15 =	vadd.s32 $0xB5000000, v15;
	s11 =	simm.s32 $0x4000;
	v13 =	vnsel vm4, $0x0, v13;
	v12 =	vadd.f32 $8.388608000e+06, v12;
	v25 =	vld [tilespmem:s13+$0xFFFFFFD0];
	_, v26, vm4 =	vpop (xrf1)  }
0x3a1: {  	vm5 =	vgt.s32 v15, $0x0;
	v13 =	vmin.u32 v13, $0xFF;
	v24 =	vcvt.s32.f32 v24;
	[tilespmem:v2+s11+$0x0] =	vst.idx.add.f32.msk vm0, v11;
	v2 =	vmovc v18  }
0x3a2: {  	v17 =	vadd.s32 $0xB5000000, v17;
	v15 =	vnsel vm5, $0x0, v15;
	v12 =	vadd.s32 $0xB5000000, v12;
	v11 =	vld [tilespmem:s13+$0xFFFFFFE0]  }
0x3a3: {  	v15 =	vmin.u32 v15, $0xFF;
	vm0 =	vgt.s32 v17, $0x0;
	vm5 =	vgt.s32 v12, $0x0  }
0x3a4: {  	v17 =	vnsel vm0, $0x0, v17;
	v18 =	vmul.f32 v21, v4;
	v12 =	vnsel vm5, $0x0, v12;
	v21 =	vld [tilespmem:s13+$0xFFFFFFB0]  }
0x3a5: {  	v19 =	vmul.f32 v19, v4;
	v28 =	vmin.u32 v17, $0xFF;
	v17 =	vcvt.s32.f32 v26;
	v27 =	vld [tilespmem:s13+$0xFFFFFFC0];
	(xrf1) =	vunique.msk.u32 $0xffff, v13  }
0x3a6: {  	v23 =	vmul.f32 v23, v4;
	v12 =	vmin.u32 v12, $0xFF;
	v25 =	vmul.f32 v25, v4;
	v26 =	vld [tilespmem:s13+$0xFFFFFFF0];
	(xrf1) =	vunique.msk.u32 $0xffff, v15;
	_, v29, vm0 =	vpop (xrf1)  }
0x3a7: {  	v18 =	vmul.f32 $2.550000000e+02, v18;
	v11 =	vmul.f32 v11, v4;
	(xrf1) =	vunique.msk.u32 $0xffff, v28;
	[tilespmem:v7+s11+$0x0] =	vst.idx.add.f32.msk vm4, v17;
	_, v7, vm4 =	vpop (xrf1)  }
0x3a8: {  	v20 =	vcvt.s32.f32 v20;
	vm5 =	vgt.s32 v10, $0x0;
	(xrf1) =	vunique.msk.u32 $0xffff, v12;
	v17 =	vcvt.s32.f32 v7;
	v7 =	vmovc v12  }
0x3a9: {  	v18 =	vadd.f32 $8.388608000e+06, v18;
	v12 =	vmul.f32 $2.550000000e+02, v23;
	v23 =	vmul.f32 $2.550000000e+02, v11;
	[tilespmem:v5+s11+$0x0] =	vst.idx.add.f32.msk vm2, v22;
	v5 =	vmovc v15  }
0x3aa: {  	v10 =	vnsel vm5, $0x0, v10;
	v25 =	vmul.f32 $2.550000000e+02, v25;
	[tilespmem:v9+s11+$0x0] =	vst.idx.add.f32.msk vm3, v24;
	v9 =	vcvt.s32.f32 v29;
	_, v15, vm2 =	vpop (xrf1)  }
0x3ab: {  	v22 =	vadd.f32 $8.388608000e+06, v12;
	v24 =	vmul.f32 v27, v4;
	v12 =	vmul.f32 v26, v4;
	[tilespmem:v3+s11+$0x0] =	vst.idx.add.f32.msk vm1, v20  }
0x3ac: {  	v20 =	vmul.f32 v21, v4;
	v21 =	vadd.f32 $8.388608000e+06, v25;
	v3 =	vmovc v13;
	[tilespmem:v6+s11+$0x0] =	vst.idx.add.f32.msk vm0, v9;
	v6 =	vmin.u32 v10, $0xFF  }
0x3ad: {  	v13 =	vadd.s32 $0xB5000000, v18;
	v18 =	vcvt.s32.f32 v15;
	v10 =	vadd.s32 $0xB5000000, v22;
	_, v11, vm0 =	vpop (xrf1);
	[tilespmem:v1+s11+$0x0] =	vst.idx.add.f32.msk vm4, v17  }
.Ltmp23:
0x3ae: {  	v23 =	vadd.f32 $8.388608000e+06, v23;
	v15 =	vmul.f32 $2.550000000e+02, v19;
	v22 =	vmul.f32 $2.550000000e+02, v24;
	v1 =	vmovc v16;
	(xrf1) =	vunique.msk.u32 $0xffff, v6;
	(pc) =	sbr.rel @p0 .LBB2_48-.Ltmp23, $4  }
0x3af: {  	vm3 =	vgt.s32 v14, $0x0;
	vm1 =	vgt.s32 v10, $0x0;
	v17 =	vmul.f32 $2.550000000e+02, v20;
	v9 =	vmovc v28;
	(xrf1) =	vunique.msk.u32 $0xffff, v1  }
0x3b0: {  	v19 =	vadd.s32 $0xB5000000, v21;
	v15 =	vadd.f32 $8.388608000e+06, v15;
	v16 =	vnsel vm3, $0x0, v14;
	[tilespmem:v8+s11+$0x0] =	vst.idx.add.f32.msk vm2, v18  }
0x3b1: {  	v14 =	vadd.f32 $8.388608000e+06, v22;
	vm2 =	vgt.s32 v19, $0x0;
	v8 =	vmin.u32 v16, $0xFF  }
0x3b2: {  	s13 =	sadd.s32 $0x400, s13;
	v16 =	vnsel vm1, $0x0, v10;
	v10 =	vadd.s32 $0xB5000000, v23;
	v18 =	vnsel vm2, $0x0, v19;
	(xrf1) =	vunique.msk.u32 $0xffff, v8  }
0x3b3: {  	v4 =	vmul.f32 $2.550000000e+02, v12  }
0x3b4: {  	v57 =	vadd.f32 $8.388608000e+06, v17;
	v58 =	vmin.u32 v18, $0xFF;
	vm1 =	vgt.s32 v13, $0x0  }
0x3b5: {  	v15 =	vadd.s32 $0xB5000000, v15;
	v13 =	vnsel vm1, $0x0, v13;
	v4 =	vadd.f32 $8.388608000e+06, v4  }
0x3b6: {  	vm12 =	vgt.s32 v15, $0x0;
	v13 =	vmin.u32 v13, $0xFF;
	v12 =	vadd.s32 $0xB5000000, v57  }
0x3b7: {  	(xrf1) =	vunique.msk.u32 $0xffff, v58;
	v15 =	vnsel vm12, $0x0, v15;
	vm13 =	vgt.s32 v12, $0x0;
	v4 =	vadd.s32 $0xB5000000, v4  }
0x3b8: {  	v15 =	vmin.u32 v15, $0xFF;
	(xrf1) =	vunique.msk.u32 $0xffff, v13;
	v12 =	vnsel vm13, $0x0, v12;
	vm2 =	vgt.s32 v4, $0x0  }
0x3b9: {  	(xrf1) =	vunique.msk.u32 $0xffff, v15;
	v12 =	vmin.u32 v12, $0xFF;
	v4 =	vnsel vm2, $0x0, v4  }
0x3ba: {  	(xrf1) =	vunique.msk.u32 $0xffff, v12;
	v4 =	vmin.u32 v4, $0xFF  }
0x3bb: {  	vm14 =	vgt.s32 v10, $0x0;
	(xrf1) =	vunique.msk.u32 $0xffff, v4  }
0x3bc: {  	v10 =	vnsel vm14, $0x0, v10  }
0x3bd: {  	v14 =	vadd.s32 $0xB5000000, v14;
	v10 =	vmin.u32 v10, $0xFF  }
0x3be: {  	_, v59, vm15 =	vpop (xrf1);
	vm11 =	vgt.s32 v14, $0x0;
	(xrf1) =	vunique.msk.u32 $0xffff, v10  }
0x3bf: {  	v16 =	vmin.u32 v16, $0xFF;
	_, v19, vm3 =	vpop (xrf1);
	v14 =	vnsel vm11, $0x0, v14  }
0x3c0: {  	_, v20, vm12 =	vpop (xrf1);
	v14 =	vmin.u32 v14, $0xFF;
	(xrf1) =	vunique.msk.u32 $0xffff, v16  }
0x3c1: {  	v11 =	vcvt.s32.f32 v11;
	_, v21, vm4 =	vpop (xrf1);
	(xrf1) =	vunique.msk.u32 $0xffff, v14  }
0x3c2: {  	_, v22, vm5 =	vpop (xrf1)  }
0x3c3: {  	[tilespmem:v2+s11+$0x0] =	vst.idx.add.f32.msk vm0, v11;
	v2 =	vcvt.s32.f32 v19;
	_, v23, vm6 =	vpop (xrf1)  }
0x3c4: {  	_, v24, vm7 =	vpop (xrf1)  }
0x3c5: {  	[tilespmem:v5+s11+$0x0] =	vst.idx.add.f32.msk vm3, v2;
	v2 =	vcvt.s32.f32 v59;
	_, v25, vm8 =	vpop (xrf1)  }
0x3c6: {  	v60 =	vcvt.s32.f32 v20;
	_, v11, vm0 =	vpop (xrf1)  }
0x3c7: {  	[tilespmem:v3+s11+$0x0] =	vst.idx.add.f32.msk vm15, v2;
	v2 =	vcvt.s32.f32 v23;
	v3 =	vcvt.s32.f32 v24;
	_, v61, vm13 =	vpop (xrf1)  }
0x3c8: {  	[tilespmem:v9+s11+$0x0] =	vst.idx.add.f32.msk vm12, v60;
	_, v5, vm3 =	vpop (xrf1)  }
0x3c9: {  	v21 =	vcvt.s32.f32 v21;
	[tilespmem:v1+s11+$0x0] =	vst.idx.add.f32.msk vm6, v2;
	v1 =	vcvt.s32.f32 v25;
	_, v9, vm2 =	vpop (xrf1)  }
0x3ca: {  	v2 =	vcvt.s32.f32 v9  }
0x3cb: {  	[tilespmem:v7+s11+$0x0] =	vst.idx.add.f32.msk vm4, v21;
	v62 =	vcvt.s32.f32 v22  }
0x3cc: {  	[tilespmem:v8+s11+$0x0] =	vst.idx.add.f32.msk vm7, v3;
	_, v3, vm14 =	vpop (xrf1)  }
0x3cd: {  	[tilespmem:v6+s11+$0x0] =	vst.idx.add.f32.msk vm5, v62  }
0x3ce: {  	v63 =	vcvt.s32.f32 v61;
	[tilespmem:v58+s11+$0x0] =	vst.idx.add.f32.msk vm8, v1;
	_, v1, vm15 =	vpop (xrf1)  }
0x3cf: {  	v5 =	vcvt.s32.f32 v5;
	[tilespmem:v4+s11+$0x0] =	vst.idx.add.f32.msk vm2, v2;
	_, v2, vm2 =	vpop (xrf1)  }
0x3d0: {  	[tilespmem:v15+s11+$0x0] =	vst.idx.add.f32.msk vm13, v63;
	v3 =	vcvt.s32.f32 v3  }
0x3d1: {  	[tilespmem:v12+s11+$0x0] =	vst.idx.add.f32.msk vm3, v5;
	v4 =	vcvt.s32.f32 v11  }
0x3d2: {  	v1 =	vcvt.s32.f32 v1;
	[tilespmem:v10+s11+$0x0] =	vst.idx.add.f32.msk vm14, v3  }
0x3d3: {  	v2 =	vcvt.s32.f32 v2;
	[tilespmem:v13+s11+$0x0] =	vst.idx.add.f32.msk vm0, v4  }
0x3d4: {  	s12 =	simm.s32 $0x0;
	[tilespmem:v16+s11+$0x0] =	vst.idx.add.f32.msk vm15, v1  }
0x3d5: {  	p0 =	por $0x0, $0x0;
	s13 =	simm.s32 $0x1;
	s14 =	sand.u32 $0xC0, s12;
	[tilespmem:v14+s11+$0x0] =	vst.idx.add.f32.msk vm2, v2  }
0x3d6: {  	s13 =	simm.s32 @!p0 $0x0;
	v3 =	vld [tilespmem:s14+$0x4030]  }
0x3d7: {  	s13 =	sshll.u32 s13, $0x6  }
0x3d8: {  	s15 =	sadd.s32 $0x0, s13;
	v2 =	vld [tilespmem:s14+$0x4010]  }
0x3d9: {  	s16 =	sadd.s32 $0x30, s15  }
0x3da: {  	s19 =	sor.u32 s12, s12;
	s17 =	sadd.s32 $0x10, s15;
	s16 =	sor.u32 $0x280, s16;
	v1 =	vld [tilespmem:s14+$0x4020]  }
0x3db: {  	s13 =	simm.s32 $0x0;
	s15 =	sadd.s32 $0x20, s15;
	s18 =	sor.u32 $0x280, s17;
	[tilespmem:s16+$0x4100] =	vst v3  }
0x3dc: {  	s17 =	sor.u32 $0x280, s15;
	s15 =	sor.u32 $0x280, s19;
	v3 =	vld [tilespmem:s11+$0x0];
	s16 =	simm.s32 $0x40;
	[tilespmem:s14+$0x4030] =	vst v0  }
.LBB2_50:
0x3dd: {  	s19 =	sand.u32 $0xC0, s16;
	[tilespmem:s18+$0x4100] =	vst v2;
	p0 =	por !p0, !p0;
	s18 =	simm.s32 $0x1  }
0x3de: {  	s13 =	sadd.s32 $0x4, s13;
	s18 =	simm.s32 @!p0 $0x0;
	v4 =	vld [tilespmem:s19+$0x4030];
	[tilespmem:s14+$0x4010] =	vst v0  }
0x3df: {  	s12 =	sadd.s32 $0x200, s12;
	p1 =	slt.u32 s13, $0xC;
	s18 =	sshll.u32 s18, $0x6;
	v2 =	vld [tilespmem:s19+$0x4010];
	[tilespmem:s17+$0x4100] =	vst v1  }
.Ltmp24:
0x3e0: {  	s20 =	sor.u32 s16, s12;
	s17 =	sadd.s32 s18, s12;
	v1 =	vld [tilespmem:s19+$0x4020];
	[tilespmem:s14+$0x4020] =	vst v0;
	(pc) =	sbr.rel @p1 .LBB2_50-.Ltmp24, $4  }
0x3e1: {  	s14 =	sadd.s32 $0x10, s17;
	s21 =	sadd.s32 $0x20, s17;
	s22 =	sadd.s32 $0x30, s17;
	[tilespmem:s15+$0x4100] =	vst v3  }
0x3e2: {  	s18 =	sor.u32 $0x280, s14;
	s17 =	sor.u32 $0x280, s21;
	s14 =	sor.u32 $0x280, s22;
	[tilespmem:s11+$0x0] =	vst v0  }
0x3e3: {  	s15 =	sor.u32 $0x280, s20;
	s11 =	sadd.s32 $0x40, s11;
	[tilespmem:s14+$0x4100] =	vst v4;
	s14 =	smov.u32 s19  }
0x3e4: {  	s16 =	sadd.s32 $0x40, s16;
	v3 =	vld [tilespmem:s11+$0x0];
	[tilespmem:s14+$0x4030] =	vst v0  }
0x3e5: {  	[tilespmem:s18+$0x4100] =	vst v2  }
0x3e6: {  	[tilespmem:s17+$0x4100] =	vst v1  }
0x3e7: {  	[tilespmem:s14+$0x4010] =	vst v0  }
0x3e8: {  	[tilespmem:s14+$0x4020] =	vst v0  }
0x3e9: {  	[tilespmem:s15+$0x4100] =	vst v3  }
0x3ea: {  	[tilespmem:s11+$0x0] =	vst v0  }
0x3eb: {  	s12 =	simm.s32 $0x700;
	v3 =	vld [tilespmem:$0x300]  }
0x3ec: {  	v4 =	vld [tilespmem:s12+$0xFFFFFC10]  }
0x3ed: {  	v5 =	vld [tilespmem:s12+$0xFFFFFC20]  }
0x3ee: {  	v6 =	vld [tilespmem:s12+$0xFFFFFC30]  }
0x3ef: {  	v2 =	vld [tilespmem:s12+$0xFFFFFC40]  }
0x3f0: {  	v1 =	vld [tilespmem:s12+$0xFFFFFC50]  }
0x3f1: {  	v4 =	vmax.f32 v3, v4;
	v3 =	vld [tilespmem:s12+$0xFFFFFC60]  }
0x3f2: {  	v5 =	vmax.f32 v4, v5;
	v4 =	vld [tilespmem:s12+$0xFFFFFC70]  }
0x3f3: {  	s11 =	simm.s32 $0x1;
	v6 =	vmax.f32 v5, v6;
	v5 =	vld [tilespmem:s12+$0x0];
	s12 =	simm.s32 $0xB00  }
.LBB2_52:
0x3f4: {  	v7 =	vld [tilespmem:s12+$0xFFFFFC10];
	s11 =	sadd.s32 $0x8, s11;
	v2 =	vmax.f32 v6, v2  }
0x3f5: {  	v6 =	vld [tilespmem:s12+$0xFFFFFC20];
	p0 =	slt.u32 s11, $0x71;
	v1 =	vmax.f32 v2, v1  }
0x3f6: {  	v8 =	vld [tilespmem:s12+$0xFFFFFC30];
	v1 =	vmax.f32 v1, v3  }
.Ltmp25:
0x3f7: {  	v2 =	vld [tilespmem:s12+$0xFFFFFC40];
	v3 =	vmax.f32 v1, v4;
	(pc) =	sbr.rel @p0 .LBB2_52-.Ltmp25, $4  }
0x3f8: {  	s13 =	simm.s32 $0x310;
	v1 =	vld [tilespmem:s12+$0xFFFFFC50];
	v3 =	vmax.f32 v3, v5  }
0x3f9: {  	v4 =	vmax.f32 v3, v7;
	v3 =	vld [tilespmem:s12+$0xFFFFFC60]  }
0x3fa: {  	v5 =	vmax.f32 v4, v6;
	v4 =	vld [tilespmem:s12+$0xFFFFFC70]  }
0x3fb: {  	v6 =	vmax.f32 v5, v8;
	v5 =	vld [tilespmem:s12+$0x0];
	s12 =	sadd.s32 $0x400, s12  }
0x3fc: {  	v2 =	vmax.f32 v6, v2  }
0x3fd: {  	v1 =	vmax.f32 v2, v1  }
0x3fe: {  	v1 =	vmax.f32 v1, v3  }
0x3ff: {  	v1 =	vmax.f32 v1, v4  }
0x400: {  	s11 =	simm.s32 $0x3C80;
	v1 =	vmax.f32 v1, v5  }
.LBB2_54:
0x401: {  	s12 =	sand.u32 $0x3FFFFC00, s11  }
0x402: {  	s12 =	sadd.s32 s12, s13  }
0x403: {  	p0 =	sne.s32 s11, $0x3F80;
	v2 =	vld [tilespmem:s12+$0x0]  }
.Ltmp26:
0x404: {  	_ = 	snop;
	(pc) =	sbr.rel @p0 .LBB2_54-.Ltmp26, $2  }
0x405: {  	_ =	sdelay $0x2  }
0x406: {  	s11 =	sadd.s32 $0x80, s11;
	s13 =	sadd.s32 $0x10, s13;
	v1 =	vmax.f32 v1, v2  }
0x407: {  	(xrf0) =	vmax.scan.msk.f32 $0xffff, v1;
	_ =	sdelay $0x5  }
0x408: {  	v1, _, _ =	vpop (xrf0)  }
0x409: {  	v1 =	vbroadcast v1, $0xF;
	_ =	sdelay $0x1  }
0x40a: {  	s11 =	simm.s32 $0x370;
	(erf) = vrcp.f32 v1  }
0x40b: {  	v2 =	vld [tilespmem:s11+$0xFFFFFF90]  }
0x40c: {  	v3 =	vld [tilespmem:s11+$0xFFFFFFD0]  }
0x40d: {  	v5 =	vld [tilespmem:s11+$0xFFFFFFE0]  }
0x40e: {  	v6 =	vld [tilespmem:s11+$0x0]  }
0x40f: {  	v1 =	vld [tilespmem:s11+$0xFFFFFFA0]  }
0x410: {  	v7 =	vld [tilespmem:s11+$0xFFFFFFC0]  }
0x411: {  	v8 =	vld [tilespmem:s11+$0xFFFFFFF0]  }
0x412: {  	s25 =	simm.s32 $0x770;
	v9 =	vld [tilespmem:s11+$0xFFFFFFB0]  }
0x413: {  	v13 =	vld [tilespmem:s25+$0xFFFFFFA0];
	v4 =	vpop (erf)  }
0x414: {  	v2 =	vmul.f32 v2, v4;
	v1 =	vmul.f32 v1, v4  }
0x415: {  	v3 =	vmul.f32 v3, v4;
	v5 =	vmul.f32 v5, v4  }
0x416: {  	v6 =	vmul.f32 v6, v4;
	v7 =	vmul.f32 v7, v4  }
0x417: {  	v8 =	vmul.f32 v8, v4;
	v9 =	vmul.f32 v9, v4  }
0x418: {  	v13 =	vmul.f32 v13, v4;
	v2 =	vmul.f32 $2.550000000e+02, v2  }
0x419: {  	v1 =	vmul.f32 $2.550000000e+02, v1;
	v3 =	vmul.f32 $2.550000000e+02, v3  }
0x41a: {  	v5 =	vmul.f32 $2.550000000e+02, v5;
	v6 =	vmul.f32 $2.550000000e+02, v6;
	v2 =	vadd.f32 $8.388608000e+06, v2  }
0x41b: {  	v13 =	vmul.f32 $2.550000000e+02, v13;
	v1 =	vadd.f32 $8.388608000e+06, v1;
	v3 =	vadd.f32 $8.388608000e+06, v3  }
0x41c: {  	v5 =	vadd.f32 $8.388608000e+06, v5;
	v6 =	vadd.f32 $8.388608000e+06, v6;
	v2 =	vadd.s32 $0xB5000000, v2  }
0x41d: {  	v10 =	vadd.s32 $0xB5000000, v1;
	v1 =	vmul.f32 $2.550000000e+02, v7;
	v3 =	vadd.s32 $0xB5000000, v3  }
0x41e: {  	v7 =	vmul.f32 $2.550000000e+02, v9;
	v12 =	vadd.s32 $0xB5000000, v5;
	v6 =	vadd.s32 $0xB5000000, v6  }
0x41f: {  	vm0 =	vgt.s32 v2, $0x0;
	vm1 =	vgt.s32 v3, $0x0;
	v9 =	vadd.f32 $8.388608000e+06, v1  }
0x420: {  	v1 =	vnsel vm0, $0x0, v2;
	v2 =	vnsel vm1, $0x0, v3;
	v3 =	vmul.f32 $2.550000000e+02, v8  }
0x421: {  	v11 =	vld [tilespmem:s25+$0x0];
	v5 =	vadd.f32 $8.388608000e+06, v7;
	vm0 =	vgt.s32 v10, $0x0;
	v2 =	vmin.u32 v2, $0xFF  }
0x422: {  	v7 =	vld [tilespmem:s25+$0xFFFFFF90];
	v10 =	vnsel vm0, $0x0, v10;
	vm0 =	vgt.s32 v6, $0x0;
	v14 =	vadd.f32 $8.388608000e+06, v3  }
0x423: {  	v15 =	vld [tilespmem:s25+$0xFFFFFFC0];
	v16 =	vadd.s32 $0xB5000000, v9;
	v3 =	vmin.u32 v10, $0xFF;
	(xrf1) =	vunique.msk.u32 $0xffff, v2;
	v9 =	vadd.s32 $0xB5000000, v5  }
0x424: {  	v8 =	vld [tilespmem:s25+$0xFFFFFFD0];
	v5 =	vnsel vm0, $0x0, v6;
	vm0 =	vgt.s32 v9, $0x0;
	v14 =	vadd.s32 $0xB5000000, v14  }
0x425: {  	v18 =	vld [tilespmem:s25+$0xFFFFFFF0];
	v5 =	vmin.u32 v5, $0xFF;
	(xrf1) =	vunique.msk.u32 $0xffff, v3;
	v9 =	vnsel vm0, $0x0, v9;
	vm1 =	vgt.s32 v14, $0x0  }
0x426: {  	v11 =	vmul.f32 v11, v4;
	v10 =	vld [tilespmem:s25+$0xFFFFFFE0];
	(xrf1) =	vunique.msk.u32 $0xffff, v5;
	v9 =	vmin.u32 v9, $0xFF;
	v14 =	vnsel vm1, $0x0, v14  }
0x427: {  	v13 =	vadd.f32 $8.388608000e+06, v13;
	v6 =	vld [tilespmem:s25+$0xFFFFFFB0];
	v17 =	vmul.f32 v7, v4;
	(xrf1) =	vunique.msk.u32 $0xffff, v9;
	v7 =	vmin.u32 v14, $0xFF  }
0x428: {  	v15 =	vmul.f32 v15, v4;
	(xrf1) =	vunique.msk.u32 $0xffff, v7  }
0x429: {  	v11 =	vmul.f32 $2.550000000e+02, v11;
	v13 =	vadd.s32 $0xB5000000, v13;
	v8 =	vmul.f32 v8, v4  }
0x42a: {  	v1 =	vmin.u32 v1, $0xFF;
	vm0 =	vgt.s32 v12, $0x0;
	v14 =	vmul.f32 $2.550000000e+02, v17  }
0x42b: {  	v10 =	vmul.f32 v10, v4;
	v8 =	vmul.f32 $2.550000000e+02, v8;
	v17 =	vnsel vm0, $0x0, v12  }
0x42c: {  	v12 =	vmul.f32 v18, v4;
	v18 =	vmul.f32 v6, v4;
	v14 =	vadd.f32 $8.388608000e+06, v14  }
0x42d: {  	v6 =	vmin.u32 v17, $0xFF;
	v10 =	vmul.f32 $2.550000000e+02, v10;
	v8 =	vadd.f32 $8.388608000e+06, v8  }
0x42e: {  	vm0 =	vgt.s32 v16, $0x0;
	v17 =	vmul.f32 $2.550000000e+02, v18;
	(xrf1) =	vunique.msk.u32 $0xffff, v6;
	v19 =	vadd.s32 $0xB5000000, v14  }
0x42f: {  	(xrf1) =	vunique.msk.u32 $0xffff, v1;
	v14 =	vmul.f32 $2.550000000e+02, v15;
	v10 =	vadd.f32 $8.388608000e+06, v10;
	v18 =	vadd.s32 $0xB5000000, v8  }
0x430: {  	v15 =	vadd.f32 $8.388608000e+06, v11;
	v8 =	vnsel vm0, $0x0, v16;
	vm1 =	vgt.s32 v19, $0x0  }
0x431: {  	vm2 =	vgt.s32 v18, $0x0;
	v8 =	vmin.u32 v8, $0xFF;
	v14 =	vadd.f32 $8.388608000e+06, v14;
	_, v11, vm0 =	vpop (xrf1)  }
0x432: {  	s12 =	simm.s32 $0x8;
	s13 =	simm.s32 $0xB70;
	v16 =	vnsel vm1, $0x0, v19;
	v18 =	vnsel vm2, $0x0, v18;
	v10 =	vadd.s32 $0xB5000000, v10;
	(xrf1) =	vunique.msk.u32 $0xffff, v8  }
.LBB2_56:
0x433: {  	v19 =	vld [tilespmem:s13+$0x0];
	s12 =	sadd.s32 $0x8, s12;
	v16 =	vmin.u32 v16, $0xFF;
	v17 =	vadd.f32 $8.388608000e+06, v17;
	_, v20, vm1 =	vpop (xrf1)  }
0x434: {  	v18 =	vmin.u32 v18, $0xFF;
	v12 =	vmul.f32 $2.550000000e+02, v12;
	v11 =	vcvt.s32.f32 v11;
	v21 =	vld [tilespmem:s13+$0xFFFFFFA0];
	p0 =	slt.u32 s12, $0x78;
	_, v22, vm2 =	vpop (xrf1)  }
0x435: {  	vm4 =	vgt.s32 v13, $0x0;
	v14 =	vadd.s32 $0xB5000000, v14;
	v23 =	vld [tilespmem:s13+$0xFFFFFF90];
	(xrf1) =	vunique.msk.u32 $0xffff, v18;
	v22 =	vcvt.s32.f32 v22;
	_, v24, vm3 =	vpop (xrf1)  }
0x436: {  	v15 =	vadd.s32 $0xB5000000, v15;
	s11 =	simm.s32 $0x4000;
	v13 =	vnsel vm4, $0x0, v13;
	v12 =	vadd.f32 $8.388608000e+06, v12;
	v25 =	vld [tilespmem:s13+$0xFFFFFFD0];
	_, v26, vm4 =	vpop (xrf1)  }
0x437: {  	vm5 =	vgt.s32 v15, $0x0;
	v13 =	vmin.u32 v13, $0xFF;
	v24 =	vcvt.s32.f32 v24;
	[tilespmem:v2+s11+$0x0] =	vst.idx.add.f32.msk vm0, v11;
	v2 =	vmovc v18  }
0x438: {  	v17 =	vadd.s32 $0xB5000000, v17;
	v15 =	vnsel vm5, $0x0, v15;
	v12 =	vadd.s32 $0xB5000000, v12;
	v11 =	vld [tilespmem:s13+$0xFFFFFFE0]  }
0x439: {  	v15 =	vmin.u32 v15, $0xFF;
	vm0 =	vgt.s32 v17, $0x0;
	vm5 =	vgt.s32 v12, $0x0  }
0x43a: {  	v17 =	vnsel vm0, $0x0, v17;
	v18 =	vmul.f32 v21, v4;
	v12 =	vnsel vm5, $0x0, v12;
	v21 =	vld [tilespmem:s13+$0xFFFFFFB0]  }
0x43b: {  	v19 =	vmul.f32 v19, v4;
	v28 =	vmin.u32 v17, $0xFF;
	v17 =	vcvt.s32.f32 v26;
	v27 =	vld [tilespmem:s13+$0xFFFFFFC0];
	(xrf1) =	vunique.msk.u32 $0xffff, v13  }
0x43c: {  	v23 =	vmul.f32 v23, v4;
	v12 =	vmin.u32 v12, $0xFF;
	v25 =	vmul.f32 v25, v4;
	v26 =	vld [tilespmem:s13+$0xFFFFFFF0];
	(xrf1) =	vunique.msk.u32 $0xffff, v15;
	_, v29, vm0 =	vpop (xrf1)  }
0x43d: {  	v18 =	vmul.f32 $2.550000000e+02, v18;
	v11 =	vmul.f32 v11, v4;
	(xrf1) =	vunique.msk.u32 $0xffff, v28;
	[tilespmem:v7+s11+$0x0] =	vst.idx.add.f32.msk vm4, v17;
	_, v7, vm4 =	vpop (xrf1)  }
0x43e: {  	v20 =	vcvt.s32.f32 v20;
	vm5 =	vgt.s32 v10, $0x0;
	(xrf1) =	vunique.msk.u32 $0xffff, v12;
	v17 =	vcvt.s32.f32 v7;
	v7 =	vmovc v12  }
0x43f: {  	v18 =	vadd.f32 $8.388608000e+06, v18;
	v12 =	vmul.f32 $2.550000000e+02, v23;
	v23 =	vmul.f32 $2.550000000e+02, v11;
	[tilespmem:v5+s11+$0x0] =	vst.idx.add.f32.msk vm2, v22;
	v5 =	vmovc v15  }
0x440: {  	v10 =	vnsel vm5, $0x0, v10;
	v25 =	vmul.f32 $2.550000000e+02, v25;
	[tilespmem:v9+s11+$0x0] =	vst.idx.add.f32.msk vm3, v24;
	v9 =	vcvt.s32.f32 v29;
	_, v15, vm2 =	vpop (xrf1)  }
0x441: {  	v22 =	vadd.f32 $8.388608000e+06, v12;
	v24 =	vmul.f32 v27, v4;
	v12 =	vmul.f32 v26, v4;
	[tilespmem:v3+s11+$0x0] =	vst.idx.add.f32.msk vm1, v20  }
0x442: {  	v20 =	vmul.f32 v21, v4;
	v21 =	vadd.f32 $8.388608000e+06, v25;
	v3 =	vmovc v13;
	[tilespmem:v6+s11+$0x0] =	vst.idx.add.f32.msk vm0, v9;
	v6 =	vmin.u32 v10, $0xFF  }
0x443: {  	v13 =	vadd.s32 $0xB5000000, v18;
	v18 =	vcvt.s32.f32 v15;
	v10 =	vadd.s32 $0xB5000000, v22;
	_, v11, vm0 =	vpop (xrf1);
	[tilespmem:v1+s11+$0x0] =	vst.idx.add.f32.msk vm4, v17  }
.Ltmp27:
0x444: {  	v23 =	vadd.f32 $8.388608000e+06, v23;
	v15 =	vmul.f32 $2.550000000e+02, v19;
	v22 =	vmul.f32 $2.550000000e+02, v24;
	v1 =	vmovc v16;
	(xrf1) =	vunique.msk.u32 $0xffff, v6;
	(pc) =	sbr.rel @p0 .LBB2_56-.Ltmp27, $4  }
0x445: {  	vm3 =	vgt.s32 v14, $0x0;
	vm1 =	vgt.s32 v10, $0x0;
	v17 =	vmul.f32 $2.550000000e+02, v20;
	v9 =	vmovc v28;
	(xrf1) =	vunique.msk.u32 $0xffff, v1  }
0x446: {  	v19 =	vadd.s32 $0xB5000000, v21;
	v15 =	vadd.f32 $8.388608000e+06, v15;
	v16 =	vnsel vm3, $0x0, v14;
	[tilespmem:v8+s11+$0x0] =	vst.idx.add.f32.msk vm2, v18  }
0x447: {  	v14 =	vadd.f32 $8.388608000e+06, v22;
	vm2 =	vgt.s32 v19, $0x0;
	v8 =	vmin.u32 v16, $0xFF  }
0x448: {  	s13 =	sadd.s32 $0x400, s13;
	v16 =	vnsel vm1, $0x0, v10;
	v10 =	vadd.s32 $0xB5000000, v23;
	v18 =	vnsel vm2, $0x0, v19;
	(xrf1) =	vunique.msk.u32 $0xffff, v8  }
0x449: {  	v4 =	vmul.f32 $2.550000000e+02, v12  }
0x44a: {  	v57 =	vadd.f32 $8.388608000e+06, v17;
	v58 =	vmin.u32 v18, $0xFF;
	vm1 =	vgt.s32 v13, $0x0  }
0x44b: {  	v15 =	vadd.s32 $0xB5000000, v15;
	v13 =	vnsel vm1, $0x0, v13;
	v4 =	vadd.f32 $8.388608000e+06, v4  }
0x44c: {  	vm12 =	vgt.s32 v15, $0x0;
	v13 =	vmin.u32 v13, $0xFF;
	v12 =	vadd.s32 $0xB5000000, v57  }
0x44d: {  	(xrf1) =	vunique.msk.u32 $0xffff, v58;
	v15 =	vnsel vm12, $0x0, v15;
	vm13 =	vgt.s32 v12, $0x0;
	v4 =	vadd.s32 $0xB5000000, v4  }
0x44e: {  	v15 =	vmin.u32 v15, $0xFF;
	(xrf1) =	vunique.msk.u32 $0xffff, v13;
	v12 =	vnsel vm13, $0x0, v12;
	vm2 =	vgt.s32 v4, $0x0  }
0x44f: {  	(xrf1) =	vunique.msk.u32 $0xffff, v15;
	v12 =	vmin.u32 v12, $0xFF;
	v4 =	vnsel vm2, $0x0, v4  }
0x450: {  	(xrf1) =	vunique.msk.u32 $0xffff, v12;
	v4 =	vmin.u32 v4, $0xFF  }
0x451: {  	vm14 =	vgt.s32 v10, $0x0;
	(xrf1) =	vunique.msk.u32 $0xffff, v4  }
0x452: {  	v10 =	vnsel vm14, $0x0, v10  }
0x453: {  	v14 =	vadd.s32 $0xB5000000, v14;
	v10 =	vmin.u32 v10, $0xFF  }
0x454: {  	_, v59, vm15 =	vpop (xrf1);
	vm11 =	vgt.s32 v14, $0x0;
	(xrf1) =	vunique.msk.u32 $0xffff, v10  }
0x455: {  	v16 =	vmin.u32 v16, $0xFF;
	_, v19, vm3 =	vpop (xrf1);
	v14 =	vnsel vm11, $0x0, v14  }
0x456: {  	_, v20, vm12 =	vpop (xrf1);
	v14 =	vmin.u32 v14, $0xFF;
	(xrf1) =	vunique.msk.u32 $0xffff, v16  }
0x457: {  	v11 =	vcvt.s32.f32 v11;
	_, v21, vm4 =	vpop (xrf1);
	(xrf1) =	vunique.msk.u32 $0xffff, v14  }
0x458: {  	_, v22, vm5 =	vpop (xrf1)  }
0x459: {  	[tilespmem:v2+s11+$0x0] =	vst.idx.add.f32.msk vm0, v11;
	v2 =	vcvt.s32.f32 v19;
	_, v23, vm6 =	vpop (xrf1)  }
0x45a: {  	_, v24, vm7 =	vpop (xrf1)  }
0x45b: {  	[tilespmem:v5+s11+$0x0] =	vst.idx.add.f32.msk vm3, v2;
	v2 =	vcvt.s32.f32 v59;
	_, v25, vm8 =	vpop (xrf1)  }
0x45c: {  	v60 =	vcvt.s32.f32 v20;
	_, v11, vm0 =	vpop (xrf1)  }
0x45d: {  	[tilespmem:v3+s11+$0x0] =	vst.idx.add.f32.msk vm15, v2;
	v2 =	vcvt.s32.f32 v23;
	v3 =	vcvt.s32.f32 v24;
	_, v61, vm13 =	vpop (xrf1)  }
0x45e: {  	[tilespmem:v9+s11+$0x0] =	vst.idx.add.f32.msk vm12, v60;
	_, v5, vm3 =	vpop (xrf1)  }
0x45f: {  	v21 =	vcvt.s32.f32 v21;
	[tilespmem:v1+s11+$0x0] =	vst.idx.add.f32.msk vm6, v2;
	v1 =	vcvt.s32.f32 v25;
	_, v9, vm2 =	vpop (xrf1)  }
0x460: {  	v2 =	vcvt.s32.f32 v9  }
0x461: {  	[tilespmem:v7+s11+$0x0] =	vst.idx.add.f32.msk vm4, v21;
	v62 =	vcvt.s32.f32 v22  }
0x462: {  	[tilespmem:v8+s11+$0x0] =	vst.idx.add.f32.msk vm7, v3;
	_, v3, vm14 =	vpop (xrf1)  }
0x463: {  	[tilespmem:v6+s11+$0x0] =	vst.idx.add.f32.msk vm5, v62  }
0x464: {  	v63 =	vcvt.s32.f32 v61;
	[tilespmem:v58+s11+$0x0] =	vst.idx.add.f32.msk vm8, v1;
	_, v1, vm15 =	vpop (xrf1)  }
0x465: {  	v5 =	vcvt.s32.f32 v5;
	[tilespmem:v4+s11+$0x0] =	vst.idx.add.f32.msk vm2, v2;
	_, v2, vm2 =	vpop (xrf1)  }
0x466: {  	[tilespmem:v15+s11+$0x0] =	vst.idx.add.f32.msk vm13, v63;
	v3 =	vcvt.s32.f32 v3  }
0x467: {  	[tilespmem:v12+s11+$0x0] =	vst.idx.add.f32.msk vm3, v5;
	v4 =	vcvt.s32.f32 v11  }
0x468: {  	v1 =	vcvt.s32.f32 v1;
	[tilespmem:v10+s11+$0x0] =	vst.idx.add.f32.msk vm14, v3  }
0x469: {  	v2 =	vcvt.s32.f32 v2;
	[tilespmem:v13+s11+$0x0] =	vst.idx.add.f32.msk vm0, v4  }
0x46a: {  	s12 =	simm.s32 $0x0;
	[tilespmem:v16+s11+$0x0] =	vst.idx.add.f32.msk vm15, v1  }
0x46b: {  	p0 =	por $0x0, $0x0;
	s14 =	simm.s32 $0x1;
	s13 =	sand.u32 $0xC0, s12;
	[tilespmem:v14+s11+$0x0] =	vst.idx.add.f32.msk vm2, v2  }
0x46c: {  	s14 =	simm.s32 @!p0 $0x0;
	v3 =	vld [tilespmem:s13+$0x4030]  }
0x46d: {  	s14 =	sshll.u32 s14, $0x6  }
0x46e: {  	s15 =	sadd.s32 $0x0, s14;
	v2 =	vld [tilespmem:s13+$0x4010]  }
0x46f: {  	s14 =	sadd.s32 $0x30, s15  }
0x470: {  	s16 =	sadd.s32 $0x10, s15;
	s17 =	sor.u32 $0x300, s14;
	v1 =	vld [tilespmem:s13+$0x4020]  }
0x471: {  	s19 =	sadd.s32 $0x20, s15;
	s15 =	sor.u32 $0x300, s15;
	s14 =	simm.s32 $0x0;
	[tilespmem:s17+$0x4100] =	vst v3  }
0x472: {  	s18 =	sor.u32 $0x300, s16;
	s16 =	simm.s32 $0x40;
	s17 =	sor.u32 $0x300, s19;
	v3 =	vld [tilespmem:s11+$0x0];
	[tilespmem:s13+$0x4030] =	vst v0  }
.LBB2_58:
0x473: {  	s19 =	sand.u32 $0xC0, s16;
	[tilespmem:s18+$0x4100] =	vst v2;
	p0 =	por !p0, !p0;
	s18 =	simm.s32 $0x1  }
0x474: {  	s14 =	sadd.s32 $0x4, s14;
	s18 =	simm.s32 @!p0 $0x0;
	v4 =	vld [tilespmem:s19+$0x4030];
	[tilespmem:s13+$0x4010] =	vst v0  }
0x475: {  	s12 =	sadd.s32 $0x200, s12;
	p1 =	slt.u32 s14, $0xC;
	s18 =	sshll.u32 s18, $0x6;
	v2 =	vld [tilespmem:s19+$0x4010];
	[tilespmem:s17+$0x4100] =	vst v1  }
.Ltmp28:
0x476: {  	s20 =	sadd.s32 s18, s12;
	v1 =	vld [tilespmem:s19+$0x4020];
	[tilespmem:s13+$0x4020] =	vst v0;
	s13 =	smov.u32 s19;
	(pc) =	sbr.rel @p1 .LBB2_58-.Ltmp28, $4  }
0x477: {  	s17 =	sadd.s32 $0x10, s20;
	s19 =	sadd.s32 $0x20, s20;
	s21 =	sadd.s32 $0x30, s20;
	[tilespmem:s15+$0x4100] =	vst v3  }
0x478: {  	s18 =	sor.u32 $0x300, s17;
	s17 =	sor.u32 $0x300, s19;
	s19 =	sor.u32 $0x300, s21;
	[tilespmem:s11+$0x0] =	vst v0  }
0x479: {  	s15 =	sor.u32 $0x300, s20;
	s11 =	sadd.s32 $0x40, s11;
	[tilespmem:s19+$0x4100] =	vst v4  }
0x47a: {  	s16 =	sadd.s32 $0x40, s16;
	v3 =	vld [tilespmem:s11+$0x0];
	[tilespmem:s13+$0x4030] =	vst v0  }
0x47b: {  	[tilespmem:s18+$0x4100] =	vst v2  }
0x47c: {  	[tilespmem:s17+$0x4100] =	vst v1  }
0x47d: {  	[tilespmem:s13+$0x4010] =	vst v0  }
0x47e: {  	[tilespmem:s13+$0x4020] =	vst v0  }
0x47f: {  	[tilespmem:s15+$0x4100] =	vst v3  }
0x480: {  	s17 =	simm.s32 $0x80;
	[tilespmem:s11+$0x0] =	vst v0  }
0x481: {  	s12 =	simm.s32 $0x120;
	s11 =	sor.u32 $0x390, s17;
	v5 =	vld [tilespmem:$0x380]  }
0x482: {  	s19 =	simm.s32 $0x1B0;
	s18 =	sor.u32 $0x380, s12;
	v6 =	vld [tilespmem:s11+$0x0]  }
0x483: {  	s21 =	simm.s32 $0x240;
	s20 =	sor.u32 $0x380, s19;
	v3 =	vld [tilespmem:s18+$0x0]  }
0x484: {  	s23 =	simm.s32 $0x2D0;
	s22 =	sor.u32 $0x380, s21;
	v1 =	vld [tilespmem:s20+$0x0]  }
0x485: {  	s25 =	simm.s32 $0x360;
	s24 =	sor.u32 $0x380, s23;
	v2 =	vld [tilespmem:s22+$0x0]  }
0x486: {  	s14 =	simm.s32 $0x3F0;
	s13 =	simm.s32 $0x400;
	s12 =	sor.u32 $0x380, s25;
	v4 =	vld [tilespmem:s24+$0x0]  }
0x487: {  	s15 =	sor.u32 $0x380, s14;
	s11 =	simm.s32 $0x1;
	v6 =	vmax.f32 v5, v6;
	v5 =	vld [tilespmem:s12+$0x0];
	s12 =	simm.s32 $0x800  }
.LBB2_60:
0x488: {  	s14 =	sadd.s32 $0xFFFFFC80, s12;
	s11 =	sadd.s32 $0x8, s11;
	v3 =	vmax.f32 v6, v3;
	v6 =	vld [tilespmem:s15+$0x0];
	s13 =	sor.u32 $0x380, s13  }
0x489: {  	s15 =	sadd.s32 $0xFFFFFD20, s12;
	s14 =	sor.u32 $0x390, s14;
	p0 =	slt.u32 s11, $0x71;
	v1 =	vmax.f32 v3, v1;
	v7 =	vld [tilespmem:s13+$0x0]  }
0x48a: {  	s13 =	smov.u32 s12;
	v8 =	vld [tilespmem:s14+$0x0];
	s14 =	sor.u32 $0x380, s15;
	s15 =	sadd.s32 $0xFFFFFDB0, s12;
	v1 =	vmax.f32 v1, v2  }
.Ltmp29:
0x48b: {  	v3 =	vld [tilespmem:s14+$0x0];
	s14 =	sor.u32 $0x380, s15;
	s15 =	sadd.s32 $0xFFFFFE40, s12;
	v2 =	vmax.f32 v1, v4;
	(pc) =	sbr.rel @p0 .LBB2_60-.Ltmp29, $4  }
0x48c: {  	v1 =	vld [tilespmem:s14+$0x0];
	s14 =	sor.u32 $0x380, s15;
	s15 =	sadd.s32 $0xFFFFFED0, s12;
	v4 =	vmax.f32 v2, v5  }
0x48d: {  	s16 =	sadd.s32 $0xFFFFFF60, s12;
	v2 =	vld [tilespmem:s14+$0x0];
	s15 =	sor.u32 $0x380, s15;
	v5 =	vmax.f32 v4, v6;
	s14 =	simm.s32 $0x3C90  }
0x48e: {  	v4 =	vld [tilespmem:s15+$0x0];
	s15 =	sor.u32 $0x380, s16;
	s16 =	sadd.s32 $0xFFFFFFF0, s12;
	v5 =	vmax.f32 v5, v7  }
0x48f: {  	s12 =	sadd.s32 $0x400, s12;
	v6 =	vmax.f32 v5, v8;
	v5 =	vld [tilespmem:s15+$0x0];
	s15 =	sor.u32 $0x380, s16  }
0x490: {  	v3 =	vmax.f32 v6, v3;
	v63 =	vld [tilespmem:s15+$0x0];
	s11 =	sor.u32 $0x380, s13  }
0x491: {  	v1 =	vmax.f32 v3, v1;
	v3 =	vld [tilespmem:s11+$0x0]  }
0x492: {  	v1 =	vmax.f32 v1, v2  }
0x493: {  	v1 =	vmax.f32 v1, v4  }
0x494: {  	v1 =	vmax.f32 v1, v5  }
0x495: {  	v1 =	vmax.f32 v1, v63  }
0x496: {  	s11 =	simm.s32 $0x10;
	v1 =	vmax.f32 v1, v3  }
.LBB2_62:
0x497: {  	s12 =	sor.u32 $0x380, s14  }
0x498: {  	p0 =	sne.s32 s11, $0x70;
	v2 =	vld [tilespmem:s12+$0x0]  }
.Ltmp30:
0x499: {  	_ = 	snop;
	(pc) =	sbr.rel @p0 .LBB2_62-.Ltmp30, $2  }
0x49a: {  	_ =	sdelay $0x2  }
0x49b: {  	s14 =	sadd.s32 $0x90, s14;
	s11 =	sadd.s32 $0x10, s11;
	v1 =	vmax.f32 v1, v2  }
0x49c: {  	(xrf0) =	vmax.scan.msk.f32 $0xffff, v1;
	_ =	sdelay $0x5  }
0x49d: {  	v1, _, _ =	vpop (xrf0)  }
0x49e: {  	v1 =	vbroadcast v1, $0xF;
	_ =	sdelay $0x1  }
0x49f: {  	s11 =	simm.s32 $0x3F0;
	(erf) = vrcp.f32 v1  }
0x4a0: {  	v2 =	vld [tilespmem:s11+$0xFFFFFF90]  }
0x4a1: {  	v3 =	vld [tilespmem:s11+$0xFFFFFFD0]  }
0x4a2: {  	v5 =	vld [tilespmem:s11+$0xFFFFFFE0]  }
0x4a3: {  	v6 =	vld [tilespmem:s11+$0x0]  }
0x4a4: {  	v1 =	vld [tilespmem:s11+$0xFFFFFFA0]  }
0x4a5: {  	v7 =	vld [tilespmem:s11+$0xFFFFFFC0]  }
0x4a6: {  	v8 =	vld [tilespmem:s11+$0xFFFFFFF0]  }
0x4a7: {  	s25 =	simm.s32 $0x7F0;
	v9 =	vld [tilespmem:s11+$0xFFFFFFB0]  }
0x4a8: {  	v13 =	vld [tilespmem:s25+$0xFFFFFFA0];
	v4 =	vpop (erf)  }
0x4a9: {  	v2 =	vmul.f32 v2, v4;
	v1 =	vmul.f32 v1, v4  }
0x4aa: {  	v3 =	vmul.f32 v3, v4;
	v5 =	vmul.f32 v5, v4  }
0x4ab: {  	v6 =	vmul.f32 v6, v4;
	v7 =	vmul.f32 v7, v4  }
0x4ac: {  	v8 =	vmul.f32 v8, v4;
	v9 =	vmul.f32 v9, v4  }
0x4ad: {  	v13 =	vmul.f32 v13, v4;
	v2 =	vmul.f32 $2.550000000e+02, v2  }
0x4ae: {  	v1 =	vmul.f32 $2.550000000e+02, v1;
	v3 =	vmul.f32 $2.550000000e+02, v3  }
0x4af: {  	v5 =	vmul.f32 $2.550000000e+02, v5;
	v6 =	vmul.f32 $2.550000000e+02, v6;
	v2 =	vadd.f32 $8.388608000e+06, v2  }
0x4b0: {  	v13 =	vmul.f32 $2.550000000e+02, v13;
	v1 =	vadd.f32 $8.388608000e+06, v1;
	v3 =	vadd.f32 $8.388608000e+06, v3  }
0x4b1: {  	v5 =	vadd.f32 $8.388608000e+06, v5;
	v6 =	vadd.f32 $8.388608000e+06, v6;
	v2 =	vadd.s32 $0xB5000000, v2  }
0x4b2: {  	v10 =	vadd.s32 $0xB5000000, v1;
	v1 =	vmul.f32 $2.550000000e+02, v7;
	v3 =	vadd.s32 $0xB5000000, v3  }
0x4b3: {  	v7 =	vmul.f32 $2.550000000e+02, v9;
	v12 =	vadd.s32 $0xB5000000, v5;
	v6 =	vadd.s32 $0xB5000000, v6  }
0x4b4: {  	vm0 =	vgt.s32 v2, $0x0;
	vm1 =	vgt.s32 v3, $0x0;
	v9 =	vadd.f32 $8.388608000e+06, v1  }
0x4b5: {  	v1 =	vnsel vm0, $0x0, v2;
	v2 =	vnsel vm1, $0x0, v3;
	v3 =	vmul.f32 $2.550000000e+02, v8  }
0x4b6: {  	v11 =	vld [tilespmem:s25+$0x0];
	v5 =	vadd.f32 $8.388608000e+06, v7;
	vm0 =	vgt.s32 v10, $0x0;
	v2 =	vmin.u32 v2, $0xFF  }
0x4b7: {  	v7 =	vld [tilespmem:s25+$0xFFFFFF90];
	v10 =	vnsel vm0, $0x0, v10;
	vm0 =	vgt.s32 v6, $0x0;
	v14 =	vadd.f32 $8.388608000e+06, v3  }
0x4b8: {  	v15 =	vld [tilespmem:s25+$0xFFFFFFC0];
	v16 =	vadd.s32 $0xB5000000, v9;
	v3 =	vmin.u32 v10, $0xFF;
	(xrf1) =	vunique.msk.u32 $0xffff, v2;
	v9 =	vadd.s32 $0xB5000000, v5  }
0x4b9: {  	v8 =	vld [tilespmem:s25+$0xFFFFFFD0];
	v5 =	vnsel vm0, $0x0, v6;
	vm0 =	vgt.s32 v9, $0x0;
	v14 =	vadd.s32 $0xB5000000, v14  }
0x4ba: {  	v18 =	vld [tilespmem:s25+$0xFFFFFFF0];
	v5 =	vmin.u32 v5, $0xFF;
	(xrf1) =	vunique.msk.u32 $0xffff, v3;
	v9 =	vnsel vm0, $0x0, v9;
	vm1 =	vgt.s32 v14, $0x0  }
0x4bb: {  	v11 =	vmul.f32 v11, v4;
	v10 =	vld [tilespmem:s25+$0xFFFFFFE0];
	(xrf1) =	vunique.msk.u32 $0xffff, v5;
	v9 =	vmin.u32 v9, $0xFF;
	v14 =	vnsel vm1, $0x0, v14  }
0x4bc: {  	v13 =	vadd.f32 $8.388608000e+06, v13;
	v6 =	vld [tilespmem:s25+$0xFFFFFFB0];
	v17 =	vmul.f32 v7, v4;
	(xrf1) =	vunique.msk.u32 $0xffff, v9;
	v7 =	vmin.u32 v14, $0xFF  }
0x4bd: {  	v15 =	vmul.f32 v15, v4;
	(xrf1) =	vunique.msk.u32 $0xffff, v7  }
0x4be: {  	v11 =	vmul.f32 $2.550000000e+02, v11;
	v13 =	vadd.s32 $0xB5000000, v13;
	v8 =	vmul.f32 v8, v4  }
0x4bf: {  	v1 =	vmin.u32 v1, $0xFF;
	vm0 =	vgt.s32 v12, $0x0;
	v14 =	vmul.f32 $2.550000000e+02, v17  }
0x4c0: {  	v10 =	vmul.f32 v10, v4;
	v8 =	vmul.f32 $2.550000000e+02, v8;
	v17 =	vnsel vm0, $0x0, v12  }
0x4c1: {  	v12 =	vmul.f32 v18, v4;
	v18 =	vmul.f32 v6, v4;
	v14 =	vadd.f32 $8.388608000e+06, v14  }
0x4c2: {  	v6 =	vmin.u32 v17, $0xFF;
	v10 =	vmul.f32 $2.550000000e+02, v10;
	v8 =	vadd.f32 $8.388608000e+06, v8  }
0x4c3: {  	vm0 =	vgt.s32 v16, $0x0;
	v17 =	vmul.f32 $2.550000000e+02, v18;
	(xrf1) =	vunique.msk.u32 $0xffff, v6;
	v19 =	vadd.s32 $0xB5000000, v14  }
0x4c4: {  	(xrf1) =	vunique.msk.u32 $0xffff, v1;
	v14 =	vmul.f32 $2.550000000e+02, v15;
	v10 =	vadd.f32 $8.388608000e+06, v10;
	v18 =	vadd.s32 $0xB5000000, v8  }
0x4c5: {  	v15 =	vadd.f32 $8.388608000e+06, v11;
	v8 =	vnsel vm0, $0x0, v16;
	vm1 =	vgt.s32 v19, $0x0  }
0x4c6: {  	vm2 =	vgt.s32 v18, $0x0;
	v8 =	vmin.u32 v8, $0xFF;
	v14 =	vadd.f32 $8.388608000e+06, v14;
	_, v11, vm0 =	vpop (xrf1)  }
0x4c7: {  	s12 =	simm.s32 $0x8;
	s13 =	simm.s32 $0xBF0;
	v16 =	vnsel vm1, $0x0, v19;
	v18 =	vnsel vm2, $0x0, v18;
	v10 =	vadd.s32 $0xB5000000, v10;
	(xrf1) =	vunique.msk.u32 $0xffff, v8  }
.LBB2_64:
0x4c8: {  	v19 =	vld [tilespmem:s13+$0x0];
	s12 =	sadd.s32 $0x8, s12;
	v16 =	vmin.u32 v16, $0xFF;
	v17 =	vadd.f32 $8.388608000e+06, v17;
	_, v20, vm1 =	vpop (xrf1)  }
0x4c9: {  	v18 =	vmin.u32 v18, $0xFF;
	v12 =	vmul.f32 $2.550000000e+02, v12;
	v11 =	vcvt.s32.f32 v11;
	v21 =	vld [tilespmem:s13+$0xFFFFFFA0];
	p0 =	slt.u32 s12, $0x78;
	_, v22, vm2 =	vpop (xrf1)  }
0x4ca: {  	vm4 =	vgt.s32 v13, $0x0;
	v14 =	vadd.s32 $0xB5000000, v14;
	v23 =	vld [tilespmem:s13+$0xFFFFFF90];
	(xrf1) =	vunique.msk.u32 $0xffff, v18;
	v22 =	vcvt.s32.f32 v22;
	_, v24, vm3 =	vpop (xrf1)  }
0x4cb: {  	v15 =	vadd.s32 $0xB5000000, v15;
	s11 =	simm.s32 $0x4000;
	v13 =	vnsel vm4, $0x0, v13;
	v12 =	vadd.f32 $8.388608000e+06, v12;
	v25 =	vld [tilespmem:s13+$0xFFFFFFD0];
	_, v26, vm4 =	vpop (xrf1)  }
0x4cc: {  	vm5 =	vgt.s32 v15, $0x0;
	v13 =	vmin.u32 v13, $0xFF;
	v24 =	vcvt.s32.f32 v24;
	[tilespmem:v2+s11+$0x0] =	vst.idx.add.f32.msk vm0, v11;
	v2 =	vmovc v18  }
0x4cd: {  	v17 =	vadd.s32 $0xB5000000, v17;
	v15 =	vnsel vm5, $0x0, v15;
	v12 =	vadd.s32 $0xB5000000, v12;
	v11 =	vld [tilespmem:s13+$0xFFFFFFE0]  }
0x4ce: {  	v15 =	vmin.u32 v15, $0xFF;
	vm0 =	vgt.s32 v17, $0x0;
	vm5 =	vgt.s32 v12, $0x0  }
0x4cf: {  	v17 =	vnsel vm0, $0x0, v17;
	v18 =	vmul.f32 v21, v4;
	v12 =	vnsel vm5, $0x0, v12;
	v21 =	vld [tilespmem:s13+$0xFFFFFFB0]  }
0x4d0: {  	v19 =	vmul.f32 v19, v4;
	v28 =	vmin.u32 v17, $0xFF;
	v17 =	vcvt.s32.f32 v26;
	v27 =	vld [tilespmem:s13+$0xFFFFFFC0];
	(xrf1) =	vunique.msk.u32 $0xffff, v13  }
0x4d1: {  	v23 =	vmul.f32 v23, v4;
	v12 =	vmin.u32 v12, $0xFF;
	v25 =	vmul.f32 v25, v4;
	v26 =	vld [tilespmem:s13+$0xFFFFFFF0];
	(xrf1) =	vunique.msk.u32 $0xffff, v15;
	_, v29, vm0 =	vpop (xrf1)  }
0x4d2: {  	v18 =	vmul.f32 $2.550000000e+02, v18;
	v11 =	vmul.f32 v11, v4;
	(xrf1) =	vunique.msk.u32 $0xffff, v28;
	[tilespmem:v7+s11+$0x0] =	vst.idx.add.f32.msk vm4, v17;
	_, v7, vm4 =	vpop (xrf1)  }
0x4d3: {  	v20 =	vcvt.s32.f32 v20;
	vm5 =	vgt.s32 v10, $0x0;
	(xrf1) =	vunique.msk.u32 $0xffff, v12;
	v17 =	vcvt.s32.f32 v7;
	v7 =	vmovc v12  }
0x4d4: {  	v18 =	vadd.f32 $8.388608000e+06, v18;
	v12 =	vmul.f32 $2.550000000e+02, v23;
	v23 =	vmul.f32 $2.550000000e+02, v11;
	[tilespmem:v5+s11+$0x0] =	vst.idx.add.f32.msk vm2, v22;
	v5 =	vmovc v15  }
0x4d5: {  	v10 =	vnsel vm5, $0x0, v10;
	v25 =	vmul.f32 $2.550000000e+02, v25;
	[tilespmem:v9+s11+$0x0] =	vst.idx.add.f32.msk vm3, v24;
	v9 =	vcvt.s32.f32 v29;
	_, v15, vm2 =	vpop (xrf1)  }
0x4d6: {  	v22 =	vadd.f32 $8.388608000e+06, v12;
	v24 =	vmul.f32 v27, v4;
	v12 =	vmul.f32 v26, v4;
	[tilespmem:v3+s11+$0x0] =	vst.idx.add.f32.msk vm1, v20  }
0x4d7: {  	v20 =	vmul.f32 v21, v4;
	v21 =	vadd.f32 $8.388608000e+06, v25;
	v3 =	vmovc v13;
	[tilespmem:v6+s11+$0x0] =	vst.idx.add.f32.msk vm0, v9;
	v6 =	vmin.u32 v10, $0xFF  }
0x4d8: {  	v13 =	vadd.s32 $0xB5000000, v18;
	v18 =	vcvt.s32.f32 v15;
	v10 =	vadd.s32 $0xB5000000, v22;
	_, v11, vm0 =	vpop (xrf1);
	[tilespmem:v1+s11+$0x0] =	vst.idx.add.f32.msk vm4, v17  }
.Ltmp31:
0x4d9: {  	v23 =	vadd.f32 $8.388608000e+06, v23;
	v15 =	vmul.f32 $2.550000000e+02, v19;
	v22 =	vmul.f32 $2.550000000e+02, v24;
	v1 =	vmovc v16;
	(xrf1) =	vunique.msk.u32 $0xffff, v6;
	(pc) =	sbr.rel @p0 .LBB2_64-.Ltmp31, $4  }
0x4da: {  	vm3 =	vgt.s32 v14, $0x0;
	vm1 =	vgt.s32 v10, $0x0;
	v17 =	vmul.f32 $2.550000000e+02, v20;
	v9 =	vmovc v28;
	(xrf1) =	vunique.msk.u32 $0xffff, v1  }
0x4db: {  	v19 =	vadd.s32 $0xB5000000, v21;
	v15 =	vadd.f32 $8.388608000e+06, v15;
	v16 =	vnsel vm3, $0x0, v14;
	[tilespmem:v8+s11+$0x0] =	vst.idx.add.f32.msk vm2, v18  }
0x4dc: {  	v14 =	vadd.f32 $8.388608000e+06, v22;
	vm2 =	vgt.s32 v19, $0x0;
	v8 =	vmin.u32 v16, $0xFF  }
0x4dd: {  	s13 =	sadd.s32 $0x400, s13;
	v16 =	vnsel vm1, $0x0, v10;
	v10 =	vadd.s32 $0xB5000000, v23;
	v18 =	vnsel vm2, $0x0, v19;
	(xrf1) =	vunique.msk.u32 $0xffff, v8  }
0x4de: {  	v4 =	vmul.f32 $2.550000000e+02, v12  }
0x4df: {  	v57 =	vadd.f32 $8.388608000e+06, v17;
	v58 =	vmin.u32 v18, $0xFF;
	vm1 =	vgt.s32 v13, $0x0  }
0x4e0: {  	v15 =	vadd.s32 $0xB5000000, v15;
	v13 =	vnsel vm1, $0x0, v13;
	v4 =	vadd.f32 $8.388608000e+06, v4  }
0x4e1: {  	vm12 =	vgt.s32 v15, $0x0;
	v13 =	vmin.u32 v13, $0xFF;
	v12 =	vadd.s32 $0xB5000000, v57  }
0x4e2: {  	(xrf1) =	vunique.msk.u32 $0xffff, v58;
	v15 =	vnsel vm12, $0x0, v15;
	vm13 =	vgt.s32 v12, $0x0;
	v4 =	vadd.s32 $0xB5000000, v4  }
0x4e3: {  	v15 =	vmin.u32 v15, $0xFF;
	(xrf1) =	vunique.msk.u32 $0xffff, v13;
	v12 =	vnsel vm13, $0x0, v12;
	vm2 =	vgt.s32 v4, $0x0  }
0x4e4: {  	(xrf1) =	vunique.msk.u32 $0xffff, v15;
	v12 =	vmin.u32 v12, $0xFF;
	v4 =	vnsel vm2, $0x0, v4  }
0x4e5: {  	(xrf1) =	vunique.msk.u32 $0xffff, v12;
	v4 =	vmin.u32 v4, $0xFF  }
0x4e6: {  	vm14 =	vgt.s32 v10, $0x0;
	(xrf1) =	vunique.msk.u32 $0xffff, v4  }
0x4e7: {  	v10 =	vnsel vm14, $0x0, v10  }
0x4e8: {  	v14 =	vadd.s32 $0xB5000000, v14;
	v10 =	vmin.u32 v10, $0xFF  }
0x4e9: {  	_, v59, vm15 =	vpop (xrf1);
	vm11 =	vgt.s32 v14, $0x0;
	(xrf1) =	vunique.msk.u32 $0xffff, v10  }
0x4ea: {  	v16 =	vmin.u32 v16, $0xFF;
	_, v19, vm3 =	vpop (xrf1);
	v14 =	vnsel vm11, $0x0, v14  }
0x4eb: {  	_, v20, vm12 =	vpop (xrf1);
	v14 =	vmin.u32 v14, $0xFF;
	(xrf1) =	vunique.msk.u32 $0xffff, v16  }
0x4ec: {  	v11 =	vcvt.s32.f32 v11;
	_, v21, vm4 =	vpop (xrf1);
	(xrf1) =	vunique.msk.u32 $0xffff, v14  }
0x4ed: {  	_, v22, vm5 =	vpop (xrf1)  }
0x4ee: {  	[tilespmem:v2+s11+$0x0] =	vst.idx.add.f32.msk vm0, v11;
	v2 =	vcvt.s32.f32 v19;
	_, v23, vm6 =	vpop (xrf1)  }
0x4ef: {  	_, v24, vm7 =	vpop (xrf1)  }
0x4f0: {  	[tilespmem:v5+s11+$0x0] =	vst.idx.add.f32.msk vm3, v2;
	v2 =	vcvt.s32.f32 v59;
	_, v25, vm8 =	vpop (xrf1)  }
0x4f1: {  	v60 =	vcvt.s32.f32 v20;
	_, v11, vm0 =	vpop (xrf1)  }
0x4f2: {  	[tilespmem:v3+s11+$0x0] =	vst.idx.add.f32.msk vm15, v2;
	v2 =	vcvt.s32.f32 v23;
	v3 =	vcvt.s32.f32 v24;
	_, v61, vm13 =	vpop (xrf1)  }
0x4f3: {  	[tilespmem:v9+s11+$0x0] =	vst.idx.add.f32.msk vm12, v60;
	_, v5, vm3 =	vpop (xrf1)  }
0x4f4: {  	v21 =	vcvt.s32.f32 v21;
	[tilespmem:v1+s11+$0x0] =	vst.idx.add.f32.msk vm6, v2;
	v1 =	vcvt.s32.f32 v25;
	_, v9, vm2 =	vpop (xrf1)  }
0x4f5: {  	v2 =	vcvt.s32.f32 v9  }
0x4f6: {  	[tilespmem:v7+s11+$0x0] =	vst.idx.add.f32.msk vm4, v21;
	v62 =	vcvt.s32.f32 v22  }
0x4f7: {  	[tilespmem:v8+s11+$0x0] =	vst.idx.add.f32.msk vm7, v3;
	_, v3, vm14 =	vpop (xrf1)  }
0x4f8: {  	[tilespmem:v6+s11+$0x0] =	vst.idx.add.f32.msk vm5, v62  }
0x4f9: {  	v63 =	vcvt.s32.f32 v61;
	[tilespmem:v58+s11+$0x0] =	vst.idx.add.f32.msk vm8, v1;
	_, v1, vm15 =	vpop (xrf1)  }
0x4fa: {  	v5 =	vcvt.s32.f32 v5;
	[tilespmem:v4+s11+$0x0] =	vst.idx.add.f32.msk vm2, v2;
	_, v2, vm2 =	vpop (xrf1)  }
0x4fb: {  	[tilespmem:v15+s11+$0x0] =	vst.idx.add.f32.msk vm13, v63;
	v3 =	vcvt.s32.f32 v3  }
0x4fc: {  	[tilespmem:v12+s11+$0x0] =	vst.idx.add.f32.msk vm3, v5;
	v4 =	vcvt.s32.f32 v11  }
0x4fd: {  	v1 =	vcvt.s32.f32 v1;
	[tilespmem:v10+s11+$0x0] =	vst.idx.add.f32.msk vm14, v3  }
0x4fe: {  	v2 =	vcvt.s32.f32 v2;
	[tilespmem:v13+s11+$0x0] =	vst.idx.add.f32.msk vm0, v4  }
0x4ff: {  	s12 =	simm.s32 $0x0;
	[tilespmem:v16+s11+$0x0] =	vst.idx.add.f32.msk vm15, v1  }
0x500: {  	p0 =	por $0x0, $0x0;
	s13 =	simm.s32 $0x1;
	s14 =	sand.u32 $0xC0, s12;
	[tilespmem:v14+s11+$0x0] =	vst.idx.add.f32.msk vm2, v2  }
0x501: {  	s13 =	simm.s32 @!p0 $0x0;
	v3 =	vld [tilespmem:s14+$0x4030]  }
0x502: {  	s13 =	sshll.u32 s13, $0x6  }
0x503: {  	s15 =	sadd.s32 $0x0, s13;
	v2 =	vld [tilespmem:s14+$0x4010]  }
0x504: {  	s16 =	sadd.s32 $0x30, s15  }
0x505: {  	s19 =	sor.u32 s12, s12;
	s17 =	sadd.s32 $0x10, s15;
	s16 =	sor.u32 $0x380, s16;
	v1 =	vld [tilespmem:s14+$0x4020]  }
0x506: {  	s13 =	simm.s32 $0x0;
	s15 =	sadd.s32 $0x20, s15;
	s18 =	sor.u32 $0x380, s17;
	[tilespmem:s16+$0x4100] =	vst v3  }
0x507: {  	s17 =	sor.u32 $0x380, s15;
	s15 =	sor.u32 $0x380, s19;
	v3 =	vld [tilespmem:s11+$0x0];
	s16 =	simm.s32 $0x40;
	[tilespmem:s14+$0x4030] =	vst v0  }
.LBB2_66:
0x508: {  	s19 =	sand.u32 $0xC0, s16;
	[tilespmem:s18+$0x4100] =	vst v2;
	p0 =	por !p0, !p0;
	s18 =	simm.s32 $0x1  }
0x509: {  	s13 =	sadd.s32 $0x4, s13;
	s18 =	simm.s32 @!p0 $0x0;
	v4 =	vld [tilespmem:s19+$0x4030];
	[tilespmem:s14+$0x4010] =	vst v0  }
0x50a: {  	s12 =	sadd.s32 $0x200, s12;
	p1 =	slt.u32 s13, $0xC;
	s18 =	sshll.u32 s18, $0x6;
	v2 =	vld [tilespmem:s19+$0x4010];
	[tilespmem:s17+$0x4100] =	vst v1  }
.Ltmp32:
0x50b: {  	s20 =	sor.u32 s16, s12;
	s17 =	sadd.s32 s18, s12;
	v1 =	vld [tilespmem:s19+$0x4020];
	[tilespmem:s14+$0x4020] =	vst v0;
	(pc) =	sbr.rel @p1 .LBB2_66-.Ltmp32, $4  }
0x50c: {  	s14 =	sadd.s32 $0x10, s17;
	s21 =	sadd.s32 $0x20, s17;
	s22 =	sadd.s32 $0x30, s17;
	[tilespmem:s15+$0x4100] =	vst v3  }
0x50d: {  	s18 =	sor.u32 $0x380, s14;
	s17 =	sor.u32 $0x380, s21;
	s14 =	sor.u32 $0x380, s22;
	[tilespmem:s11+$0x0] =	vst v0  }
0x50e: {  	s15 =	sor.u32 $0x380, s20;
	s11 =	sadd.s32 $0x40, s11;
	[tilespmem:s14+$0x4100] =	vst v4;
	s14 =	smov.u32 s19  }
0x50f: {  	s16 =	sadd.s32 $0x40, s16;
	v3 =	vld [tilespmem:s11+$0x0];
	[tilespmem:s14+$0x4030] =	vst v0  }
0x510: {  	[tilespmem:s18+$0x4100] =	vst v2  }
0x511: {  	[tilespmem:s17+$0x4100] =	vst v1  }
0x512: {  	[tilespmem:s14+$0x4010] =	vst v0  }
0x513: {  	[tilespmem:s14+$0x4020] =	vst v0  }
0x514: {  	[tilespmem:s15+$0x4100] =	vst v3  }
0x515: {  	[tilespmem:s11+$0x0] =	vst v0  }
0x516: {  	s12 =	simm.s32 $0x4100;
	s11 =	rddreg [dreg:$0x4]  }
0x517: {  	[hbm4b:s11+s2] =	stream.linear.scatter [tilespmem:s12], [sflag:$0x3], $0x800, $0x38;
	[tilespmem:$0x4900] =	vst v63  }
0x518: {  	_ =	swait.ge [sflag:s9], $0x800  }
0x519: {  	s10 =	sadd.s32 $0x1, s10;
	s25 =	rddreg [dreg:$0x5]  }
0x51a: {  	p0 =	sne.s32 s10, s25  }
.Ltmp33:
0x51b: {  	_ = 	snop;
	(pc) =	sbr.rel @p0 .LBB2_1-.Ltmp33, $3  }
0x51c: {  	_ =	sdelay $0x1  }
0x51d: {  	[sflag:s9] =	ssyncset.done $0x0  }
0x51e: {  	[sflag:s9] =	ssyncadd.s32 $0xFFFFF800  }
0x51f: {  	_ =	sfence.sel $0x180000  }
0x520: {  	[bflag:$0x0] =	sbarrier.arrive $0xFFFF  }
0x521: {  	_ =	strace $0x90000047  }
0x522: {  	s0 =	stileid.u32;
	[bflag:$0x2] =	sbarrier.arrive $0xFFFF  }
0x523: {  	p0 =	sne.s32 s0, $0x0;
	s0 =	rddreg [dreg:$0x1]  }
0x524: {  	s0 =	sadd.s32 @!p0 $0x100000, s0  }
0x525: {  	[sflag:s0] =	ssyncadd.tile.s32 @!p0 $0x1;
	_ =	shalt  }
.Lfunc_end2:
_tile_overlayer_lowered:
.L_overlay_start_2:
0x526: {  	(tag) =	ssettag $0x2  }
0x527: {  	s0 =	rddreg [dreg:$0x0];
	s2 =	stileid.u32  }
0x528: {  	s1 =	rddreg [dreg:$0x1];
	p0 =	sne.s32 s2, $0x0  }
0x529: {  	s3 =	rddreg [dreg:$0x2];
	[bflag:$0x3] =	sbarrier.arrive $0xFFFF;
	s2 =	simm.s32 @!p0 $0x1C03  }
0x52a: {  	[timem:s3], [sflag:s2] =	dma.local @!p0 [hbm:s0], s1  }
0x52b: {  	s0 =	simm.s32 @!p0 $0x3  }
0x52c: {  	_ =	swait.ge @!p0 [sflag:s0], s1  }
0x52d: {  	s1 =	ssub.s32 @!p0 $0x0, s1;
	[sflag:s0] =	ssyncset.done @!p0 $0x0  }
0x52e: {  	[sflag:s0] =	ssyncadd.s32 @!p0 s1  }
0x52f: {  	[bflag:$0x3] =	sbarrier.arrive $0xFFFF  }
0x530: {  	_ =	shalt  }

</sc_bundles>
